<compile_context>
chip_gen: v7x
topology: tpu7x:2x2x1
jax: 0.10.2.dev20260603
libtpu: 0.0.44.dev20260713+nightly
codegen_flags: <defaults>
</compile_context>

<pallas_src>
import functools

import jax
import jax.numpy as jnp
from jax import lax
from jax.experimental import pallas as pl
from jax.experimental.pallas import tpu as pltpu
from jax.experimental.pallas import tpu_sc as plsc

N, E, D = 10000, 320000, 128
NC, NS = 2, 16
NW = NC * NS
EPW = E // NW
C = 80
NCHUNK = EPW // C
NP = 10240
K = 4
KI = 2 * K
NROUND = NCHUNK // KI

_mesh = plsc.VectorSubcoreMesh(core_axis_name="c", subcore_axis_name="s")


def _sc_agg(h, ei_flat, zrows):

    @functools.partial(
        pl.kernel,
        out_type=jax.ShapeDtypeStruct((NC, NP, D), jnp.float32),
        mesh=_mesh,
        scratch_types=(
            [pltpu.VMEM((C,), jnp.int32)] * KI
            + [pltpu.VMEM((C,), jnp.int32)] * KI
            + [pltpu.VMEM((C, D), jnp.float32)] * K
            + [pltpu.VMEM_SHARED((NP, D), jnp.float32)]
            + [pltpu.SemaphoreType.DMA] * (1 + KI + 2 * K)
        ),
    )
    def k(h_hbm, ei_hbm, z_hbm, out_hbm, *refs):
        S = refs[0:KI]
        Dd = refs[KI:2 * KI]
        R = refs[2 * KI:2 * KI + K]
        agg_sh = refs[2 * KI + K]
        gz = refs[2 * KI + K + 1]
        base_sem = 2 * KI + K + 2
        I = refs[base_sem:base_sem + KI]
        G = refs[base_sem + KI:base_sem + KI + K]
        T = refs[base_sem + KI + K:base_sem + KI + 2 * K]

        cid = lax.axis_index("c")
        sid = lax.axis_index("s")
        wid = sid * NC + cid
        base_w = wid * EPW

        @pl.when(sid == 0)
        def _():
            pltpu.async_copy(z_hbm, agg_sh, gz)
            pltpu.make_async_copy(z_hbm, agg_sh, gz).wait()

        plsc.subcore_barrier()

        def fire_idx(cb, i):
            pltpu.async_copy(ei_hbm.at[pl.ds(base_w + cb, C)], S[i], I[i])
            pltpu.async_copy(ei_hbm.at[pl.ds(E + base_w + cb, C)], Dd[i], I[i])

        def wait_idx(cb, i):
            pltpu.make_async_copy(ei_hbm.at[pl.ds(base_w + cb, C)], S[i],
                                  I[i]).wait()
            pltpu.make_async_copy(ei_hbm.at[pl.ds(E + base_w + cb, C)], Dd[i],
                                  I[i]).wait()

        def start_gather(i, r):
            pltpu.async_copy(h_hbm.at[S[i]], R[r], G[r])

        def wait_gather(i, r):
            pltpu.make_async_copy(h_hbm.at[S[i]], R[r], G[r]).wait()

        def start_scatter(i, r):
            pltpu.async_copy(R[r], agg_sh.at[Dd[i]], T[r], add=True)

        def wait_scatter(i, r):
            pltpu.make_async_copy(R[r], agg_sh.at[Dd[i]], T[r]).wait()

        for i in range(K):
            fire_idx(i * C, i)

        @pl.loop(0, NROUND)
        def _round(rnd):
            cbase = rnd * (KI * C)
            for u in range(KI):
                r = u % K
                ipk = (u + K) % KI
                im1 = (u - 1) % KI
                rm1 = (u - 1) % K

                if u >= K:
                    wait_scatter(ipk, r)
                else:
                    @pl.when(rnd > 0)
                    def _(ipk=ipk, r=r):
                        wait_scatter(ipk, r)

                fire_idx(cbase + (u + K) * C, ipk)
                wait_idx(cbase + u * C, u)
                start_gather(u, r)

                if u == 0:
                    @pl.when(rnd > 0)
                    def _(im1=im1, rm1=rm1):
                        wait_gather(im1, rm1)
                        start_scatter(im1, rm1)
                else:
                    wait_gather(im1, rm1)
                    start_scatter(im1, rm1)

        EB = NROUND * KI * C
        for e in range(NCHUNK - NROUND * KI):
            r = e % K
            i = e % KI
            ipk = (e + K) % KI
            wait_scatter(ipk, r)
            if e == 0:
                fire_idx(EB + (e + K) * C, ipk)
            wait_idx(EB + e * C, i)
            start_gather(i, r)
            im1 = (e - 1) % KI if e > 0 else (NROUND * KI - 1) % KI
            rm1 = (e - 1) % K
            wait_gather(im1, rm1)
            start_scatter(im1, rm1)

        wait_gather(4, 0)
        start_scatter(4, 0)
        wait_scatter(1, 1)
        wait_scatter(2, 2)
        wait_scatter(3, 3)
        wait_scatter(4, 0)

        plsc.subcore_barrier()

        @pl.when(sid == 0)
        def _():
            pltpu.sync_copy(agg_sh, out_hbm.at[cid])

    return k(h, ei_flat, zrows)


BN = 2000


def _leaky(v):
    return jnp.where(v > 0, v, 0.2 * v)


def _dot_wT(z, w):
    return lax.dot_general(z, w, (((1,), (1,)), ((), ())),
                           preferred_element_type=jnp.float32,
                           precision=lax.Precision.DEFAULT)


def _mlp_body(h_ref, agg_ref, wa_ref, ba_ref, wb_ref, bb_ref, o_ref):
    z = h_ref[...] + agg_ref[0] + agg_ref[1]
    z = _leaky(_dot_wT(z, wa_ref[...]) + ba_ref[...])
    z = _leaky(_dot_wT(z, wb_ref[...]) + bb_ref[...])
    o_ref[...] = z


def _tc_mlp(h, agg, waT, ba, wbT, bb):
    return pl.pallas_call(
        _mlp_body,
        grid=(N // BN,),
        in_specs=[
            pl.BlockSpec((BN, D), lambda i: (i, 0)),
            pl.BlockSpec((NC, BN, D), lambda i: (0, i, 0)),
            pl.BlockSpec((D, D), lambda i: (0, 0)),
            pl.BlockSpec((1, D), lambda i: (0, 0)),
            pl.BlockSpec((D, D), lambda i: (0, 0)),
            pl.BlockSpec((1, D), lambda i: (0, 0)),
        ],
        out_specs=pl.BlockSpec((BN, D), lambda i: (i, 0)),
        out_shape=jax.ShapeDtypeStruct((N, D), jnp.float32),
    )(h, agg, waT, ba, wbT, bb)


def _final_body(h_ref, agg_ref, wa_ref, ba_ref, wb_ref, bb_ref, w3_ref, b3_ref,
                o_ref):
    z = h_ref[...] + agg_ref[0] + agg_ref[1]
    z = _leaky(_dot_wT(z, wa_ref[...]) + ba_ref[...])
    z = _leaky(_dot_wT(z, wb_ref[...]) + bb_ref[...])
    o_ref[...] = jnp.sum(z * w3_ref[...], axis=1, keepdims=True) + b3_ref[...]


def _tc_final(h, agg, waT, ba, wbT, bb, w3, b3):
    return pl.pallas_call(
        _final_body,
        grid=(N // BN,),
        in_specs=[
            pl.BlockSpec((BN, D), lambda i: (i, 0)),
            pl.BlockSpec((NC, BN, D), lambda i: (0, i, 0)),
            pl.BlockSpec((D, D), lambda i: (0, 0)),
            pl.BlockSpec((1, D), lambda i: (0, 0)),
            pl.BlockSpec((D, D), lambda i: (0, 0)),
            pl.BlockSpec((1, D), lambda i: (0, 0)),
            pl.BlockSpec((1, D), lambda i: (0, 0)),
            pl.BlockSpec((1, 1), lambda i: (0, 0)),
        ],
        out_specs=pl.BlockSpec((BN, 1), lambda i: (i, 0)),
        out_shape=jax.ShapeDtypeStruct((N, 1), jnp.float32),
    )(h, agg, waT, ba, wbT, bb, w3, b3)


def kernel(x, adj, edge_index, W1a, b1a, W1b, b1b, W2a, b2a, W2b, b2b, W3, b3):
    z0 = jnp.zeros((NP, D), jnp.float32)
    ei = edge_index.reshape(2 * E)
    agg1 = _sc_agg(x, ei, z0)
    h1 = _tc_mlp(x, agg1, W1a, b1a.reshape(1, D), W1b, b1b.reshape(1, D))
    agg2 = _sc_agg(h1, ei, z0)
    return _tc_final(h1, agg2, W2a, b2a.reshape(1, D), W2b, b2b.reshape(1, D),
                     W3, b3.reshape(1, 1))

# --- scband reference (transcript-rebuilt; emitter-appended) ---
"""Pipeline reference for scband-gin-regression-87282325390050 (READ-ONLY COPY).

The authoritative reference and input builder live on the scoring server;
editing this copy changes nothing except your own understanding.
"""

import jax, jax.numpy as jnp
import numpy as np

N, E, D = 10000, 320000, 128

def _lin_w(k, fan_in, fan_out):
    return (jax.random.normal(k, (fan_out, fan_in), dtype=jnp.float32) * (1.0 / np.sqrt(fan_in)))

def setup_inputs(seed: int = 0):
    key = jax.random.key(seed)
    ks = jax.random.split(key, 8)
    x = jax.random.normal(ks[0], (N, D), dtype=jnp.float32)
    adj = jnp.zeros((1,), dtype=jnp.float32)  # unused by forward, kept for signature parity
    edge_index = jax.random.randint(ks[1], (2, E), 0, N, dtype=jnp.int32)
    W1a = _lin_w(ks[2], D, D); b1a = jnp.zeros((D,), dtype=jnp.float32)
    W1b = _lin_w(ks[3], D, D); b1b = jnp.zeros((D,), dtype=jnp.float32)
    W2a = _lin_w(ks[4], D, D); b2a = jnp.zeros((D,), dtype=jnp.float32)
    W2b = _lin_w(ks[5], D, D); b2b = jnp.zeros((D,), dtype=jnp.float32)
    W3 = _lin_w(ks[6], D, 1); b3 = jnp.zeros((1,), dtype=jnp.float32)
    return {"x": x, "adj": adj, "edge_index": edge_index,
            "W1a": W1a, "b1a": b1a, "W1b": W1b, "b1b": b1b,
            "W2a": W2a, "b2a": b2a, "W2b": W2b, "b2b": b2b,
            "W3": W3, "b3": b3}

def _gin_conv(h, edge_index, Wa, ba, Wb, bb, alpha=0.2):
    # GINConv with eps=0: out = MLP((1+eps)*x + sum_{j in N(i)} x_j)
    src = edge_index[0]
    dst = edge_index[1]
    msgs = jnp.take(h, src, axis=0)              # gather (SparseCore-friendly)
    agg = jnp.zeros_like(h).at[dst].add(msgs)    # scatter-add
    z = h + agg
    z = jax.nn.leaky_relu(z @ Wa.T + ba, alpha)
    z = jax.nn.leaky_relu(z @ Wb.T + bb, alpha)
    return z

def reference(x, adj, edge_index, W1a, b1a, W1b, b1b, W2a, b2a, W2b, b2b, W3, b3):
    # adj is unused in the original forward; dropout is identity in eval mode
    h = _gin_conv(x, edge_index, W1a, b1a, W1b, b1b)
    h = _gin_conv(h, edge_index, W2a, b2a, W2b, b2b)
    out = h @ W3.T + b3
    return out

if __name__ == "__main__":
    import jax
    _d = setup_inputs()
    print(jax.jit(kernel)(*tuple(_d.values())))

</pallas_src>

<mosaic_0001>
#map = affine_map<(d0, d1) -> (0, 0)>
#map1 = affine_map<(d0, d1) -> (0)>
#map2 = affine_map<(d0, d1) -> (0, 0, 0)>
module attributes {stable_mosaic.version = 14 : i64} {
  func.func @k(%arg0: i32, %arg1: i32, %arg2: memref<10000x128xf32, #tpu.memory_space<hbm>>, %arg3: memref<640000xi32, #tpu.memory_space<hbm>>, %arg4: memref<10240x128xf32, #tpu.memory_space<hbm>>, %arg5: memref<2x10240x128xf32, #tpu.memory_space<hbm>>, %arg6: memref<80xi32, #tpu.memory_space<vmem>>, %arg7: memref<80xi32, #tpu.memory_space<vmem>>, %arg8: memref<80xi32, #tpu.memory_space<vmem>>, %arg9: memref<80xi32, #tpu.memory_space<vmem>>, %arg10: memref<80xi32, #tpu.memory_space<vmem>>, %arg11: memref<80xi32, #tpu.memory_space<vmem>>, %arg12: memref<80xi32, #tpu.memory_space<vmem>>, %arg13: memref<80xi32, #tpu.memory_space<vmem>>, %arg14: memref<80xi32, #tpu.memory_space<vmem>>, %arg15: memref<80xi32, #tpu.memory_space<vmem>>, %arg16: memref<80xi32, #tpu.memory_space<vmem>>, %arg17: memref<80xi32, #tpu.memory_space<vmem>>, %arg18: memref<80xi32, #tpu.memory_space<vmem>>, %arg19: memref<80xi32, #tpu.memory_space<vmem>>, %arg20: memref<80xi32, #tpu.memory_space<vmem>>, %arg21: memref<80xi32, #tpu.memory_space<vmem>>, %arg22: memref<80x128xf32, #tpu.memory_space<vmem>>, %arg23: memref<80x128xf32, #tpu.memory_space<vmem>>, %arg24: memref<80x128xf32, #tpu.memory_space<vmem>>, %arg25: memref<80x128xf32, #tpu.memory_space<vmem>>, %arg26: memref<10240x128xf32, #tpu.memory_space<vmem_shared>>, %arg27: memref<!tpu.dma_semaphore, #tpu.memory_space<semaphore_mem>>, %arg28: memref<!tpu.dma_semaphore, #tpu.memory_space<semaphore_mem>>, %arg29: memref<!tpu.dma_semaphore, #tpu.memory_space<semaphore_mem>>, %arg30: memref<!tpu.dma_semaphore, #tpu.memory_space<semaphore_mem>>, %arg31: memref<!tpu.dma_semaphore, #tpu.memory_space<semaphore_mem>>, %arg32: memref<!tpu.dma_semaphore, #tpu.memory_space<semaphore_mem>>, %arg33: memref<!tpu.dma_semaphore, #tpu.memory_space<semaphore_mem>>, %arg34: memref<!tpu.dma_semaphore, #tpu.memory_space<semaphore_mem>>, %arg35: memref<!tpu.dma_semaphore, #tpu.memory_space<semaphore_mem>>, %arg36: memref<!tpu.dma_semaphore, #tpu.memory_space<semaphore_mem>>, %arg37: memref<!tpu.dma_semaphore, #tpu.memory_space<semaphore_mem>>, %arg38: memref<!tpu.dma_semaphore, #tpu.memory_space<semaphore_mem>>, %arg39: memref<!tpu.dma_semaphore, #tpu.memory_space<semaphore_mem>>, %arg40: memref<!tpu.dma_semaphore, #tpu.memory_space<semaphore_mem>>, %arg41: memref<!tpu.dma_semaphore, #tpu.memory_space<semaphore_mem>>, %arg42: memref<!tpu.dma_semaphore, #tpu.memory_space<semaphore_mem>>, %arg43: memref<!tpu.dma_semaphore, #tpu.memory_space<semaphore_mem>>) attributes {dimension_semantics = [#tpu.dimension_semantics<core_parallel>, #tpu.dimension_semantics<subcore_parallel>], iteration_bounds = array<i64: 2, 16>, scalar_prefetch = 0 : i64, scratch_operands = 38 : i64, tpu.core_type = #tpu.core_type<sc_vector_subcore>, window_params = [{transform_indices = #map}, {transform_indices = #map1}, {transform_indices = #map}, {transform_indices = #map2}]} {
    %mul3A = arith.constant 2 : i32
    %mul3A_0 = arith.muli %arg1, %mul3A : i32
    %add3A = arith.addi %mul3A_0, %arg0 : i32
    %mul3A_1 = arith.constant 10000 : i32
    %mul3A_2 = arith.muli %add3A, %mul3A_1 : i32
    %eq3A = arith.constant 0 : i32
    %eq3A_3 = arith.cmpi eq, %arg1, %eq3A : i32
    %convert_element_type3A = arith.extui %eq3A_3 : i1 to i32
    %cond3A = arith.constant 0 : i32
    %cond3A_4 = arith.cmpi ne, %convert_element_type3A, %cond3A : i32
    scf.if %cond3A_4 {
      tpu.enqueue_dma source(%arg4 : memref<10240x128xf32, #tpu.memory_space<hbm>>) target(%arg26 : memref<10240x128xf32, #tpu.memory_space<vmem_shared>>) target_semaphore(%arg27 : memref<!tpu.dma_semaphore, #tpu.memory_space<semaphore_mem>>)
      tpu.wait_dma2 semaphore(%arg27 : memref<!tpu.dma_semaphore, #tpu.memory_space<semaphore_mem>>) src(%arg4 : memref<10240x128xf32, #tpu.memory_space<hbm>>) dst(%arg26 : memref<10240x128xf32, #tpu.memory_space<vmem_shared>>)
    } else {
    }
    %barrier3A = arith.constant 0 : index
    tpu.barrier barrier_id(%barrier3A)
    %add3A_5 = arith.constant 0 : i32
    %add3A_6 = arith.addi %mul3A_2, %add3A_5 : i32
    %dma_start3A = tpu.memref_slice %arg3[%add3A_6] : memref<640000xi32, #tpu.memory_space<hbm>> -> memref<80xi32, #tpu.memory_space<hbm>>
    %dma_start3A_7 = tpu.memref_slice %arg3[%add3A_6] : memref<640000xi32, #tpu.memory_space<hbm>> -> memref<80xi32, #tpu.memory_space<hbm>>
    tpu.enqueue_dma source(%dma_start3A_7 : memref<80xi32, #tpu.memory_space<hbm>>) target(%arg6 : memref<80xi32, #tpu.memory_space<vmem>>) target_semaphore(%arg28 : memref<!tpu.dma_semaphore, #tpu.memory_space<semaphore_mem>>)
    %add3A_8 = arith.constant 320000 : i32
    %add3A_9 = arith.addi %add3A_8, %mul3A_2 : i32
    %add3A_10 = arith.constant 0 : i32
    %add3A_11 = arith.addi %add3A_9, %add3A_10 : i32
    %dma_start3A_12 = tpu.memref_slice %arg3[%add3A_11] : memref<640000xi32, #tpu.memory_space<hbm>> -> memref<80xi32, #tpu.memory_space<hbm>>
    %dma_start3A_13 = tpu.memref_slice %arg3[%add3A_11] : memref<640000xi32, #tpu.memory_space<hbm>> -> memref<80xi32, #tpu.memory_space<hbm>>
    tpu.enqueue_dma source(%dma_start3A_13 : memref<80xi32, #tpu.memory_space<hbm>>) target(%arg14 : memref<80xi32, #tpu.memory_space<vmem>>) target_semaphore(%arg28 : memref<!tpu.dma_semaphore, #tpu.memory_space<semaphore_mem>>)
    %add3A_14 = arith.constant 80 : i32
    %add3A_15 = arith.addi %mul3A_2, %add3A_14 : i32
    %dma_start3A_16 = tpu.memref_slice %arg3[%add3A_15] : memref<640000xi32, #tpu.memory_space<hbm>> -> memref<80xi32, #tpu.memory_space<hbm>>
    %dma_start3A_17 = tpu.memref_slice %arg3[%add3A_15] : memref<640000xi32, #tpu.memory_space<hbm>> -> memref<80xi32, #tpu.memory_space<hbm>>
    tpu.enqueue_dma source(%dma_start3A_17 : memref<80xi32, #tpu.memory_space<hbm>>) target(%arg7 : memref<80xi32, #tpu.memory_space<vmem>>) target_semaphore(%arg29 : memref<!tpu.dma_semaphore, #tpu.memory_space<semaphore_mem>>)
    %add3A_18 = arith.constant 320000 : i32
    %add3A_19 = arith.addi %add3A_18, %mul3A_2 : i32
    %add3A_20 = arith.constant 80 : i32
    %add3A_21 = arith.addi %add3A_19, %add3A_20 : i32
    %dma_start3A_22 = tpu.memref_slice %arg3[%add3A_21] : memref<640000xi32, #tpu.memory_space<hbm>> -> memref<80xi32, #tpu.memory_space<hbm>>
    %dma_start3A_23 = tpu.memref_slice %arg3[%add3A_21] : memref<640000xi32, #tpu.memory_space<hbm>> -> memref<80xi32, #tpu.memory_space<hbm>>
    tpu.enqueue_dma source(%dma_start3A_23 : memref<80xi32, #tpu.memory_space<hbm>>) target(%arg15 : memref<80xi32, #tpu.memory_space<vmem>>) target_semaphore(%arg29 : memref<!tpu.dma_semaphore, #tpu.memory_space<semaphore_mem>>)
    %add3A_24 = arith.constant 160 : i32
    %add3A_25 = arith.addi %mul3A_2, %add3A_24 : i32
    %dma_start3A_26 = tpu.memref_slice %arg3[%add3A_25] : memref<640000xi32, #tpu.memory_space<hbm>> -> memref<80xi32, #tpu.memory_space<hbm>>
    %dma_start3A_27 = tpu.memref_slice %arg3[%add3A_25] : memref<640000xi32, #tpu.memory_space<hbm>> -> memref<80xi32, #tpu.memory_space<hbm>>
    tpu.enqueue_dma source(%dma_start3A_27 : memref<80xi32, #tpu.memory_space<hbm>>) target(%arg8 : memref<80xi32, #tpu.memory_space<vmem>>) target_semaphore(%arg30 : memref<!tpu.dma_semaphore, #tpu.memory_space<semaphore_mem>>)
    %add3A_28 = arith.constant 320000 : i32
    %add3A_29 = arith.addi %add3A_28, %mul3A_2 : i32
    %add3A_30 = arith.constant 160 : i32
    %add3A_31 = arith.addi %add3A_29, %add3A_30 : i32
    %dma_start3A_32 = tpu.memref_slice %arg3[%add3A_31] : memref<640000xi32, #tpu.memory_space<hbm>> -> memref<80xi32, #tpu.memory_space<hbm>>
    %dma_start3A_33 = tpu.memref_slice %arg3[%add3A_31] : memref<640000xi32, #tpu.memory_space<hbm>> -> memref<80xi32, #tpu.memory_space<hbm>>
    tpu.enqueue_dma source(%dma_start3A_33 : memref<80xi32, #tpu.memory_space<hbm>>) target(%arg16 : memref<80xi32, #tpu.memory_space<vmem>>) target_semaphore(%arg30 : memref<!tpu.dma_semaphore, #tpu.memory_space<semaphore_mem>>)
    %add3A_34 = arith.constant 240 : i32
    %add3A_35 = arith.addi %mul3A_2, %add3A_34 : i32
    %dma_start3A_36 = tpu.memref_slice %arg3[%add3A_35] : memref<640000xi32, #tpu.memory_space<hbm>> -> memref<80xi32, #tpu.memory_space<hbm>>
    %dma_start3A_37 = tpu.memref_slice %arg3[%add3A_35] : memref<640000xi32, #tpu.memory_space<hbm>> -> memref<80xi32, #tpu.memory_space<hbm>>
    tpu.enqueue_dma source(%dma_start3A_37 : memref<80xi32, #tpu.memory_space<hbm>>) target(%arg9 : memref<80xi32, #tpu.memory_space<vmem>>) target_semaphore(%arg31 : memref<!tpu.dma_semaphore, #tpu.memory_space<semaphore_mem>>)
    %add3A_38 = arith.constant 320000 : i32
    %add3A_39 = arith.addi %add3A_38, %mul3A_2 : i32
    %add3A_40 = arith.constant 240 : i32
    %add3A_41 = arith.addi %add3A_39, %add3A_40 : i32
    %dma_start3A_42 = tpu.memref_slice %arg3[%add3A_41] : memref<640000xi32, #tpu.memory_space<hbm>> -> memref<80xi32, #tpu.memory_space<hbm>>
    %dma_start3A_43 = tpu.memref_slice %arg3[%add3A_41] : memref<640000xi32, #tpu.memory_space<hbm>> -> memref<80xi32, #tpu.memory_space<hbm>>
    tpu.enqueue_dma source(%dma_start3A_43 : memref<80xi32, #tpu.memory_space<hbm>>) target(%arg17 : memref<80xi32, #tpu.memory_space<vmem>>) target_semaphore(%arg31 : memref<!tpu.dma_semaphore, #tpu.memory_space<semaphore_mem>>)
    %scan3A = arith.constant 0 : i32
    %scan3A_44 = arith.constant 15 : i32
    %scan3A_45 = arith.addi %scan3A, %scan3A_44 : i32
    %scan3A_46 = arith.constant 1 : i32
    scf.for %scan3A_191 = %scan3A to %scan3A_45 step %scan3A_46  : i32 {
      %mul3A_192 = arith.constant 1 : i32
      %mul3A_193 = arith.muli %scan3A_191, %mul3A_192 : i32
      %add3A_194 = arith.constant 0 : i32
      %add3A_195 = arith.addi %add3A_194, %mul3A_193 : i32
      %mul3A_196 = arith.constant 640 : i32
      %mul3A_197 = arith.muli %add3A_195, %mul3A_196 : i32
      %gt3A = arith.constant 0 : i32
      %gt3A_198 = arith.cmpi sgt, %add3A_195, %gt3A : i32
      %convert_element_type3A_199 = arith.extui %gt3A_198 : i1 to i32
      %cond3A_200 = arith.constant 0 : i32
      %cond3A_201 = arith.cmpi ne, %convert_element_type3A_199, %cond3A_200 : i32
      scf.if %cond3A_201 {
        %dma_wait3A_460 = arith.constant 0 : i32
        %dma_wait3A_461 = arith.constant 0 : i32
        %dma_wait3A_462 = tpu.memref_slice %arg26[%dma_wait3A_460, %dma_wait3A_461] : memref<10240x128xf32, #tpu.memory_space<vmem_shared>> -> memref<10240x128xf32, #tpu.memory_space<vmem_shared>>
        tpu.wait_indirect_dma semaphore(%arg40 : memref<!tpu.dma_semaphore, #tpu.memory_space<semaphore_mem>>) src(%arg22 : memref<80x128xf32, #tpu.memory_space<vmem>>) dst(%dma_wait3A_462 : memref<10240x128xf32, #tpu.memory_space<vmem_shared>>)
      } else {
      }
      %add3A_202 = arith.constant 320 : i32
      %add3A_203 = arith.addi %mul3A_197, %add3A_202 : i32
      %add3A_204 = arith.addi %mul3A_2, %add3A_203 : i32
      %dma_start3A_205 = tpu.memref_slice %arg3[%add3A_204] : memref<640000xi32, #tpu.memory_space<hbm>> -> memref<80xi32, #tpu.memory_space<hbm>>
      %dma_start3A_206 = tpu.memref_slice %arg3[%add3A_204] : memref<640000xi32, #tpu.memory_space<hbm>> -> memref<80xi32, #tpu.memory_space<hbm>>
      tpu.enqueue_dma source(%dma_start3A_206 : memref<80xi32, #tpu.memory_space<hbm>>) target(%arg10 : memref<80xi32, #tpu.memory_space<vmem>>) target_semaphore(%arg32 : memref<!tpu.dma_semaphore, #tpu.memory_space<semaphore_mem>>)
      %add3A_207 = arith.constant 320000 : i32
      %add3A_208 = arith.addi %add3A_207, %mul3A_2 : i32
      %add3A_209 = arith.addi %add3A_208, %add3A_203 : i32
      %dma_start3A_210 = tpu.memref_slice %arg3[%add3A_209] : memref<640000xi32, #tpu.memory_space<hbm>> -> memref<80xi32, #tpu.memory_space<hbm>>
      %dma_start3A_211 = tpu.memref_slice %arg3[%add3A_209] : memref<640000xi32, #tpu.memory_space<hbm>> -> memref<80xi32, #tpu.memory_space<hbm>>
      tpu.enqueue_dma source(%dma_start3A_211 : memref<80xi32, #tpu.memory_space<hbm>>) target(%arg18 : memref<80xi32, #tpu.memory_space<vmem>>) target_semaphore(%arg32 : memref<!tpu.dma_semaphore, #tpu.memory_space<semaphore_mem>>)
      %add3A_212 = arith.constant 0 : i32
      %add3A_213 = arith.addi %mul3A_197, %add3A_212 : i32
      %add3A_214 = arith.addi %mul3A_2, %add3A_213 : i32
      %dma_wait3A_215 = tpu.memref_slice %arg3[%add3A_214] : memref<640000xi32, #tpu.memory_space<hbm>> -> memref<80xi32, #tpu.memory_space<hbm>>
      %dma_wait3A_216 = tpu.memref_slice %arg3[%add3A_214] : memref<640000xi32, #tpu.memory_space<hbm>> -> memref<80xi32, #tpu.memory_space<hbm>>
      tpu.wait_dma2 semaphore(%arg28 : memref<!tpu.dma_semaphore, #tpu.memory_space<semaphore_mem>>) src(%dma_wait3A_216 : memref<80xi32, #tpu.memory_space<hbm>>) dst(%arg6 : memref<80xi32, #tpu.memory_space<vmem>>)
      %add3A_217 = arith.constant 320000 : i32
      %add3A_218 = arith.addi %add3A_217, %mul3A_2 : i32
      %add3A_219 = arith.addi %add3A_218, %add3A_213 : i32
      %dma_wait3A_220 = tpu.memref_slice %arg3[%add3A_219] : memref<640000xi32, #tpu.memory_space<hbm>> -> memref<80xi32, #tpu.memory_space<hbm>>
      %dma_wait3A_221 = tpu.memref_slice %arg3[%add3A_219] : memref<640000xi32, #tpu.memory_space<hbm>> -> memref<80xi32, #tpu.memory_space<hbm>>
      tpu.wait_dma2 semaphore(%arg28 : memref<!tpu.dma_semaphore, #tpu.memory_space<semaphore_mem>>) src(%dma_wait3A_221 : memref<80xi32, #tpu.memory_space<hbm>>) dst(%arg14 : memref<80xi32, #tpu.memory_space<vmem>>)
      %dma_start3A_222 = arith.constant 0 : i32
      %dma_start3A_223 = arith.constant 0 : i32
      %dma_start3A_224 = tpu.memref_slice %arg2[%dma_start3A_222, %dma_start3A_223] : memref<10000x128xf32, #tpu.memory_space<hbm>> -> memref<10000x128xf32, #tpu.memory_space<hbm>>
      tpu.enqueue_indirect_dma source(%dma_start3A_224 : memref<10000x128xf32, #tpu.memory_space<hbm>>) target(%arg22 : memref<80x128xf32, #tpu.memory_space<vmem>>) offsets(%arg6 : memref<80xi32, #tpu.memory_space<vmem>>) semaphore(%arg36 : memref<!tpu.dma_semaphore, #tpu.memory_space<semaphore_mem>>)
      %gt3A_225 = arith.constant 0 : i32
      %gt3A_226 = arith.cmpi sgt, %add3A_195, %gt3A_225 : i32
      %convert_element_type3A_227 = arith.extui %gt3A_226 : i1 to i32
      %cond3A_228 = arith.constant 0 : i32
      %cond3A_229 = arith.cmpi ne, %convert_element_type3A_227, %cond3A_228 : i32
      scf.if %cond3A_229 {
        %dma_wait3A_460 = arith.constant 0 : i32
        %dma_wait3A_461 = arith.constant 0 : i32
        %dma_wait3A_462 = tpu.memref_slice %arg2[%dma_wait3A_460, %dma_wait3A_461] : memref<10000x128xf32, #tpu.memory_space<hbm>> -> memref<10000x128xf32, #tpu.memory_space<hbm>>
        tpu.wait_indirect_dma semaphore(%arg39 : memref<!tpu.dma_semaphore, #tpu.memory_space<semaphore_mem>>) src(%dma_wait3A_462 : memref<10000x128xf32, #tpu.memory_space<hbm>>) dst(%arg25 : memref<80x128xf32, #tpu.memory_space<vmem>>)
        %dma_start3A_463 = arith.constant 0 : i32
        %dma_start3A_464 = arith.constant 0 : i32
        %dma_start3A_465 = tpu.memref_slice %arg26[%dma_start3A_463, %dma_start3A_464] : memref<10240x128xf32, #tpu.memory_space<vmem_shared>> -> memref<10240x128xf32, #tpu.memory_space<vmem_shared>>
        tpu.enqueue_indirect_dma source(%arg25 : memref<80x128xf32, #tpu.memory_space<vmem>>) target(%dma_start3A_465 : memref<10240x128xf32, #tpu.memory_space<vmem_shared>>) offsets(%arg21 : memref<80xi32, #tpu.memory_space<vmem>>) semaphore(%arg43 : memref<!tpu.dma_semaphore, #tpu.memory_space<semaphore_mem>>) {add = true}
      } else {
      }
      %gt3A_230 = arith.constant 0 : i32
      %gt3A_231 = arith.cmpi sgt, %add3A_195, %gt3A_230 : i32
      %convert_element_type3A_232 = arith.extui %gt3A_231 : i1 to i32
      %cond3A_233 = arith.constant 0 : i32
      %cond3A_234 = arith.cmpi ne, %convert_element_type3A_232, %cond3A_233 : i32
      scf.if %cond3A_234 {
        %dma_wait3A_460 = arith.constant 0 : i32
        %dma_wait3A_461 = arith.constant 0 : i32
        %dma_wait3A_462 = tpu.memref_slice %arg26[%dma_wait3A_460, %dma_wait3A_461] : memref<10240x128xf32, #tpu.memory_space<vmem_shared>> -> memref<10240x128xf32, #tpu.memory_space<vmem_shared>>
        tpu.wait_indirect_dma semaphore(%arg41 : memref<!tpu.dma_semaphore, #tpu.memory_space<semaphore_mem>>) src(%arg23 : memref<80x128xf32, #tpu.memory_space<vmem>>) dst(%dma_wait3A_462 : memref<10240x128xf32, #tpu.memory_space<vmem_shared>>)
      } else {
      }
      %add3A_235 = arith.constant 400 : i32
      %add3A_236 = arith.addi %mul3A_197, %add3A_235 : i32
      %add3A_237 = arith.addi %mul3A_2, %add3A_236 : i32
      %dma_start3A_238 = tpu.memref_slice %arg3[%add3A_237] : memref<640000xi32, #tpu.memory_space<hbm>> -> memref<80xi32, #tpu.memory_space<hbm>>
      %dma_start3A_239 = tpu.memref_slice %arg3[%add3A_237] : memref<640000xi32, #tpu.memory_space<hbm>> -> memref<80xi32, #tpu.memory_space<hbm>>
      tpu.enqueue_dma source(%dma_start3A_239 : memref<80xi32, #tpu.memory_space<hbm>>) target(%arg11 : memref<80xi32, #tpu.memory_space<vmem>>) target_semaphore(%arg33 : memref<!tpu.dma_semaphore, #tpu.memory_space<semaphore_mem>>)
      %add3A_240 = arith.constant 320000 : i32
      %add3A_241 = arith.addi %add3A_240, %mul3A_2 : i32
      %add3A_242 = arith.addi %add3A_241, %add3A_236 : i32
      %dma_start3A_243 = tpu.memref_slice %arg3[%add3A_242] : memref<640000xi32, #tpu.memory_space<hbm>> -> memref<80xi32, #tpu.memory_space<hbm>>
      %dma_start3A_244 = tpu.memref_slice %arg3[%add3A_242] : memref<640000xi32, #tpu.memory_space<hbm>> -> memref<80xi32, #tpu.memory_space<hbm>>
      tpu.enqueue_dma source(%dma_start3A_244 : memref<80xi32, #tpu.memory_space<hbm>>) target(%arg19 : memref<80xi32, #tpu.memory_space<vmem>>) target_semaphore(%arg33 : memref<!tpu.dma_semaphore, #tpu.memory_space<semaphore_mem>>)
      %add3A_245 = arith.constant 80 : i32
      %add3A_246 = arith.addi %mul3A_197, %add3A_245 : i32
      %add3A_247 = arith.addi %mul3A_2, %add3A_246 : i32
      %dma_wait3A_248 = tpu.memref_slice %arg3[%add3A_247] : memref<640000xi32, #tpu.memory_space<hbm>> -> memref<80xi32, #tpu.memory_space<hbm>>
      %dma_wait3A_249 = tpu.memref_slice %arg3[%add3A_247] : memref<640000xi32, #tpu.memory_space<hbm>> -> memref<80xi32, #tpu.memory_space<hbm>>
      tpu.wait_dma2 semaphore(%arg29 : memref<!tpu.dma_semaphore, #tpu.memory_space<semaphore_mem>>) src(%dma_wait3A_249 : memref<80xi32, #tpu.memory_space<hbm>>) dst(%arg7 : memref<80xi32, #tpu.memory_space<vmem>>)
      %add3A_250 = arith.constant 320000 : i32
      %add3A_251 = arith.addi %add3A_250, %mul3A_2 : i32
      %add3A_252 = arith.addi %add3A_251, %add3A_246 : i32
      %dma_wait3A_253 = tpu.memref_slice %arg3[%add3A_252] : memref<640000xi32, #tpu.memory_space<hbm>> -> memref<80xi32, #tpu.memory_space<hbm>>
      %dma_wait3A_254 = tpu.memref_slice %arg3[%add3A_252] : memref<640000xi32, #tpu.memory_space<hbm>> -> memref<80xi32, #tpu.memory_space<hbm>>
      tpu.wait_dma2 semaphore(%arg29 : memref<!tpu.dma_semaphore, #tpu.memory_space<semaphore_mem>>) src(%dma_wait3A_254 : memref<80xi32, #tpu.memory_space<hbm>>) dst(%arg15 : memref<80xi32, #tpu.memory_space<vmem>>)
      %dma_start3A_255 = arith.constant 0 : i32
      %dma_start3A_256 = arith.constant 0 : i32
      %dma_start3A_257 = tpu.memref_slice %arg2[%dma_start3A_255, %dma_start3A_256] : memref<10000x128xf32, #tpu.memory_space<hbm>> -> memref<10000x128xf32, #tpu.memory_space<hbm>>
      tpu.enqueue_indirect_dma source(%dma_start3A_257 : memref<10000x128xf32, #tpu.memory_space<hbm>>) target(%arg23 : memref<80x128xf32, #tpu.memory_space<vmem>>) offsets(%arg7 : memref<80xi32, #tpu.memory_space<vmem>>) semaphore(%arg37 : memref<!tpu.dma_semaphore, #tpu.memory_space<semaphore_mem>>)
      %dma_wait3A_258 = arith.constant 0 : i32
      %dma_wait3A_259 = arith.constant 0 : i32
      %dma_wait3A_260 = tpu.memref_slice %arg2[%dma_wait3A_258, %dma_wait3A_259] : memref<10000x128xf32, #tpu.memory_space<hbm>> -> memref<10000x128xf32, #tpu.memory_space<hbm>>
      tpu.wait_indirect_dma semaphore(%arg36 : memref<!tpu.dma_semaphore, #tpu.memory_space<semaphore_mem>>) src(%dma_wait3A_260 : memref<10000x128xf32, #tpu.memory_space<hbm>>) dst(%arg22 : memref<80x128xf32, #tpu.memory_space<vmem>>)
      %dma_start3A_261 = arith.constant 0 : i32
      %dma_start3A_262 = arith.constant 0 : i32
      %dma_start3A_263 = tpu.memref_slice %arg26[%dma_start3A_261, %dma_start3A_262] : memref<10240x128xf32, #tpu.memory_space<vmem_shared>> -> memref<10240x128xf32, #tpu.memory_space<vmem_shared>>
      tpu.enqueue_indirect_dma source(%arg22 : memref<80x128xf32, #tpu.memory_space<vmem>>) target(%dma_start3A_263 : memref<10240x128xf32, #tpu.memory_space<vmem_shared>>) offsets(%arg14 : memref<80xi32, #tpu.memory_space<vmem>>) semaphore(%arg40 : memref<!tpu.dma_semaphore, #tpu.memory_space<semaphore_mem>>) {add = true}
      %gt3A_264 = arith.constant 0 : i32
      %gt3A_265 = arith.cmpi sgt, %add3A_195, %gt3A_264 : i32
      %convert_element_type3A_266 = arith.extui %gt3A_265 : i1 to i32
      %cond3A_267 = arith.constant 0 : i32
      %cond3A_268 = arith.cmpi ne, %convert_element_type3A_266, %cond3A_267 : i32
      scf.if %cond3A_268 {
        %dma_wait3A_460 = arith.constant 0 : i32
        %dma_wait3A_461 = arith.constant 0 : i32
        %dma_wait3A_462 = tpu.memref_slice %arg26[%dma_wait3A_460, %dma_wait3A_461] : memref<10240x128xf32, #tpu.memory_space<vmem_shared>> -> memref<10240x128xf32, #tpu.memory_space<vmem_shared>>
        tpu.wait_indirect_dma semaphore(%arg42 : memref<!tpu.dma_semaphore, #tpu.memory_space<semaphore_mem>>) src(%arg24 : memref<80x128xf32, #tpu.memory_space<vmem>>) dst(%dma_wait3A_462 : memref<10240x128xf32, #tpu.memory_space<vmem_shared>>)
      } else {
      }
      %add3A_269 = arith.constant 480 : i32
      %add3A_270 = arith.addi %mul3A_197, %add3A_269 : i32
      %add3A_271 = arith.addi %mul3A_2, %add3A_270 : i32
      %dma_start3A_272 = tpu.memref_slice %arg3[%add3A_271] : memref<640000xi32, #tpu.memory_space<hbm>> -> memref<80xi32, #tpu.memory_space<hbm>>
      %dma_start3A_273 = tpu.memref_slice %arg3[%add3A_271] : memref<640000xi32, #tpu.memory_space<hbm>> -> memref<80xi32, #tpu.memory_space<hbm>>
      tpu.enqueue_dma source(%dma_start3A_273 : memref<80xi32, #tpu.memory_space<hbm>>) target(%arg12 : memref<80xi32, #tpu.memory_space<vmem>>) target_semaphore(%arg34 : memref<!tpu.dma_semaphore, #tpu.memory_space<semaphore_mem>>)
      %add3A_274 = arith.constant 320000 : i32
      %add3A_275 = arith.addi %add3A_274, %mul3A_2 : i32
      %add3A_276 = arith.addi %add3A_275, %add3A_270 : i32
      %dma_start3A_277 = tpu.memref_slice %arg3[%add3A_276] : memref<640000xi32, #tpu.memory_space<hbm>> -> memref<80xi32, #tpu.memory_space<hbm>>
      %dma_start3A_278 = tpu.memref_slice %arg3[%add3A_276] : memref<640000xi32, #tpu.memory_space<hbm>> -> memref<80xi32, #tpu.memory_space<hbm>>
      tpu.enqueue_dma source(%dma_start3A_278 : memref<80xi32, #tpu.memory_space<hbm>>) target(%arg20 : memref<80xi32, #tpu.memory_space<vmem>>) target_semaphore(%arg34 : memref<!tpu.dma_semaphore, #tpu.memory_space<semaphore_mem>>)
      %add3A_279 = arith.constant 160 : i32
      %add3A_280 = arith.addi %mul3A_197, %add3A_279 : i32
      %add3A_281 = arith.addi %mul3A_2, %add3A_280 : i32
      %dma_wait3A_282 = tpu.memref_slice %arg3[%add3A_281] : memref<640000xi32, #tpu.memory_space<hbm>> -> memref<80xi32, #tpu.memory_space<hbm>>
      %dma_wait3A_283 = tpu.memref_slice %arg3[%add3A_281] : memref<640000xi32, #tpu.memory_space<hbm>> -> memref<80xi32, #tpu.memory_space<hbm>>
      tpu.wait_dma2 semaphore(%arg30 : memref<!tpu.dma_semaphore, #tpu.memory_space<semaphore_mem>>) src(%dma_wait3A_283 : memref<80xi32, #tpu.memory_space<hbm>>) dst(%arg8 : memref<80xi32, #tpu.memory_space<vmem>>)
      %add3A_284 = arith.constant 320000 : i32
      %add3A_285 = arith.addi %add3A_284, %mul3A_2 : i32
      %add3A_286 = arith.addi %add3A_285, %add3A_280 : i32
      %dma_wait3A_287 = tpu.memref_slice %arg3[%add3A_286] : memref<640000xi32, #tpu.memory_space<hbm>> -> memref<80xi32, #tpu.memory_space<hbm>>
      %dma_wait3A_288 = tpu.memref_slice %arg3[%add3A_286] : memref<640000xi32, #tpu.memory_space<hbm>> -> memref<80xi32, #tpu.memory_space<hbm>>
      tpu.wait_dma2 semaphore(%arg30 : memref<!tpu.dma_semaphore, #tpu.memory_space<semaphore_mem>>) src(%dma_wait3A_288 : memref<80xi32, #tpu.memory_space<hbm>>) dst(%arg16 : memref<80xi32, #tpu.memory_space<vmem>>)
      %dma_start3A_289 = arith.constant 0 : i32
      %dma_start3A_290 = arith.constant 0 : i32
      %dma_start3A_291 = tpu.memref_slice %arg2[%dma_start3A_289, %dma_start3A_290] : memref<10000x128xf32, #tpu.memory_space<hbm>> -> memref<10000x128xf32, #tpu.memory_space<hbm>>
      tpu.enqueue_indirect_dma source(%dma_start3A_291 : memref<10000x128xf32, #tpu.memory_space<hbm>>) target(%arg24 : memref<80x128xf32, #tpu.memory_space<vmem>>) offsets(%arg8 : memref<80xi32, #tpu.memory_space<vmem>>) semaphore(%arg38 : memref<!tpu.dma_semaphore, #tpu.memory_space<semaphore_mem>>)
      %dma_wait3A_292 = arith.constant 0 : i32
      %dma_wait3A_293 = arith.constant 0 : i32
      %dma_wait3A_294 = tpu.memref_slice %arg2[%dma_wait3A_292, %dma_wait3A_293] : memref<10000x128xf32, #tpu.memory_space<hbm>> -> memref<10000x128xf32, #tpu.memory_space<hbm>>
      tpu.wait_indirect_dma semaphore(%arg37 : memref<!tpu.dma_semaphore, #tpu.memory_space<semaphore_mem>>) src(%dma_wait3A_294 : memref<10000x128xf32, #tpu.memory_space<hbm>>) dst(%arg23 : memref<80x128xf32, #tpu.memory_space<vmem>>)
      %dma_start3A_295 = arith.constant 0 : i32
      %dma_start3A_296 = arith.constant 0 : i32
      %dma_start3A_297 = tpu.memref_slice %arg26[%dma_start3A_295, %dma_start3A_296] : memref<10240x128xf32, #tpu.memory_space<vmem_shared>> -> memref<10240x128xf32, #tpu.memory_space<vmem_shared>>
      tpu.enqueue_indirect_dma source(%arg23 : memref<80x128xf32, #tpu.memory_space<vmem>>) target(%dma_start3A_297 : memref<10240x128xf32, #tpu.memory_space<vmem_shared>>) offsets(%arg15 : memref<80xi32, #tpu.memory_space<vmem>>) semaphore(%arg41 : memref<!tpu.dma_semaphore, #tpu.memory_space<semaphore_mem>>) {add = true}
      %gt3A_298 = arith.constant 0 : i32
      %gt3A_299 = arith.cmpi sgt, %add3A_195, %gt3A_298 : i32
      %convert_element_type3A_300 = arith.extui %gt3A_299 : i1 to i32
      %cond3A_301 = arith.constant 0 : i32
      %cond3A_302 = arith.cmpi ne, %convert_element_type3A_300, %cond3A_301 : i32
      scf.if %cond3A_302 {
        %dma_wait3A_460 = arith.constant 0 : i32
        %dma_wait3A_461 = arith.constant 0 : i32
        %dma_wait3A_462 = tpu.memref_slice %arg26[%dma_wait3A_460, %dma_wait3A_461] : memref<10240x128xf32, #tpu.memory_space<vmem_shared>> -> memref<10240x128xf32, #tpu.memory_space<vmem_shared>>
        tpu.wait_indirect_dma semaphore(%arg43 : memref<!tpu.dma_semaphore, #tpu.memory_space<semaphore_mem>>) src(%arg25 : memref<80x128xf32, #tpu.memory_space<vmem>>) dst(%dma_wait3A_462 : memref<10240x128xf32, #tpu.memory_space<vmem_shared>>)
      } else {
      }
      %add3A_303 = arith.constant 560 : i32
      %add3A_304 = arith.addi %mul3A_197, %add3A_303 : i32
      %add3A_305 = arith.addi %mul3A_2, %add3A_304 : i32
      %dma_start3A_306 = tpu.memref_slice %arg3[%add3A_305] : memref<640000xi32, #tpu.memory_space<hbm>> -> memref<80xi32, #tpu.memory_space<hbm>>
      %dma_start3A_307 = tpu.memref_slice %arg3[%add3A_305] : memref<640000xi32, #tpu.memory_space<hbm>> -> memref<80xi32, #tpu.memory_space<hbm>>
      tpu.enqueue_dma source(%dma_start3A_307 : memref<80xi32, #tpu.memory_space<hbm>>) target(%arg13 : memref<80xi32, #tpu.memory_space<vmem>>) target_semaphore(%arg35 : memref<!tpu.dma_semaphore, #tpu.memory_space<semaphore_mem>>)
      %add3A_308 = arith.constant 320000 : i32
      %add3A_309 = arith.addi %add3A_308, %mul3A_2 : i32
      %add3A_310 = arith.addi %add3A_309, %add3A_304 : i32
      %dma_start3A_311 = tpu.memref_slice %arg3[%add3A_310] : memref<640000xi32, #tpu.memory_space<hbm>> -> memref<80xi32, #tpu.memory_space<hbm>>
      %dma_start3A_312 = tpu.memref_slice %arg3[%add3A_310] : memref<640000xi32, #tpu.memory_space<hbm>> -> memref<80xi32, #tpu.memory_space<hbm>>
      tpu.enqueue_dma source(%dma_start3A_312 : memref<80xi32, #tpu.memory_space<hbm>>) target(%arg21 : memref<80xi32, #tpu.memory_space<vmem>>) target_semaphore(%arg35 : memref<!tpu.dma_semaphore, #tpu.memory_space<semaphore_mem>>)
      %add3A_313 = arith.constant 240 : i32
      %add3A_314 = arith.addi %mul3A_197, %add3A_313 : i32
      %add3A_315 = arith.addi %mul3A_2, %add3A_314 : i32
      %dma_wait3A_316 = tpu.memref_slice %arg3[%add3A_315] : memref<640000xi32, #tpu.memory_space<hbm>> -> memref<80xi32, #tpu.memory_space<hbm>>
      %dma_wait3A_317 = tpu.memref_slice %arg3[%add3A_315] : memref<640000xi32, #tpu.memory_space<hbm>> -> memref<80xi32, #tpu.memory_space<hbm>>
      tpu.wait_dma2 semaphore(%arg31 : memref<!tpu.dma_semaphore, #tpu.memory_space<semaphore_mem>>) src(%dma_wait3A_317 : memref<80xi32, #tpu.memory_space<hbm>>) dst(%arg9 : memref<80xi32, #tpu.memory_space<vmem>>)
      %add3A_318 = arith.constant 320000 : i32
      %add3A_319 = arith.addi %add3A_318, %mul3A_2 : i32
      %add3A_320 = arith.addi %add3A_319, %add3A_314 : i32
      %dma_wait3A_321 = tpu.memref_slice %arg3[%add3A_320] : memref<640000xi32, #tpu.memory_space<hbm>> -> memref<80xi32, #tpu.memory_space<hbm>>
      %dma_wait3A_322 = tpu.memref_slice %arg3[%add3A_320] : memref<640000xi32, #tpu.memory_space<hbm>> -> memref<80xi32, #tpu.memory_space<hbm>>
      tpu.wait_dma2 semaphore(%arg31 : memref<!tpu.dma_semaphore, #tpu.memory_space<semaphore_mem>>) src(%dma_wait3A_322 : memref<80xi32, #tpu.memory_space<hbm>>) dst(%arg17 : memref<80xi32, #tpu.memory_space<vmem>>)
      %dma_start3A_323 = arith.constant 0 : i32
      %dma_start3A_324 = arith.constant 0 : i32
      %dma_start3A_325 = tpu.memref_slice %arg2[%dma_start3A_323, %dma_start3A_324] : memref<10000x128xf32, #tpu.memory_space<hbm>> -> memref<10000x128xf32, #tpu.memory_space<hbm>>
      tpu.enqueue_indirect_dma source(%dma_start3A_325 : memref<10000x128xf32, #tpu.memory_space<hbm>>) target(%arg25 : memref<80x128xf32, #tpu.memory_space<vmem>>) offsets(%arg9 : memref<80xi32, #tpu.memory_space<vmem>>) semaphore(%arg39 : memref<!tpu.dma_semaphore, #tpu.memory_space<semaphore_mem>>)
      %dma_wait3A_326 = arith.constant 0 : i32
      %dma_wait3A_327 = arith.constant 0 : i32
      %dma_wait3A_328 = tpu.memref_slice %arg2[%dma_wait3A_326, %dma_wait3A_327] : memref<10000x128xf32, #tpu.memory_space<hbm>> -> memref<10000x128xf32, #tpu.memory_space<hbm>>
      tpu.wait_indirect_dma semaphore(%arg38 : memref<!tpu.dma_semaphore, #tpu.memory_space<semaphore_mem>>) src(%dma_wait3A_328 : memref<10000x128xf32, #tpu.memory_space<hbm>>) dst(%arg24 : memref<80x128xf32, #tpu.memory_space<vmem>>)
      %dma_start3A_329 = arith.constant 0 : i32
      %dma_start3A_330 = arith.constant 0 : i32
      %dma_start3A_331 = tpu.memref_slice %arg26[%dma_start3A_329, %dma_start3A_330] : memref<10240x128xf32, #tpu.memory_space<vmem_shared>> -> memref<10240x128xf32, #tpu.memory_space<vmem_shared>>
      tpu.enqueue_indirect_dma source(%arg24 : memref<80x128xf32, #tpu.memory_space<vmem>>) target(%dma_start3A_331 : memref<10240x128xf32, #tpu.memory_space<vmem_shared>>) offsets(%arg16 : memref<80xi32, #tpu.memory_space<vmem>>) semaphore(%arg42 : memref<!tpu.dma_semaphore, #tpu.memory_space<semaphore_mem>>) {add = true}
      %dma_wait3A_332 = arith.constant 0 : i32
      %dma_wait3A_333 = arith.constant 0 : i32
      %dma_wait3A_334 = tpu.memref_slice %arg26[%dma_wait3A_332, %dma_wait3A_333] : memref<10240x128xf32, #tpu.memory_space<vmem_shared>> -> memref<10240x128xf32, #tpu.memory_space<vmem_shared>>
      tpu.wait_indirect_dma semaphore(%arg40 : memref<!tpu.dma_semaphore, #tpu.memory_space<semaphore_mem>>) src(%arg22 : memref<80x128xf32, #tpu.memory_space<vmem>>) dst(%dma_wait3A_334 : memref<10240x128xf32, #tpu.memory_space<vmem_shared>>)
      %add3A_335 = arith.constant 640 : i32
      %add3A_336 = arith.addi %mul3A_197, %add3A_335 : i32
      %add3A_337 = arith.addi %mul3A_2, %add3A_336 : i32
      %dma_start3A_338 = tpu.memref_slice %arg3[%add3A_337] : memref<640000xi32, #tpu.memory_space<hbm>> -> memref<80xi32, #tpu.memory_space<hbm>>
      %dma_start3A_339 = tpu.memref_slice %arg3[%add3A_337] : memref<640000xi32, #tpu.memory_space<hbm>> -> memref<80xi32, #tpu.memory_space<hbm>>
      tpu.enqueue_dma source(%dma_start3A_339 : memref<80xi32, #tpu.memory_space<hbm>>) target(%arg6 : memref<80xi32, #tpu.memory_space<vmem>>) target_semaphore(%arg28 : memref<!tpu.dma_semaphore, #tpu.memory_space<semaphore_mem>>)
      %add3A_340 = arith.constant 320000 : i32
      %add3A_341 = arith.addi %add3A_340, %mul3A_2 : i32
      %add3A_342 = arith.addi %add3A_341, %add3A_336 : i32
      %dma_start3A_343 = tpu.memref_slice %arg3[%add3A_342] : memref<640000xi32, #tpu.memory_space<hbm>> -> memref<80xi32, #tpu.memory_space<hbm>>
      %dma_start3A_344 = tpu.memref_slice %arg3[%add3A_342] : memref<640000xi32, #tpu.memory_space<hbm>> -> memref<80xi32, #tpu.memory_space<hbm>>
      tpu.enqueue_dma source(%dma_start3A_344 : memref<80xi32, #tpu.memory_space<hbm>>) target(%arg14 : memref<80xi32, #tpu.memory_space<vmem>>) target_semaphore(%arg28 : memref<!tpu.dma_semaphore, #tpu.memory_space<semaphore_mem>>)
      %add3A_345 = arith.constant 320 : i32
      %add3A_346 = arith.addi %mul3A_197, %add3A_345 : i32
      %add3A_347 = arith.addi %mul3A_2, %add3A_346 : i32
      %dma_wait3A_348 = tpu.memref_slice %arg3[%add3A_347] : memref<640000xi32, #tpu.memory_space<hbm>> -> memref<80xi32, #tpu.memory_space<hbm>>
      %dma_wait3A_349 = tpu.memref_slice %arg3[%add3A_347] : memref<640000xi32, #tpu.memory_space<hbm>> -> memref<80xi32, #tpu.memory_space<hbm>>
      tpu.wait_dma2 semaphore(%arg32 : memref<!tpu.dma_semaphore, #tpu.memory_space<semaphore_mem>>) src(%dma_wait3A_349 : memref<80xi32, #tpu.memory_space<hbm>>) dst(%arg10 : memref<80xi32, #tpu.memory_space<vmem>>)
      %add3A_350 = arith.constant 320000 : i32
      %add3A_351 = arith.addi %add3A_350, %mul3A_2 : i32
      %add3A_352 = arith.addi %add3A_351, %add3A_346 : i32
      %dma_wait3A_353 = tpu.memref_slice %arg3[%add3A_352] : memref<640000xi32, #tpu.memory_space<hbm>> -> memref<80xi32, #tpu.memory_space<hbm>>
      %dma_wait3A_354 = tpu.memref_slice %arg3[%add3A_352] : memref<640000xi32, #tpu.memory_space<hbm>> -> memref<80xi32, #tpu.memory_space<hbm>>
      tpu.wait_dma2 semaphore(%arg32 : memref<!tpu.dma_semaphore, #tpu.memory_space<semaphore_mem>>) src(%dma_wait3A_354 : memref<80xi32, #tpu.memory_space<hbm>>) dst(%arg18 : memref<80xi32, #tpu.memory_space<vmem>>)
      %dma_start3A_355 = arith.constant 0 : i32
      %dma_start3A_356 = arith.constant 0 : i32
      %dma_start3A_357 = tpu.memref_slice %arg2[%dma_start3A_355, %dma_start3A_356] : memref<10000x128xf32, #tpu.memory_space<hbm>> -> memref<10000x128xf32, #tpu.memory_space<hbm>>
      tpu.enqueue_indirect_dma source(%dma_start3A_357 : memref<10000x128xf32, #tpu.memory_space<hbm>>) target(%arg22 : memref<80x128xf32, #tpu.memory_space<vmem>>) offsets(%arg10 : memref<80xi32, #tpu.memory_space<vmem>>) semaphore(%arg36 : memref<!tpu.dma_semaphore, #tpu.memory_space<semaphore_mem>>)
      %dma_wait3A_358 = arith.constant 0 : i32
      %dma_wait3A_359 = arith.constant 0 : i32
      %dma_wait3A_360 = tpu.memref_slice %arg2[%dma_wait3A_358, %dma_wait3A_359] : memref<10000x128xf32, #tpu.memory_space<hbm>> -> memref<10000x128xf32, #tpu.memory_space<hbm>>
      tpu.wait_indirect_dma semaphore(%arg39 : memref<!tpu.dma_semaphore, #tpu.memory_space<semaphore_mem>>) src(%dma_wait3A_360 : memref<10000x128xf32, #tpu.memory_space<hbm>>) dst(%arg25 : memref<80x128xf32, #tpu.memory_space<vmem>>)
      %dma_start3A_361 = arith.constant 0 : i32
      %dma_start3A_362 = arith.constant 0 : i32
      %dma_start3A_363 = tpu.memref_slice %arg26[%dma_start3A_361, %dma_start3A_362] : memref<10240x128xf32, #tpu.memory_space<vmem_shared>> -> memref<10240x128xf32, #tpu.memory_space<vmem_shared>>
      tpu.enqueue_indirect_dma source(%arg25 : memref<80x128xf32, #tpu.memory_space<vmem>>) target(%dma_start3A_363 : memref<10240x128xf32, #tpu.memory_space<vmem_shared>>) offsets(%arg17 : memref<80xi32, #tpu.memory_space<vmem>>) semaphore(%arg43 : memref<!tpu.dma_semaphore, #tpu.memory_space<semaphore_mem>>) {add = true}
      %dma_wait3A_364 = arith.constant 0 : i32
      %dma_wait3A_365 = arith.constant 0 : i32
      %dma_wait3A_366 = tpu.memref_slice %arg26[%dma_wait3A_364, %dma_wait3A_365] : memref<10240x128xf32, #tpu.memory_space<vmem_shared>> -> memref<10240x128xf32, #tpu.memory_space<vmem_shared>>
      tpu.wait_indirect_dma semaphore(%arg41 : memref<!tpu.dma_semaphore, #tpu.memory_space<semaphore_mem>>) src(%arg23 : memref<80x128xf32, #tpu.memory_space<vmem>>) dst(%dma_wait3A_366 : memref<10240x128xf32, #tpu.memory_space<vmem_shared>>)
      %add3A_367 = arith.constant 720 : i32
      %add3A_368 = arith.addi %mul3A_197, %add3A_367 : i32
      %add3A_369 = arith.addi %mul3A_2, %add3A_368 : i32
      %dma_start3A_370 = tpu.memref_slice %arg3[%add3A_369] : memref<640000xi32, #tpu.memory_space<hbm>> -> memref<80xi32, #tpu.memory_space<hbm>>
      %dma_start3A_371 = tpu.memref_slice %arg3[%add3A_369] : memref<640000xi32, #tpu.memory_space<hbm>> -> memref<80xi32, #tpu.memory_space<hbm>>
      tpu.enqueue_dma source(%dma_start3A_371 : memref<80xi32, #tpu.memory_space<hbm>>) target(%arg7 : memref<80xi32, #tpu.memory_space<vmem>>) target_semaphore(%arg29 : memref<!tpu.dma_semaphore, #tpu.memory_space<semaphore_mem>>)
      %add3A_372 = arith.constant 320000 : i32
      %add3A_373 = arith.addi %add3A_372, %mul3A_2 : i32
      %add3A_374 = arith.addi %add3A_373, %add3A_368 : i32
      %dma_start3A_375 = tpu.memref_slice %arg3[%add3A_374] : memref<640000xi32, #tpu.memory_space<hbm>> -> memref<80xi32, #tpu.memory_space<hbm>>
      %dma_start3A_376 = tpu.memref_slice %arg3[%add3A_374] : memref<640000xi32, #tpu.memory_space<hbm>> -> memref<80xi32, #tpu.memory_space<hbm>>
      tpu.enqueue_dma source(%dma_start3A_376 : memref<80xi32, #tpu.memory_space<hbm>>) target(%arg15 : memref<80xi32, #tpu.memory_space<vmem>>) target_semaphore(%arg29 : memref<!tpu.dma_semaphore, #tpu.memory_space<semaphore_mem>>)
      %add3A_377 = arith.constant 400 : i32
      %add3A_378 = arith.addi %mul3A_197, %add3A_377 : i32
      %add3A_379 = arith.addi %mul3A_2, %add3A_378 : i32
      %dma_wait3A_380 = tpu.memref_slice %arg3[%add3A_379] : memref<640000xi32, #tpu.memory_space<hbm>> -> memref<80xi32, #tpu.memory_space<hbm>>
      %dma_wait3A_381 = tpu.memref_slice %arg3[%add3A_379] : memref<640000xi32, #tpu.memory_space<hbm>> -> memref<80xi32, #tpu.memory_space<hbm>>
      tpu.wait_dma2 semaphore(%arg33 : memref<!tpu.dma_semaphore, #tpu.memory_space<semaphore_mem>>) src(%dma_wait3A_381 : memref<80xi32, #tpu.memory_space<hbm>>) dst(%arg11 : memref<80xi32, #tpu.memory_space<vmem>>)
      %add3A_382 = arith.constant 320000 : i32
      %add3A_383 = arith.addi %add3A_382, %mul3A_2 : i32
      %add3A_384 = arith.addi %add3A_383, %add3A_378 : i32
      %dma_wait3A_385 = tpu.memref_slice %arg3[%add3A_384] : memref<640000xi32, #tpu.memory_space<hbm>> -> memref<80xi32, #tpu.memory_space<hbm>>
      %dma_wait3A_386 = tpu.memref_slice %arg3[%add3A_384] : memref<640000xi32, #tpu.memory_space<hbm>> -> memref<80xi32, #tpu.memory_space<hbm>>
      tpu.wait_dma2 semaphore(%arg33 : memref<!tpu.dma_semaphore, #tpu.memory_space<semaphore_mem>>) src(%dma_wait3A_386 : memref<80xi32, #tpu.memory_space<hbm>>) dst(%arg19 : memref<80xi32, #tpu.memory_space<vmem>>)
      %dma_start3A_387 = arith.constant 0 : i32
      %dma_start3A_388 = arith.constant 0 : i32
      %dma_start3A_389 = tpu.memref_slice %arg2[%dma_start3A_387, %dma_start3A_388] : memref<10000x128xf32, #tpu.memory_space<hbm>> -> memref<10000x128xf32, #tpu.memory_space<hbm>>
      tpu.enqueue_indirect_dma source(%dma_start3A_389 : memref<10000x128xf32, #tpu.memory_space<hbm>>) target(%arg23 : memref<80x128xf32, #tpu.memory_space<vmem>>) offsets(%arg11 : memref<80xi32, #tpu.memory_space<vmem>>) semaphore(%arg37 : memref<!tpu.dma_semaphore, #tpu.memory_space<semaphore_mem>>)
      %dma_wait3A_390 = arith.constant 0 : i32
      %dma_wait3A_391 = arith.constant 0 : i32
      %dma_wait3A_392 = tpu.memref_slice %arg2[%dma_wait3A_390, %dma_wait3A_391] : memref<10000x128xf32, #tpu.memory_space<hbm>> -> memref<10000x128xf32, #tpu.memory_space<hbm>>
      tpu.wait_indirect_dma semaphore(%arg36 : memref<!tpu.dma_semaphore, #tpu.memory_space<semaphore_mem>>) src(%dma_wait3A_392 : memref<10000x128xf32, #tpu.memory_space<hbm>>) dst(%arg22 : memref<80x128xf32, #tpu.memory_space<vmem>>)
      %dma_start3A_393 = arith.constant 0 : i32
      %dma_start3A_394 = arith.constant 0 : i32
      %dma_start3A_395 = tpu.memref_slice %arg26[%dma_start3A_393, %dma_start3A_394] : memref<10240x128xf32, #tpu.memory_space<vmem_shared>> -> memref<10240x128xf32, #tpu.memory_space<vmem_shared>>
      tpu.enqueue_indirect_dma source(%arg22 : memref<80x128xf32, #tpu.memory_space<vmem>>) target(%dma_start3A_395 : memref<10240x128xf32, #tpu.memory_space<vmem_shared>>) offsets(%arg18 : memref<80xi32, #tpu.memory_space<vmem>>) semaphore(%arg40 : memref<!tpu.dma_semaphore, #tpu.memory_space<semaphore_mem>>) {add = true}
      %dma_wait3A_396 = arith.constant 0 : i32
      %dma_wait3A_397 = arith.constant 0 : i32
      %dma_wait3A_398 = tpu.memref_slice %arg26[%dma_wait3A_396, %dma_wait3A_397] : memref<10240x128xf32, #tpu.memory_space<vmem_shared>> -> memref<10240x128xf32, #tpu.memory_space<vmem_shared>>
      tpu.wait_indirect_dma semaphore(%arg42 : memref<!tpu.dma_semaphore, #tpu.memory_space<semaphore_mem>>) src(%arg24 : memref<80x128xf32, #tpu.memory_space<vmem>>) dst(%dma_wait3A_398 : memref<10240x128xf32, #tpu.memory_space<vmem_shared>>)
      %add3A_399 = arith.constant 800 : i32
      %add3A_400 = arith.addi %mul3A_197, %add3A_399 : i32
      %add3A_401 = arith.addi %mul3A_2, %add3A_400 : i32
      %dma_start3A_402 = tpu.memref_slice %arg3[%add3A_401] : memref<640000xi32, #tpu.memory_space<hbm>> -> memref<80xi32, #tpu.memory_space<hbm>>
      %dma_start3A_403 = tpu.memref_slice %arg3[%add3A_401] : memref<640000xi32, #tpu.memory_space<hbm>> -> memref<80xi32, #tpu.memory_space<hbm>>
      tpu.enqueue_dma source(%dma_start3A_403 : memref<80xi32, #tpu.memory_space<hbm>>) target(%arg8 : memref<80xi32, #tpu.memory_space<vmem>>) target_semaphore(%arg30 : memref<!tpu.dma_semaphore, #tpu.memory_space<semaphore_mem>>)
      %add3A_404 = arith.constant 320000 : i32
      %add3A_405 = arith.addi %add3A_404, %mul3A_2 : i32
      %add3A_406 = arith.addi %add3A_405, %add3A_400 : i32
      %dma_start3A_407 = tpu.memref_slice %arg3[%add3A_406] : memref<640000xi32, #tpu.memory_space<hbm>> -> memref<80xi32, #tpu.memory_space<hbm>>
      %dma_start3A_408 = tpu.memref_slice %arg3[%add3A_406] : memref<640000xi32, #tpu.memory_space<hbm>> -> memref<80xi32, #tpu.memory_space<hbm>>
      tpu.enqueue_dma source(%dma_start3A_408 : memref<80xi32, #tpu.memory_space<hbm>>) target(%arg16 : memref<80xi32, #tpu.memory_space<vmem>>) target_semaphore(%arg30 : memref<!tpu.dma_semaphore, #tpu.memory_space<semaphore_mem>>)
      %add3A_409 = arith.constant 480 : i32
      %add3A_410 = arith.addi %mul3A_197, %add3A_409 : i32
      %add3A_411 = arith.addi %mul3A_2, %add3A_410 : i32
      %dma_wait3A_412 = tpu.memref_slice %arg3[%add3A_411] : memref<640000xi32, #tpu.memory_space<hbm>> -> memref<80xi32, #tpu.memory_space<hbm>>
      %dma_wait3A_413 = tpu.memref_slice %arg3[%add3A_411] : memref<640000xi32, #tpu.memory_space<hbm>> -> memref<80xi32, #tpu.memory_space<hbm>>
      tpu.wait_dma2 semaphore(%arg34 : memref<!tpu.dma_semaphore, #tpu.memory_space<semaphore_mem>>) src(%dma_wait3A_413 : memref<80xi32, #tpu.memory_space<hbm>>) dst(%arg12 : memref<80xi32, #tpu.memory_space<vmem>>)
      %add3A_414 = arith.constant 320000 : i32
      %add3A_415 = arith.addi %add3A_414, %mul3A_2 : i32
      %add3A_416 = arith.addi %add3A_415, %add3A_410 : i32
      %dma_wait3A_417 = tpu.memref_slice %arg3[%add3A_416] : memref<640000xi32, #tpu.memory_space<hbm>> -> memref<80xi32, #tpu.memory_space<hbm>>
      %dma_wait3A_418 = tpu.memref_slice %arg3[%add3A_416] : memref<640000xi32, #tpu.memory_space<hbm>> -> memref<80xi32, #tpu.memory_space<hbm>>
      tpu.wait_dma2 semaphore(%arg34 : memref<!tpu.dma_semaphore, #tpu.memory_space<semaphore_mem>>) src(%dma_wait3A_418 : memref<80xi32, #tpu.memory_space<hbm>>) dst(%arg20 : memref<80xi32, #tpu.memory_space<vmem>>)
      %dma_start3A_419 = arith.constant 0 : i32
      %dma_start3A_420 = arith.constant 0 : i32
      %dma_start3A_421 = tpu.memref_slice %arg2[%dma_start3A_419, %dma_start3A_420] : memref<10000x128xf32, #tpu.memory_space<hbm>> -> memref<10000x128xf32, #tpu.memory_space<hbm>>
      tpu.enqueue_indirect_dma source(%dma_start3A_421 : memref<10000x128xf32, #tpu.memory_space<hbm>>) target(%arg24 : memref<80x128xf32, #tpu.memory_space<vmem>>) offsets(%arg12 : memref<80xi32, #tpu.memory_space<vmem>>) semaphore(%arg38 : memref<!tpu.dma_semaphore, #tpu.memory_space<semaphore_mem>>)
      %dma_wait3A_422 = arith.constant 0 : i32
      %dma_wait3A_423 = arith.constant 0 : i32
      %dma_wait3A_424 = tpu.memref_slice %arg2[%dma_wait3A_422, %dma_wait3A_423] : memref<10000x128xf32, #tpu.memory_space<hbm>> -> memref<10000x128xf32, #tpu.memory_space<hbm>>
      tpu.wait_indirect_dma semaphore(%arg37 : memref<!tpu.dma_semaphore, #tpu.memory_space<semaphore_mem>>) src(%dma_wait3A_424 : memref<10000x128xf32, #tpu.memory_space<hbm>>) dst(%arg23 : memref<80x128xf32, #tpu.memory_space<vmem>>)
      %dma_start3A_425 = arith.constant 0 : i32
      %dma_start3A_426 = arith.constant 0 : i32
      %dma_start3A_427 = tpu.memref_slice %arg26[%dma_start3A_425, %dma_start3A_426] : memref<10240x128xf32, #tpu.memory_space<vmem_shared>> -> memref<10240x128xf32, #tpu.memory_space<vmem_shared>>
      tpu.enqueue_indirect_dma source(%arg23 : memref<80x128xf32, #tpu.memory_space<vmem>>) target(%dma_start3A_427 : memref<10240x128xf32, #tpu.memory_space<vmem_shared>>) offsets(%arg19 : memref<80xi32, #tpu.memory_space<vmem>>) semaphore(%arg41 : memref<!tpu.dma_semaphore, #tpu.memory_space<semaphore_mem>>) {add = true}
      %dma_wait3A_428 = arith.constant 0 : i32
      %dma_wait3A_429 = arith.constant 0 : i32
      %dma_wait3A_430 = tpu.memref_slice %arg26[%dma_wait3A_428, %dma_wait3A_429] : memref<10240x128xf32, #tpu.memory_space<vmem_shared>> -> memref<10240x128xf32, #tpu.memory_space<vmem_shared>>
      tpu.wait_indirect_dma semaphore(%arg43 : memref<!tpu.dma_semaphore, #tpu.memory_space<semaphore_mem>>) src(%arg25 : memref<80x128xf32, #tpu.memory_space<vmem>>) dst(%dma_wait3A_430 : memref<10240x128xf32, #tpu.memory_space<vmem_shared>>)
      %add3A_431 = arith.constant 880 : i32
      %add3A_432 = arith.addi %mul3A_197, %add3A_431 : i32
      %add3A_433 = arith.addi %mul3A_2, %add3A_432 : i32
      %dma_start3A_434 = tpu.memref_slice %arg3[%add3A_433] : memref<640000xi32, #tpu.memory_space<hbm>> -> memref<80xi32, #tpu.memory_space<hbm>>
      %dma_start3A_435 = tpu.memref_slice %arg3[%add3A_433] : memref<640000xi32, #tpu.memory_space<hbm>> -> memref<80xi32, #tpu.memory_space<hbm>>
      tpu.enqueue_dma source(%dma_start3A_435 : memref<80xi32, #tpu.memory_space<hbm>>) target(%arg9 : memref<80xi32, #tpu.memory_space<vmem>>) target_semaphore(%arg31 : memref<!tpu.dma_semaphore, #tpu.memory_space<semaphore_mem>>)
      %add3A_436 = arith.constant 320000 : i32
      %add3A_437 = arith.addi %add3A_436, %mul3A_2 : i32
      %add3A_438 = arith.addi %add3A_437, %add3A_432 : i32
      %dma_start3A_439 = tpu.memref_slice %arg3[%add3A_438] : memref<640000xi32, #tpu.memory_space<hbm>> -> memref<80xi32, #tpu.memory_space<hbm>>
      %dma_start3A_440 = tpu.memref_slice %arg3[%add3A_438] : memref<640000xi32, #tpu.memory_space<hbm>> -> memref<80xi32, #tpu.memory_space<hbm>>
      tpu.enqueue_dma source(%dma_start3A_440 : memref<80xi32, #tpu.memory_space<hbm>>) target(%arg17 : memref<80xi32, #tpu.memory_space<vmem>>) target_semaphore(%arg31 : memref<!tpu.dma_semaphore, #tpu.memory_space<semaphore_mem>>)
      %add3A_441 = arith.constant 560 : i32
      %add3A_442 = arith.addi %mul3A_197, %add3A_441 : i32
      %add3A_443 = arith.addi %mul3A_2, %add3A_442 : i32
      %dma_wait3A_444 = tpu.memref_slice %arg3[%add3A_443] : memref<640000xi32, #tpu.memory_space<hbm>> -> memref<80xi32, #tpu.memory_space<hbm>>
      %dma_wait3A_445 = tpu.memref_slice %arg3[%add3A_443] : memref<640000xi32, #tpu.memory_space<hbm>> -> memref<80xi32, #tpu.memory_space<hbm>>
      tpu.wait_dma2 semaphore(%arg35 : memref<!tpu.dma_semaphore, #tpu.memory_space<semaphore_mem>>) src(%dma_wait3A_445 : memref<80xi32, #tpu.memory_space<hbm>>) dst(%arg13 : memref<80xi32, #tpu.memory_space<vmem>>)
      %add3A_446 = arith.constant 320000 : i32
      %add3A_447 = arith.addi %add3A_446, %mul3A_2 : i32
      %add3A_448 = arith.addi %add3A_447, %add3A_442 : i32
      %dma_wait3A_449 = tpu.memref_slice %arg3[%add3A_448] : memref<640000xi32, #tpu.memory_space<hbm>> -> memref<80xi32, #tpu.memory_space<hbm>>
      %dma_wait3A_450 = tpu.memref_slice %arg3[%add3A_448] : memref<640000xi32, #tpu.memory_space<hbm>> -> memref<80xi32, #tpu.memory_space<hbm>>
      tpu.wait_dma2 semaphore(%arg35 : memref<!tpu.dma_semaphore, #tpu.memory_space<semaphore_mem>>) src(%dma_wait3A_450 : memref<80xi32, #tpu.memory_space<hbm>>) dst(%arg21 : memref<80xi32, #tpu.memory_space<vmem>>)
      %dma_start3A_451 = arith.constant 0 : i32
      %dma_start3A_452 = arith.constant 0 : i32
      %dma_start3A_453 = tpu.memref_slice %arg2[%dma_start3A_451, %dma_start3A_452] : memref<10000x128xf32, #tpu.memory_space<hbm>> -> memref<10000x128xf32, #tpu.memory_space<hbm>>
      tpu.enqueue_indirect_dma source(%dma_start3A_453 : memref<10000x128xf32, #tpu.memory_space<hbm>>) target(%arg25 : memref<80x128xf32, #tpu.memory_space<vmem>>) offsets(%arg13 : memref<80xi32, #tpu.memory_space<vmem>>) semaphore(%arg39 : memref<!tpu.dma_semaphore, #tpu.memory_space<semaphore_mem>>)
      %dma_wait3A_454 = arith.constant 0 : i32
      %dma_wait3A_455 = arith.constant 0 : i32
      %dma_wait3A_456 = tpu.memref_slice %arg2[%dma_wait3A_454, %dma_wait3A_455] : memref<10000x128xf32, #tpu.memory_space<hbm>> -> memref<10000x128xf32, #tpu.memory_space<hbm>>
      tpu.wait_indirect_dma semaphore(%arg38 : memref<!tpu.dma_semaphore, #tpu.memory_space<semaphore_mem>>) src(%dma_wait3A_456 : memref<10000x128xf32, #tpu.memory_space<hbm>>) dst(%arg24 : memref<80x128xf32, #tpu.memory_space<vmem>>)
      %dma_start3A_457 = arith.constant 0 : i32
      %dma_start3A_458 = arith.constant 0 : i32
      %dma_start3A_459 = tpu.memref_slice %arg26[%dma_start3A_457, %dma_start3A_458] : memref<10240x128xf32, #tpu.memory_space<vmem_shared>> -> memref<10240x128xf32, #tpu.memory_space<vmem_shared>>
      tpu.enqueue_indirect_dma source(%arg24 : memref<80x128xf32, #tpu.memory_space<vmem>>) target(%dma_start3A_459 : memref<10240x128xf32, #tpu.memory_space<vmem_shared>>) offsets(%arg20 : memref<80xi32, #tpu.memory_space<vmem>>) semaphore(%arg42 : memref<!tpu.dma_semaphore, #tpu.memory_space<semaphore_mem>>) {add = true}
    }
    %scan3A_47 = arith.constant 15 : i32
    %dma_wait3A = arith.constant 0 : i32
    %dma_wait3A_48 = arith.constant 0 : i32
    %dma_wait3A_49 = tpu.memref_slice %arg26[%dma_wait3A, %dma_wait3A_48] : memref<10240x128xf32, #tpu.memory_space<vmem_shared>> -> memref<10240x128xf32, #tpu.memory_space<vmem_shared>>
    tpu.wait_indirect_dma semaphore(%arg40 : memref<!tpu.dma_semaphore, #tpu.memory_space<semaphore_mem>>) src(%arg22 : memref<80x128xf32, #tpu.memory_space<vmem>>) dst(%dma_wait3A_49 : memref<10240x128xf32, #tpu.memory_space<vmem_shared>>)
    %add3A_50 = arith.constant 9920 : i32
    %add3A_51 = arith.addi %mul3A_2, %add3A_50 : i32
    %dma_start3A_52 = tpu.memref_slice %arg3[%add3A_51] : memref<640000xi32, #tpu.memory_space<hbm>> -> memref<80xi32, #tpu.memory_space<hbm>>
    %dma_start3A_53 = tpu.memref_slice %arg3[%add3A_51] : memref<640000xi32, #tpu.memory_space<hbm>> -> memref<80xi32, #tpu.memory_space<hbm>>
    tpu.enqueue_dma source(%dma_start3A_53 : memref<80xi32, #tpu.memory_space<hbm>>) target(%arg10 : memref<80xi32, #tpu.memory_space<vmem>>) target_semaphore(%arg32 : memref<!tpu.dma_semaphore, #tpu.memory_space<semaphore_mem>>)
    %add3A_54 = arith.constant 320000 : i32
    %add3A_55 = arith.addi %add3A_54, %mul3A_2 : i32
    %add3A_56 = arith.constant 9920 : i32
    %add3A_57 = arith.addi %add3A_55, %add3A_56 : i32
    %dma_start3A_58 = tpu.memref_slice %arg3[%add3A_57] : memref<640000xi32, #tpu.memory_space<hbm>> -> memref<80xi32, #tpu.memory_space<hbm>>
    %dma_start3A_59 = tpu.memref_slice %arg3[%add3A_57] : memref<640000xi32, #tpu.memory_space<hbm>> -> memref<80xi32, #tpu.memory_space<hbm>>
    tpu.enqueue_dma source(%dma_start3A_59 : memref<80xi32, #tpu.memory_space<hbm>>) target(%arg18 : memref<80xi32, #tpu.memory_space<vmem>>) target_semaphore(%arg32 : memref<!tpu.dma_semaphore, #tpu.memory_space<semaphore_mem>>)
    %add3A_60 = arith.constant 9600 : i32
    %add3A_61 = arith.addi %mul3A_2, %add3A_60 : i32
    %dma_wait3A_62 = tpu.memref_slice %arg3[%add3A_61] : memref<640000xi32, #tpu.memory_space<hbm>> -> memref<80xi32, #tpu.memory_space<hbm>>
    %dma_wait3A_63 = tpu.memref_slice %arg3[%add3A_61] : memref<640000xi32, #tpu.memory_space<hbm>> -> memref<80xi32, #tpu.memory_space<hbm>>
    tpu.wait_dma2 semaphore(%arg28 : memref<!tpu.dma_semaphore, #tpu.memory_space<semaphore_mem>>) src(%dma_wait3A_63 : memref<80xi32, #tpu.memory_space<hbm>>) dst(%arg6 : memref<80xi32, #tpu.memory_space<vmem>>)
    %add3A_64 = arith.constant 320000 : i32
    %add3A_65 = arith.addi %add3A_64, %mul3A_2 : i32
    %add3A_66 = arith.constant 9600 : i32
    %add3A_67 = arith.addi %add3A_65, %add3A_66 : i32
    %dma_wait3A_68 = tpu.memref_slice %arg3[%add3A_67] : memref<640000xi32, #tpu.memory_space<hbm>> -> memref<80xi32, #tpu.memory_space<hbm>>
    %dma_wait3A_69 = tpu.memref_slice %arg3[%add3A_67] : memref<640000xi32, #tpu.memory_space<hbm>> -> memref<80xi32, #tpu.memory_space<hbm>>
    tpu.wait_dma2 semaphore(%arg28 : memref<!tpu.dma_semaphore, #tpu.memory_space<semaphore_mem>>) src(%dma_wait3A_69 : memref<80xi32, #tpu.memory_space<hbm>>) dst(%arg14 : memref<80xi32, #tpu.memory_space<vmem>>)
    %dma_start3A_70 = arith.constant 0 : i32
    %dma_start3A_71 = arith.constant 0 : i32
    %dma_start3A_72 = tpu.memref_slice %arg2[%dma_start3A_70, %dma_start3A_71] : memref<10000x128xf32, #tpu.memory_space<hbm>> -> memref<10000x128xf32, #tpu.memory_space<hbm>>
    tpu.enqueue_indirect_dma source(%dma_start3A_72 : memref<10000x128xf32, #tpu.memory_space<hbm>>) target(%arg22 : memref<80x128xf32, #tpu.memory_space<vmem>>) offsets(%arg6 : memref<80xi32, #tpu.memory_space<vmem>>) semaphore(%arg36 : memref<!tpu.dma_semaphore, #tpu.memory_space<semaphore_mem>>)
    %dma_wait3A_73 = arith.constant 0 : i32
    %dma_wait3A_74 = arith.constant 0 : i32
    %dma_wait3A_75 = tpu.memref_slice %arg2[%dma_wait3A_73, %dma_wait3A_74] : memref<10000x128xf32, #tpu.memory_space<hbm>> -> memref<10000x128xf32, #tpu.memory_space<hbm>>
    tpu.wait_indirect_dma semaphore(%arg39 : memref<!tpu.dma_semaphore, #tpu.memory_space<semaphore_mem>>) src(%dma_wait3A_75 : memref<10000x128xf32, #tpu.memory_space<hbm>>) dst(%arg25 : memref<80x128xf32, #tpu.memory_space<vmem>>)
    %dma_start3A_76 = arith.constant 0 : i32
    %dma_start3A_77 = arith.constant 0 : i32
    %dma_start3A_78 = tpu.memref_slice %arg26[%dma_start3A_76, %dma_start3A_77] : memref<10240x128xf32, #tpu.memory_space<vmem_shared>> -> memref<10240x128xf32, #tpu.memory_space<vmem_shared>>
    tpu.enqueue_indirect_dma source(%arg25 : memref<80x128xf32, #tpu.memory_space<vmem>>) target(%dma_start3A_78 : memref<10240x128xf32, #tpu.memory_space<vmem_shared>>) offsets(%arg21 : memref<80xi32, #tpu.memory_space<vmem>>) semaphore(%arg43 : memref<!tpu.dma_semaphore, #tpu.memory_space<semaphore_mem>>) {add = true}
    %dma_wait3A_79 = arith.constant 0 : i32
    %dma_wait3A_80 = arith.constant 0 : i32
    %dma_wait3A_81 = tpu.memref_slice %arg26[%dma_wait3A_79, %dma_wait3A_80] : memref<10240x128xf32, #tpu.memory_space<vmem_shared>> -> memref<10240x128xf32, #tpu.memory_space<vmem_shared>>
    tpu.wait_indirect_dma semaphore(%arg41 : memref<!tpu.dma_semaphore, #tpu.memory_space<semaphore_mem>>) src(%arg23 : memref<80x128xf32, #tpu.memory_space<vmem>>) dst(%dma_wait3A_81 : memref<10240x128xf32, #tpu.memory_space<vmem_shared>>)
    %add3A_82 = arith.constant 9680 : i32
    %add3A_83 = arith.addi %mul3A_2, %add3A_82 : i32
    %dma_wait3A_84 = tpu.memref_slice %arg3[%add3A_83] : memref<640000xi32, #tpu.memory_space<hbm>> -> memref<80xi32, #tpu.memory_space<hbm>>
    %dma_wait3A_85 = tpu.memref_slice %arg3[%add3A_83] : memref<640000xi32, #tpu.memory_space<hbm>> -> memref<80xi32, #tpu.memory_space<hbm>>
    tpu.wait_dma2 semaphore(%arg29 : memref<!tpu.dma_semaphore, #tpu.memory_space<semaphore_mem>>) src(%dma_wait3A_85 : memref<80xi32, #tpu.memory_space<hbm>>) dst(%arg7 : memref<80xi32, #tpu.memory_space<vmem>>)
    %add3A_86 = arith.constant 320000 : i32
    %add3A_87 = arith.addi %add3A_86, %mul3A_2 : i32
    %add3A_88 = arith.constant 9680 : i32
    %add3A_89 = arith.addi %add3A_87, %add3A_88 : i32
    %dma_wait3A_90 = tpu.memref_slice %arg3[%add3A_89] : memref<640000xi32, #tpu.memory_space<hbm>> -> memref<80xi32, #tpu.memory_space<hbm>>
    %dma_wait3A_91 = tpu.memref_slice %arg3[%add3A_89] : memref<640000xi32, #tpu.memory_space<hbm>> -> memref<80xi32, #tpu.memory_space<hbm>>
    tpu.wait_dma2 semaphore(%arg29 : memref<!tpu.dma_semaphore, #tpu.memory_space<semaphore_mem>>) src(%dma_wait3A_91 : memref<80xi32, #tpu.memory_space<hbm>>) dst(%arg15 : memref<80xi32, #tpu.memory_space<vmem>>)
    %dma_start3A_92 = arith.constant 0 : i32
    %dma_start3A_93 = arith.constant 0 : i32
    %dma_start3A_94 = tpu.memref_slice %arg2[%dma_start3A_92, %dma_start3A_93] : memref<10000x128xf32, #tpu.memory_space<hbm>> -> memref<10000x128xf32, #tpu.memory_space<hbm>>
    tpu.enqueue_indirect_dma source(%dma_start3A_94 : memref<10000x128xf32, #tpu.memory_space<hbm>>) target(%arg23 : memref<80x128xf32, #tpu.memory_space<vmem>>) offsets(%arg7 : memref<80xi32, #tpu.memory_space<vmem>>) semaphore(%arg37 : memref<!tpu.dma_semaphore, #tpu.memory_space<semaphore_mem>>)
    %dma_wait3A_95 = arith.constant 0 : i32
    %dma_wait3A_96 = arith.constant 0 : i32
    %dma_wait3A_97 = tpu.memref_slice %arg2[%dma_wait3A_95, %dma_wait3A_96] : memref<10000x128xf32, #tpu.memory_space<hbm>> -> memref<10000x128xf32, #tpu.memory_space<hbm>>
    tpu.wait_indirect_dma semaphore(%arg36 : memref<!tpu.dma_semaphore, #tpu.memory_space<semaphore_mem>>) src(%dma_wait3A_97 : memref<10000x128xf32, #tpu.memory_space<hbm>>) dst(%arg22 : memref<80x128xf32, #tpu.memory_space<vmem>>)
    %dma_start3A_98 = arith.constant 0 : i32
    %dma_start3A_99 = arith.constant 0 : i32
    %dma_start3A_100 = tpu.memref_slice %arg26[%dma_start3A_98, %dma_start3A_99] : memref<10240x128xf32, #tpu.memory_space<vmem_shared>> -> memref<10240x128xf32, #tpu.memory_space<vmem_shared>>
    tpu.enqueue_indirect_dma source(%arg22 : memref<80x128xf32, #tpu.memory_space<vmem>>) target(%dma_start3A_100 : memref<10240x128xf32, #tpu.memory_space<vmem_shared>>) offsets(%arg14 : memref<80xi32, #tpu.memory_space<vmem>>) semaphore(%arg40 : memref<!tpu.dma_semaphore, #tpu.memory_space<semaphore_mem>>) {add = true}
    %dma_wait3A_101 = arith.constant 0 : i32
    %dma_wait3A_102 = arith.constant 0 : i32
    %dma_wait3A_103 = tpu.memref_slice %arg26[%dma_wait3A_101, %dma_wait3A_102] : memref<10240x128xf32, #tpu.memory_space<vmem_shared>> -> memref<10240x128xf32, #tpu.memory_space<vmem_shared>>
    tpu.wait_indirect_dma semaphore(%arg42 : memref<!tpu.dma_semaphore, #tpu.memory_space<semaphore_mem>>) src(%arg24 : memref<80x128xf32, #tpu.memory_space<vmem>>) dst(%dma_wait3A_103 : memref<10240x128xf32, #tpu.memory_space<vmem_shared>>)
    %add3A_104 = arith.constant 9760 : i32
    %add3A_105 = arith.addi %mul3A_2, %add3A_104 : i32
    %dma_wait3A_106 = tpu.memref_slice %arg3[%add3A_105] : memref<640000xi32, #tpu.memory_space<hbm>> -> memref<80xi32, #tpu.memory_space<hbm>>
    %dma_wait3A_107 = tpu.memref_slice %arg3[%add3A_105] : memref<640000xi32, #tpu.memory_space<hbm>> -> memref<80xi32, #tpu.memory_space<hbm>>
    tpu.wait_dma2 semaphore(%arg30 : memref<!tpu.dma_semaphore, #tpu.memory_space<semaphore_mem>>) src(%dma_wait3A_107 : memref<80xi32, #tpu.memory_space<hbm>>) dst(%arg8 : memref<80xi32, #tpu.memory_space<vmem>>)
    %add3A_108 = arith.constant 320000 : i32
    %add3A_109 = arith.addi %add3A_108, %mul3A_2 : i32
    %add3A_110 = arith.constant 9760 : i32
    %add3A_111 = arith.addi %add3A_109, %add3A_110 : i32
    %dma_wait3A_112 = tpu.memref_slice %arg3[%add3A_111] : memref<640000xi32, #tpu.memory_space<hbm>> -> memref<80xi32, #tpu.memory_space<hbm>>
    %dma_wait3A_113 = tpu.memref_slice %arg3[%add3A_111] : memref<640000xi32, #tpu.memory_space<hbm>> -> memref<80xi32, #tpu.memory_space<hbm>>
    tpu.wait_dma2 semaphore(%arg30 : memref<!tpu.dma_semaphore, #tpu.memory_space<semaphore_mem>>) src(%dma_wait3A_113 : memref<80xi32, #tpu.memory_space<hbm>>) dst(%arg16 : memref<80xi32, #tpu.memory_space<vmem>>)
    %dma_start3A_114 = arith.constant 0 : i32
    %dma_start3A_115 = arith.constant 0 : i32
    %dma_start3A_116 = tpu.memref_slice %arg2[%dma_start3A_114, %dma_start3A_115] : memref<10000x128xf32, #tpu.memory_space<hbm>> -> memref<10000x128xf32, #tpu.memory_space<hbm>>
    tpu.enqueue_indirect_dma source(%dma_start3A_116 : memref<10000x128xf32, #tpu.memory_space<hbm>>) target(%arg24 : memref<80x128xf32, #tpu.memory_space<vmem>>) offsets(%arg8 : memref<80xi32, #tpu.memory_space<vmem>>) semaphore(%arg38 : memref<!tpu.dma_semaphore, #tpu.memory_space<semaphore_mem>>)
    %dma_wait3A_117 = arith.constant 0 : i32
    %dma_wait3A_118 = arith.constant 0 : i32
    %dma_wait3A_119 = tpu.memref_slice %arg2[%dma_wait3A_117, %dma_wait3A_118] : memref<10000x128xf32, #tpu.memory_space<hbm>> -> memref<10000x128xf32, #tpu.memory_space<hbm>>
    tpu.wait_indirect_dma semaphore(%arg37 : memref<!tpu.dma_semaphore, #tpu.memory_space<semaphore_mem>>) src(%dma_wait3A_119 : memref<10000x128xf32, #tpu.memory_space<hbm>>) dst(%arg23 : memref<80x128xf32, #tpu.memory_space<vmem>>)
    %dma_start3A_120 = arith.constant 0 : i32
    %dma_start3A_121 = arith.constant 0 : i32
    %dma_start3A_122 = tpu.memref_slice %arg26[%dma_start3A_120, %dma_start3A_121] : memref<10240x128xf32, #tpu.memory_space<vmem_shared>> -> memref<10240x128xf32, #tpu.memory_space<vmem_shared>>
    tpu.enqueue_indirect_dma source(%arg23 : memref<80x128xf32, #tpu.memory_space<vmem>>) target(%dma_start3A_122 : memref<10240x128xf32, #tpu.memory_space<vmem_shared>>) offsets(%arg15 : memref<80xi32, #tpu.memory_space<vmem>>) semaphore(%arg41 : memref<!tpu.dma_semaphore, #tpu.memory_space<semaphore_mem>>) {add = true}
    %dma_wait3A_123 = arith.constant 0 : i32
    %dma_wait3A_124 = arith.constant 0 : i32
    %dma_wait3A_125 = tpu.memref_slice %arg26[%dma_wait3A_123, %dma_wait3A_124] : memref<10240x128xf32, #tpu.memory_space<vmem_shared>> -> memref<10240x128xf32, #tpu.memory_space<vmem_shared>>
    tpu.wait_indirect_dma semaphore(%arg43 : memref<!tpu.dma_semaphore, #tpu.memory_space<semaphore_mem>>) src(%arg25 : memref<80x128xf32, #tpu.memory_space<vmem>>) dst(%dma_wait3A_125 : memref<10240x128xf32, #tpu.memory_space<vmem_shared>>)
    %add3A_126 = arith.constant 9840 : i32
    %add3A_127 = arith.addi %mul3A_2, %add3A_126 : i32
    %dma_wait3A_128 = tpu.memref_slice %arg3[%add3A_127] : memref<640000xi32, #tpu.memory_space<hbm>> -> memref<80xi32, #tpu.memory_space<hbm>>
    %dma_wait3A_129 = tpu.memref_slice %arg3[%add3A_127] : memref<640000xi32, #tpu.memory_space<hbm>> -> memref<80xi32, #tpu.memory_space<hbm>>
    tpu.wait_dma2 semaphore(%arg31 : memref<!tpu.dma_semaphore, #tpu.memory_space<semaphore_mem>>) src(%dma_wait3A_129 : memref<80xi32, #tpu.memory_space<hbm>>) dst(%arg9 : memref<80xi32, #tpu.memory_space<vmem>>)
    %add3A_130 = arith.constant 320000 : i32
    %add3A_131 = arith.addi %add3A_130, %mul3A_2 : i32
    %add3A_132 = arith.constant 9840 : i32
    %add3A_133 = arith.addi %add3A_131, %add3A_132 : i32
    %dma_wait3A_134 = tpu.memref_slice %arg3[%add3A_133] : memref<640000xi32, #tpu.memory_space<hbm>> -> memref<80xi32, #tpu.memory_space<hbm>>
    %dma_wait3A_135 = tpu.memref_slice %arg3[%add3A_133] : memref<640000xi32, #tpu.memory_space<hbm>> -> memref<80xi32, #tpu.memory_space<hbm>>
    tpu.wait_dma2 semaphore(%arg31 : memref<!tpu.dma_semaphore, #tpu.memory_space<semaphore_mem>>) src(%dma_wait3A_135 : memref<80xi32, #tpu.memory_space<hbm>>) dst(%arg17 : memref<80xi32, #tpu.memory_space<vmem>>)
    %dma_start3A_136 = arith.constant 0 : i32
    %dma_start3A_137 = arith.constant 0 : i32
    %dma_start3A_138 = tpu.memref_slice %arg2[%dma_start3A_136, %dma_start3A_137] : memref<10000x128xf32, #tpu.memory_space<hbm>> -> memref<10000x128xf32, #tpu.memory_space<hbm>>
    tpu.enqueue_indirect_dma source(%dma_start3A_138 : memref<10000x128xf32, #tpu.memory_space<hbm>>) target(%arg25 : memref<80x128xf32, #tpu.memory_space<vmem>>) offsets(%arg9 : memref<80xi32, #tpu.memory_space<vmem>>) semaphore(%arg39 : memref<!tpu.dma_semaphore, #tpu.memory_space<semaphore_mem>>)
    %dma_wait3A_139 = arith.constant 0 : i32
    %dma_wait3A_140 = arith.constant 0 : i32
    %dma_wait3A_141 = tpu.memref_slice %arg2[%dma_wait3A_139, %dma_wait3A_140] : memref<10000x128xf32, #tpu.memory_space<hbm>> -> memref<10000x128xf32, #tpu.memory_space<hbm>>
    tpu.wait_indirect_dma semaphore(%arg38 : memref<!tpu.dma_semaphore, #tpu.memory_space<semaphore_mem>>) src(%dma_wait3A_141 : memref<10000x128xf32, #tpu.memory_space<hbm>>) dst(%arg24 : memref<80x128xf32, #tpu.memory_space<vmem>>)
    %dma_start3A_142 = arith.constant 0 : i32
    %dma_start3A_143 = arith.constant 0 : i32
    %dma_start3A_144 = tpu.memref_slice %arg26[%dma_start3A_142, %dma_start3A_143] : memref<10240x128xf32, #tpu.memory_space<vmem_shared>> -> memref<10240x128xf32, #tpu.memory_space<vmem_shared>>
    tpu.enqueue_indirect_dma source(%arg24 : memref<80x128xf32, #tpu.memory_space<vmem>>) target(%dma_start3A_144 : memref<10240x128xf32, #tpu.memory_space<vmem_shared>>) offsets(%arg16 : memref<80xi32, #tpu.memory_space<vmem>>) semaphore(%arg42 : memref<!tpu.dma_semaphore, #tpu.memory_space<semaphore_mem>>) {add = true}
    %dma_wait3A_145 = arith.constant 0 : i32
    %dma_wait3A_146 = arith.constant 0 : i32
    %dma_wait3A_147 = tpu.memref_slice %arg26[%dma_wait3A_145, %dma_wait3A_146] : memref<10240x128xf32, #tpu.memory_space<vmem_shared>> -> memref<10240x128xf32, #tpu.memory_space<vmem_shared>>
    tpu.wait_indirect_dma semaphore(%arg40 : memref<!tpu.dma_semaphore, #tpu.memory_space<semaphore_mem>>) src(%arg22 : memref<80x128xf32, #tpu.memory_space<vmem>>) dst(%dma_wait3A_147 : memref<10240x128xf32, #tpu.memory_space<vmem_shared>>)
    %add3A_148 = arith.constant 9920 : i32
    %add3A_149 = arith.addi %mul3A_2, %add3A_148 : i32
    %dma_wait3A_150 = tpu.memref_slice %arg3[%add3A_149] : memref<640000xi32, #tpu.memory_space<hbm>> -> memref<80xi32, #tpu.memory_space<hbm>>
    %dma_wait3A_151 = tpu.memref_slice %arg3[%add3A_149] : memref<640000xi32, #tpu.memory_space<hbm>> -> memref<80xi32, #tpu.memory_space<hbm>>
    tpu.wait_dma2 semaphore(%arg32 : memref<!tpu.dma_semaphore, #tpu.memory_space<semaphore_mem>>) src(%dma_wait3A_151 : memref<80xi32, #tpu.memory_space<hbm>>) dst(%arg10 : memref<80xi32, #tpu.memory_space<vmem>>)
    %add3A_152 = arith.constant 320000 : i32
    %add3A_153 = arith.addi %add3A_152, %mul3A_2 : i32
    %add3A_154 = arith.constant 9920 : i32
    %add3A_155 = arith.addi %add3A_153, %add3A_154 : i32
    %dma_wait3A_156 = tpu.memref_slice %arg3[%add3A_155] : memref<640000xi32, #tpu.memory_space<hbm>> -> memref<80xi32, #tpu.memory_space<hbm>>
    %dma_wait3A_157 = tpu.memref_slice %arg3[%add3A_155] : memref<640000xi32, #tpu.memory_space<hbm>> -> memref<80xi32, #tpu.memory_space<hbm>>
    tpu.wait_dma2 semaphore(%arg32 : memref<!tpu.dma_semaphore, #tpu.memory_space<semaphore_mem>>) src(%dma_wait3A_157 : memref<80xi32, #tpu.memory_space<hbm>>) dst(%arg18 : memref<80xi32, #tpu.memory_space<vmem>>)
    %dma_start3A_158 = arith.constant 0 : i32
    %dma_start3A_159 = arith.constant 0 : i32
    %dma_start3A_160 = tpu.memref_slice %arg2[%dma_start3A_158, %dma_start3A_159] : memref<10000x128xf32, #tpu.memory_space<hbm>> -> memref<10000x128xf32, #tpu.memory_space<hbm>>
    tpu.enqueue_indirect_dma source(%dma_start3A_160 : memref<10000x128xf32, #tpu.memory_space<hbm>>) target(%arg22 : memref<80x128xf32, #tpu.memory_space<vmem>>) offsets(%arg10 : memref<80xi32, #tpu.memory_space<vmem>>) semaphore(%arg36 : memref<!tpu.dma_semaphore, #tpu.memory_space<semaphore_mem>>)
    %dma_wait3A_161 = arith.constant 0 : i32
    %dma_wait3A_162 = arith.constant 0 : i32
    %dma_wait3A_163 = tpu.memref_slice %arg2[%dma_wait3A_161, %dma_wait3A_162] : memref<10000x128xf32, #tpu.memory_space<hbm>> -> memref<10000x128xf32, #tpu.memory_space<hbm>>
    tpu.wait_indirect_dma semaphore(%arg39 : memref<!tpu.dma_semaphore, #tpu.memory_space<semaphore_mem>>) src(%dma_wait3A_163 : memref<10000x128xf32, #tpu.memory_space<hbm>>) dst(%arg25 : memref<80x128xf32, #tpu.memory_space<vmem>>)
    %dma_start3A_164 = arith.constant 0 : i32
    %dma_start3A_165 = arith.constant 0 : i32
    %dma_start3A_166 = tpu.memref_slice %arg26[%dma_start3A_164, %dma_start3A_165] : memref<10240x128xf32, #tpu.memory_space<vmem_shared>> -> memref<10240x128xf32, #tpu.memory_space<vmem_shared>>
    tpu.enqueue_indirect_dma source(%arg25 : memref<80x128xf32, #tpu.memory_space<vmem>>) target(%dma_start3A_166 : memref<10240x128xf32, #tpu.memory_space<vmem_shared>>) offsets(%arg17 : memref<80xi32, #tpu.memory_space<vmem>>) semaphore(%arg43 : memref<!tpu.dma_semaphore, #tpu.memory_space<semaphore_mem>>) {add = true}
    %dma_wait3A_167 = arith.constant 0 : i32
    %dma_wait3A_168 = arith.constant 0 : i32
    %dma_wait3A_169 = tpu.memref_slice %arg2[%dma_wait3A_167, %dma_wait3A_168] : memref<10000x128xf32, #tpu.memory_space<hbm>> -> memref<10000x128xf32, #tpu.memory_space<hbm>>
    tpu.wait_indirect_dma semaphore(%arg36 : memref<!tpu.dma_semaphore, #tpu.memory_space<semaphore_mem>>) src(%dma_wait3A_169 : memref<10000x128xf32, #tpu.memory_space<hbm>>) dst(%arg22 : memref<80x128xf32, #tpu.memory_space<vmem>>)
    %dma_start3A_170 = arith.constant 0 : i32
    %dma_start3A_171 = arith.constant 0 : i32
    %dma_start3A_172 = tpu.memref_slice %arg26[%dma_start3A_170, %dma_start3A_171] : memref<10240x128xf32, #tpu.memory_space<vmem_shared>> -> memref<10240x128xf32, #tpu.memory_space<vmem_shared>>
    tpu.enqueue_indirect_dma source(%arg22 : memref<80x128xf32, #tpu.memory_space<vmem>>) target(%dma_start3A_172 : memref<10240x128xf32, #tpu.memory_space<vmem_shared>>) offsets(%arg18 : memref<80xi32, #tpu.memory_space<vmem>>) semaphore(%arg40 : memref<!tpu.dma_semaphore, #tpu.memory_space<semaphore_mem>>) {add = true}
    %dma_wait3A_173 = arith.constant 0 : i32
    %dma_wait3A_174 = arith.constant 0 : i32
    %dma_wait3A_175 = tpu.memref_slice %arg26[%dma_wait3A_173, %dma_wait3A_174] : memref<10240x128xf32, #tpu.memory_space<vmem_shared>> -> memref<10240x128xf32, #tpu.memory_space<vmem_shared>>
    tpu.wait_indirect_dma semaphore(%arg41 : memref<!tpu.dma_semaphore, #tpu.memory_space<semaphore_mem>>) src(%arg23 : memref<80x128xf32, #tpu.memory_space<vmem>>) dst(%dma_wait3A_175 : memref<10240x128xf32, #tpu.memory_space<vmem_shared>>)
    %dma_wait3A_176 = arith.constant 0 : i32
    %dma_wait3A_177 = arith.constant 0 : i32
    %dma_wait3A_178 = tpu.memref_slice %arg26[%dma_wait3A_176, %dma_wait3A_177] : memref<10240x128xf32, #tpu.memory_space<vmem_shared>> -> memref<10240x128xf32, #tpu.memory_space<vmem_shared>>
    tpu.wait_indirect_dma semaphore(%arg42 : memref<!tpu.dma_semaphore, #tpu.memory_space<semaphore_mem>>) src(%arg24 : memref<80x128xf32, #tpu.memory_space<vmem>>) dst(%dma_wait3A_178 : memref<10240x128xf32, #tpu.memory_space<vmem_shared>>)
    %dma_wait3A_179 = arith.constant 0 : i32
    %dma_wait3A_180 = arith.constant 0 : i32
    %dma_wait3A_181 = tpu.memref_slice %arg26[%dma_wait3A_179, %dma_wait3A_180] : memref<10240x128xf32, #tpu.memory_space<vmem_shared>> -> memref<10240x128xf32, #tpu.memory_space<vmem_shared>>
    tpu.wait_indirect_dma semaphore(%arg43 : memref<!tpu.dma_semaphore, #tpu.memory_space<semaphore_mem>>) src(%arg25 : memref<80x128xf32, #tpu.memory_space<vmem>>) dst(%dma_wait3A_181 : memref<10240x128xf32, #tpu.memory_space<vmem_shared>>)
    %dma_wait3A_182 = arith.constant 0 : i32
    %dma_wait3A_183 = arith.constant 0 : i32
    %dma_wait3A_184 = tpu.memref_slice %arg26[%dma_wait3A_182, %dma_wait3A_183] : memref<10240x128xf32, #tpu.memory_space<vmem_shared>> -> memref<10240x128xf32, #tpu.memory_space<vmem_shared>>
    tpu.wait_indirect_dma semaphore(%arg40 : memref<!tpu.dma_semaphore, #tpu.memory_space<semaphore_mem>>) src(%arg22 : memref<80x128xf32, #tpu.memory_space<vmem>>) dst(%dma_wait3A_184 : memref<10240x128xf32, #tpu.memory_space<vmem_shared>>)
    %barrier3A_185 = arith.constant 0 : index
    tpu.barrier barrier_id(%barrier3A_185)
    %eq3A_186 = arith.constant 0 : i32
    %eq3A_187 = arith.cmpi eq, %arg1, %eq3A_186 : i32
    %convert_element_type3A_188 = arith.extui %eq3A_187 : i1 to i32
    %cond3A_189 = arith.constant 0 : i32
    %cond3A_190 = arith.cmpi ne, %convert_element_type3A_188, %cond3A_189 : i32
    scf.if %cond3A_190 {
      "tpu.region"() ({
        %run_scoped3A = tpu.sem_alloc : memref<!tpu.dma_semaphore, #tpu.memory_space<semaphore_mem>>
        %dma_start3A_191 = arith.constant 0 : i32
        %dma_start3A_192 = arith.constant 0 : i32
        %dma_start3A_193 = tpu.memref_slice %arg5[%arg0, %dma_start3A_191, %dma_start3A_192] : memref<2x10240x128xf32, #tpu.memory_space<hbm>> -> memref<1x10240x128xf32, #tpu.memory_space<hbm>>
        %dma_start3A_194 = tpu.memref_squeeze %dma_start3A_193 : memref<1x10240x128xf32, #tpu.memory_space<hbm>> -> memref<10240x128xf32, #tpu.memory_space<hbm>>
        tpu.enqueue_dma source(%arg26 : memref<10240x128xf32, #tpu.memory_space<vmem_shared>>) target(%dma_start3A_194 : memref<10240x128xf32, #tpu.memory_space<hbm>>) target_semaphore(%run_scoped3A : memref<!tpu.dma_semaphore, #tpu.memory_space<semaphore_mem>>)
        %dma_wait3A_195 = arith.constant 0 : i32
        %dma_wait3A_196 = arith.constant 0 : i32
        %dma_wait3A_197 = tpu.memref_slice %arg5[%arg0, %dma_wait3A_195, %dma_wait3A_196] : memref<2x10240x128xf32, #tpu.memory_space<hbm>> -> memref<1x10240x128xf32, #tpu.memory_space<hbm>>
        %dma_wait3A_198 = tpu.memref_squeeze %dma_wait3A_197 : memref<1x10240x128xf32, #tpu.memory_space<hbm>> -> memref<10240x128xf32, #tpu.memory_space<hbm>>
        tpu.wait_dma2 semaphore(%run_scoped3A : memref<!tpu.dma_semaphore, #tpu.memory_space<semaphore_mem>>) src(%arg26 : memref<10240x128xf32, #tpu.memory_space<vmem_shared>>) dst(%dma_wait3A_198 : memref<10240x128xf32, #tpu.memory_space<hbm>>)
        tpu.yield
      }) : () -> ()
    } else {
    }
    return
  }
}

#map = affine_map<(d0, d1) -> (0, 0)>
#map1 = affine_map<(d0, d1) -> (0)>
#map2 = affine_map<(d0, d1) -> (0, 0, 0)>
module attributes {stable_mosaic.version = 14 : i64} {
  func.func @k(%arg0: i32, %arg1: i32, %arg2: memref<10000x128xf32, #tpu.memory_space<hbm>>, %arg3: memref<640000xi32, #tpu.memory_space<hbm>>, %arg4: memref<10240x128xf32, #tpu.memory_space<hbm>>, %arg5: memref<2x10240x128xf32, #tpu.memory_space<hbm>>, %arg6: memref<80xi32, #tpu.memory_space<vmem>>, %arg7: memref<80xi32, #tpu.memory_space<vmem>>, %arg8: memref<80xi32, #tpu.memory_space<vmem>>, %arg9: memref<80xi32, #tpu.memory_space<vmem>>, %arg10: memref<80xi32, #tpu.memory_space<vmem>>, %arg11: memref<80xi32, #tpu.memory_space<vmem>>, %arg12: memref<80xi32, #tpu.memory_space<vmem>>, %arg13: memref<80xi32, #tpu.memory_space<vmem>>, %arg14: memref<80xi32, #tpu.memory_space<vmem>>, %arg15: memref<80xi32, #tpu.memory_space<vmem>>, %arg16: memref<80xi32, #tpu.memory_space<vmem>>, %arg17: memref<80xi32, #tpu.memory_space<vmem>>, %arg18: memref<80xi32, #tpu.memory_space<vmem>>, %arg19: memref<80xi32, #tpu.memory_space<vmem>>, %arg20: memref<80xi32, #tpu.memory_space<vmem>>, %arg21: memref<80xi32, #tpu.memory_space<vmem>>, %arg22: memref<80x128xf32, #tpu.memory_space<vmem>>, %arg23: memref<80x128xf32, #tpu.memory_space<vmem>>, %arg24: memref<80x128xf32, #tpu.memory_space<vmem>>, %arg25: memref<80x128xf32, #tpu.memory_space<vmem>>, %arg26: memref<10240x128xf32, #tpu.memory_space<vmem_shared>>, %arg27: memref<!tpu.dma_semaphore, #tpu.memory_space<semaphore_mem>>, %arg28: memref<!tpu.dma_semaphore, #tpu.memory_space<semaphore_mem>>, %arg29: memref<!tpu.dma_semaphore, #tpu.memory_space<semaphore_mem>>, %arg30: memref<!tpu.dma_semaphore, #tpu.memory_space<semaphore_mem>>, %arg31: memref<!tpu.dma_semaphore, #tpu.memory_space<semaphore_mem>>, %arg32: memref<!tpu.dma_semaphore, #tpu.memory_space<semaphore_mem>>, %arg33: memref<!tpu.dma_semaphore, #tpu.memory_space<semaphore_mem>>, %arg34: memref<!tpu.dma_semaphore, #tpu.memory_space<semaphore_mem>>, %arg35: memref<!tpu.dma_semaphore, #tpu.memory_space<semaphore_mem>>, %arg36: memref<!tpu.dma_semaphore, #tpu.memory_space<semaphore_mem>>, %arg37: memref<!tpu.dma_semaphore, #tpu.memory_space<semaphore_mem>>, %arg38: memref<!tpu.dma_semaphore, #tpu.memory_space<semaphore_mem>>, %arg39: memref<!tpu.dma_semaphore, #tpu.memory_space<semaphore_mem>>, %arg40: memref<!tpu.dma_semaphore, #tpu.memory_space<semaphore_mem>>, %arg41: memref<!tpu.dma_semaphore, #tpu.memory_space<semaphore_mem>>, %arg42: memref<!tpu.dma_semaphore, #tpu.memory_space<semaphore_mem>>, %arg43: memref<!tpu.dma_semaphore, #tpu.memory_space<semaphore_mem>>) attributes {dimension_semantics = [#tpu.dimension_semantics<core_parallel>, #tpu.dimension_semantics<subcore_parallel>], iteration_bounds = array<i64: 2, 16>, scalar_prefetch = 0 : i64, scratch_operands = 38 : i64, tpu.core_type = #tpu.core_type<sc_vector_subcore>, window_params = [{transform_indices = #map}, {transform_indices = #map1}, {transform_indices = #map}, {transform_indices = #map2}]} {
    %mul3A = arith.constant 2 : i32
    %mul3A_0 = arith.muli %arg1, %mul3A : i32
    %add3A = arith.addi %mul3A_0, %arg0 : i32
    %mul3A_1 = arith.constant 10000 : i32
    %mul3A_2 = arith.muli %add3A, %mul3A_1 : i32
    %eq3A = arith.constant 0 : i32
    %eq3A_3 = arith.cmpi eq, %arg1, %eq3A : i32
    %convert_element_type3A = arith.extui %eq3A_3 : i1 to i32
    %cond3A = arith.constant 0 : i32
    %cond3A_4 = arith.cmpi ne, %convert_element_type3A, %cond3A : i32
    scf.if %cond3A_4 {
      tpu.enqueue_dma source(%arg4 : memref<10240x128xf32, #tpu.memory_space<hbm>>) target(%arg26 : memref<10240x128xf32, #tpu.memory_space<vmem_shared>>) target_semaphore(%arg27 : memref<!tpu.dma_semaphore, #tpu.memory_space<semaphore_mem>>)
      tpu.wait_dma2 semaphore(%arg27 : memref<!tpu.dma_semaphore, #tpu.memory_space<semaphore_mem>>) src(%arg4 : memref<10240x128xf32, #tpu.memory_space<hbm>>) dst(%arg26 : memref<10240x128xf32, #tpu.memory_space<vmem_shared>>)
    } else {
    }
    %barrier3A = arith.constant 0 : index
    tpu.barrier barrier_id(%barrier3A)
    %add3A_5 = arith.constant 0 : i32
    %add3A_6 = arith.addi %mul3A_2, %add3A_5 : i32
    %dma_start3A = tpu.memref_slice %arg3[%add3A_6] : memref<640000xi32, #tpu.memory_space<hbm>> -> memref<80xi32, #tpu.memory_space<hbm>>
    %dma_start3A_7 = tpu.memref_slice %arg3[%add3A_6] : memref<640000xi32, #tpu.memory_space<hbm>> -> memref<80xi32, #tpu.memory_space<hbm>>
    tpu.enqueue_dma source(%dma_start3A_7 : memref<80xi32, #tpu.memory_space<hbm>>) target(%arg6 : memref<80xi32, #tpu.memory_space<vmem>>) target_semaphore(%arg28 : memref<!tpu.dma_semaphore, #tpu.memory_space<semaphore_mem>>)
    %add3A_8 = arith.constant 320000 : i32
    %add3A_9 = arith.addi %add3A_8, %mul3A_2 : i32
    %add3A_10 = arith.constant 0 : i32
    %add3A_11 = arith.addi %add3A_9, %add3A_10 : i32
    %dma_start3A_12 = tpu.memref_slice %arg3[%add3A_11] : memref<640000xi32, #tpu.memory_space<hbm>> -> memref<80xi32, #tpu.memory_space<hbm>>
    %dma_start3A_13 = tpu.memref_slice %arg3[%add3A_11] : memref<640000xi32, #tpu.memory_space<hbm>> -> memref<80xi32, #tpu.memory_space<hbm>>
    tpu.enqueue_dma source(%dma_start3A_13 : memref<80xi32, #tpu.memory_space<hbm>>) target(%arg14 : memref<80xi32, #tpu.memory_space<vmem>>) target_semaphore(%arg28 : memref<!tpu.dma_semaphore, #tpu.memory_space<semaphore_mem>>)
    %add3A_14 = arith.constant 80 : i32
    %add3A_15 = arith.addi %mul3A_2, %add3A_14 : i32
    %dma_start3A_16 = tpu.memref_slice %arg3[%add3A_15] : memref<640000xi32, #tpu.memory_space<hbm>> -> memref<80xi32, #tpu.memory_space<hbm>>
    %dma_start3A_17 = tpu.memref_slice %arg3[%add3A_15] : memref<640000xi32, #tpu.memory_space<hbm>> -> memref<80xi32, #tpu.memory_space<hbm>>
    tpu.enqueue_dma source(%dma_start3A_17 : memref<80xi32, #tpu.memory_space<hbm>>) target(%arg7 : memref<80xi32, #tpu.memory_space<vmem>>) target_semaphore(%arg29 : memref<!tpu.dma_semaphore, #tpu.memory_space<semaphore_mem>>)
    %add3A_18 = arith.constant 320000 : i32
    %add3A_19 = arith.addi %add3A_18, %mul3A_2 : i32
    %add3A_20 = arith.constant 80 : i32
    %add3A_21 = arith.addi %add3A_19, %add3A_20 : i32
    %dma_start3A_22 = tpu.memref_slice %arg3[%add3A_21] : memref<640000xi32, #tpu.memory_space<hbm>> -> memref<80xi32, #tpu.memory_space<hbm>>
    %dma_start3A_23 = tpu.memref_slice %arg3[%add3A_21] : memref<640000xi32, #tpu.memory_space<hbm>> -> memref<80xi32, #tpu.memory_space<hbm>>
    tpu.enqueue_dma source(%dma_start3A_23 : memref<80xi32, #tpu.memory_space<hbm>>) target(%arg15 : memref<80xi32, #tpu.memory_space<vmem>>) target_semaphore(%arg29 : memref<!tpu.dma_semaphore, #tpu.memory_space<semaphore_mem>>)
    %add3A_24 = arith.constant 160 : i32
    %add3A_25 = arith.addi %mul3A_2, %add3A_24 : i32
    %dma_start3A_26 = tpu.memref_slice %arg3[%add3A_25] : memref<640000xi32, #tpu.memory_space<hbm>> -> memref<80xi32, #tpu.memory_space<hbm>>
    %dma_start3A_27 = tpu.memref_slice %arg3[%add3A_25] : memref<640000xi32, #tpu.memory_space<hbm>> -> memref<80xi32, #tpu.memory_space<hbm>>
    tpu.enqueue_dma source(%dma_start3A_27 : memref<80xi32, #tpu.memory_space<hbm>>) target(%arg8 : memref<80xi32, #tpu.memory_space<vmem>>) target_semaphore(%arg30 : memref<!tpu.dma_semaphore, #tpu.memory_space<semaphore_mem>>)
    %add3A_28 = arith.constant 320000 : i32
    %add3A_29 = arith.addi %add3A_28, %mul3A_2 : i32
    %add3A_30 = arith.constant 160 : i32
    %add3A_31 = arith.addi %add3A_29, %add3A_30 : i32
    %dma_start3A_32 = tpu.memref_slice %arg3[%add3A_31] : memref<640000xi32, #tpu.memory_space<hbm>> -> memref<80xi32, #tpu.memory_space<hbm>>
    %dma_start3A_33 = tpu.memref_slice %arg3[%add3A_31] : memref<640000xi32, #tpu.memory_space<hbm>> -> memref<80xi32, #tpu.memory_space<hbm>>
    tpu.enqueue_dma source(%dma_start3A_33 : memref<80xi32, #tpu.memory_space<hbm>>) target(%arg16 : memref<80xi32, #tpu.memory_space<vmem>>) target_semaphore(%arg30 : memref<!tpu.dma_semaphore, #tpu.memory_space<semaphore_mem>>)
    %add3A_34 = arith.constant 240 : i32
    %add3A_35 = arith.addi %mul3A_2, %add3A_34 : i32
    %dma_start3A_36 = tpu.memref_slice %arg3[%add3A_35] : memref<640000xi32, #tpu.memory_space<hbm>> -> memref<80xi32, #tpu.memory_space<hbm>>
    %dma_start3A_37 = tpu.memref_slice %arg3[%add3A_35] : memref<640000xi32, #tpu.memory_space<hbm>> -> memref<80xi32, #tpu.memory_space<hbm>>
    tpu.enqueue_dma source(%dma_start3A_37 : memref<80xi32, #tpu.memory_space<hbm>>) target(%arg9 : memref<80xi32, #tpu.memory_space<vmem>>) target_semaphore(%arg31 : memref<!tpu.dma_semaphore, #tpu.memory_space<semaphore_mem>>)
    %add3A_38 = arith.constant 320000 : i32
    %add3A_39 = arith.addi %add3A_38, %mul3A_2 : i32
    %add3A_40 = arith.constant 240 : i32
    %add3A_41 = arith.addi %add3A_39, %add3A_40 : i32
    %dma_start3A_42 = tpu.memref_slice %arg3[%add3A_41] : memref<640000xi32, #tpu.memory_space<hbm>> -> memref<80xi32, #tpu.memory_space<hbm>>
    %dma_start3A_43 = tpu.memref_slice %arg3[%add3A_41] : memref<640000xi32, #tpu.memory_space<hbm>> -> memref<80xi32, #tpu.memory_space<hbm>>
    tpu.enqueue_dma source(%dma_start3A_43 : memref<80xi32, #tpu.memory_space<hbm>>) target(%arg17 : memref<80xi32, #tpu.memory_space<vmem>>) target_semaphore(%arg31 : memref<!tpu.dma_semaphore, #tpu.memory_space<semaphore_mem>>)
    %scan3A = arith.constant 0 : i32
    %scan3A_44 = arith.constant 15 : i32
    %scan3A_45 = arith.addi %scan3A, %scan3A_44 : i32
    %scan3A_46 = arith.constant 1 : i32
    scf.for %scan3A_191 = %scan3A to %scan3A_45 step %scan3A_46  : i32 {
      %mul3A_192 = arith.constant 1 : i32
      %mul3A_193 = arith.muli %scan3A_191, %mul3A_192 : i32
      %add3A_194 = arith.constant 0 : i32
      %add3A_195 = arith.addi %add3A_194, %mul3A_193 : i32
      %mul3A_196 = arith.constant 640 : i32
      %mul3A_197 = arith.muli %add3A_195, %mul3A_196 : i32
      %gt3A = arith.constant 0 : i32
      %gt3A_198 = arith.cmpi sgt, %add3A_195, %gt3A : i32
      %convert_element_type3A_199 = arith.extui %gt3A_198 : i1 to i32
      %cond3A_200 = arith.constant 0 : i32
      %cond3A_201 = arith.cmpi ne, %convert_element_type3A_199, %cond3A_200 : i32
      scf.if %cond3A_201 {
        %dma_wait3A_460 = arith.constant 0 : i32
        %dma_wait3A_461 = arith.constant 0 : i32
        %dma_wait3A_462 = tpu.memref_slice %arg26[%dma_wait3A_460, %dma_wait3A_461] : memref<10240x128xf32, #tpu.memory_space<vmem_shared>> -> memref<10240x128xf32, #tpu.memory_space<vmem_shared>>
        tpu.wait_indirect_dma semaphore(%arg40 : memref<!tpu.dma_semaphore, #tpu.memory_space<semaphore_mem>>) src(%arg22 : memref<80x128xf32, #tpu.memory_space<vmem>>) dst(%dma_wait3A_462 : memref<10240x128xf32, #tpu.memory_space<vmem_shared>>)
      } else {
      }
      %add3A_202 = arith.constant 320 : i32
      %add3A_203 = arith.addi %mul3A_197, %add3A_202 : i32
      %add3A_204 = arith.addi %mul3A_2, %add3A_203 : i32
      %dma_start3A_205 = tpu.memref_slice %arg3[%add3A_204] : memref<640000xi32, #tpu.memory_space<hbm>> -> memref<80xi32, #tpu.memory_space<hbm>>
      %dma_start3A_206 = tpu.memref_slice %arg3[%add3A_204] : memref<640000xi32, #tpu.memory_space<hbm>> -> memref<80xi32, #tpu.memory_space<hbm>>
      tpu.enqueue_dma source(%dma_start3A_206 : memref<80xi32, #tpu.memory_space<hbm>>) target(%arg10 : memref<80xi32, #tpu.memory_space<vmem>>) target_semaphore(%arg32 : memref<!tpu.dma_semaphore, #tpu.memory_space<semaphore_mem>>)
      %add3A_207 = arith.constant 320000 : i32
      %add3A_208 = arith.addi %add3A_207, %mul3A_2 : i32
      %add3A_209 = arith.addi %add3A_208, %add3A_203 : i32
      %dma_start3A_210 = tpu.memref_slice %arg3[%add3A_209] : memref<640000xi32, #tpu.memory_space<hbm>> -> memref<80xi32, #tpu.memory_space<hbm>>
      %dma_start3A_211 = tpu.memref_slice %arg3[%add3A_209] : memref<640000xi32, #tpu.memory_space<hbm>> -> memref<80xi32, #tpu.memory_space<hbm>>
      tpu.enqueue_dma source(%dma_start3A_211 : memref<80xi32, #tpu.memory_space<hbm>>) target(%arg18 : memref<80xi32, #tpu.memory_space<vmem>>) target_semaphore(%arg32 : memref<!tpu.dma_semaphore, #tpu.memory_space<semaphore_mem>>)
      %add3A_212 = arith.constant 0 : i32
      %add3A_213 = arith.addi %mul3A_197, %add3A_212 : i32
      %add3A_214 = arith.addi %mul3A_2, %add3A_213 : i32
      %dma_wait3A_215 = tpu.memref_slice %arg3[%add3A_214] : memref<640000xi32, #tpu.memory_space<hbm>> -> memref<80xi32, #tpu.memory_space<hbm>>
      %dma_wait3A_216 = tpu.memref_slice %arg3[%add3A_214] : memref<640000xi32, #tpu.memory_space<hbm>> -> memref<80xi32, #tpu.memory_space<hbm>>
      tpu.wait_dma2 semaphore(%arg28 : memref<!tpu.dma_semaphore, #tpu.memory_space<semaphore_mem>>) src(%dma_wait3A_216 : memref<80xi32, #tpu.memory_space<hbm>>) dst(%arg6 : memref<80xi32, #tpu.memory_space<vmem>>)
      %add3A_217 = arith.constant 320000 : i32
      %add3A_218 = arith.addi %add3A_217, %mul3A_2 : i32
      %add3A_219 = arith.addi %add3A_218, %add3A_213 : i32
      %dma_wait3A_220 = tpu.memref_slice %arg3[%add3A_219] : memref<640000xi32, #tpu.memory_space<hbm>> -> memref<80xi32, #tpu.memory_space<hbm>>
      %dma_wait3A_221 = tpu.memref_slice %arg3[%add3A_219] : memref<640000xi32, #tpu.memory_space<hbm>> -> memref<80xi32, #tpu.memory_space<hbm>>
      tpu.wait_dma2 semaphore(%arg28 : memref<!tpu.dma_semaphore, #tpu.memory_space<semaphore_mem>>) src(%dma_wait3A_221 : memref<80xi32, #tpu.memory_space<hbm>>) dst(%arg14 : memref<80xi32, #tpu.memory_space<vmem>>)
      %dma_start3A_222 = arith.constant 0 : i32
      %dma_start3A_223 = arith.constant 0 : i32
      %dma_start3A_224 = tpu.memref_slice %arg2[%dma_start3A_222, %dma_start3A_223] : memref<10000x128xf32, #tpu.memory_space<hbm>> -> memref<10000x128xf32, #tpu.memory_space<hbm>>
      tpu.enqueue_indirect_dma source(%dma_start3A_224 : memref<10000x128xf32, #tpu.memory_space<hbm>>) target(%arg22 : memref<80x128xf32, #tpu.memory_space<vmem>>) offsets(%arg6 : memref<80xi32, #tpu.memory_space<vmem>>) semaphore(%arg36 : memref<!tpu.dma_semaphore, #tpu.memory_space<semaphore_mem>>)
      %gt3A_225 = arith.constant 0 : i32
      %gt3A_226 = arith.cmpi sgt, %add3A_195, %gt3A_225 : i32
      %convert_element_type3A_227 = arith.extui %gt3A_226 : i1 to i32
      %cond3A_228 = arith.constant 0 : i32
      %cond3A_229 = arith.cmpi ne, %convert_element_type3A_227, %cond3A_228 : i32
      scf.if %cond3A_229 {
        %dma_wait3A_460 = arith.constant 0 : i32
        %dma_wait3A_461 = arith.constant 0 : i32
        %dma_wait3A_462 = tpu.memref_slice %arg2[%dma_wait3A_460, %dma_wait3A_461] : memref<10000x128xf32, #tpu.memory_space<hbm>> -> memref<10000x128xf32, #tpu.memory_space<hbm>>
        tpu.wait_indirect_dma semaphore(%arg39 : memref<!tpu.dma_semaphore, #tpu.memory_space<semaphore_mem>>) src(%dma_wait3A_462 : memref<10000x128xf32, #tpu.memory_space<hbm>>) dst(%arg25 : memref<80x128xf32, #tpu.memory_space<vmem>>)
        %dma_start3A_463 = arith.constant 0 : i32
        %dma_start3A_464 = arith.constant 0 : i32
        %dma_start3A_465 = tpu.memref_slice %arg26[%dma_start3A_463, %dma_start3A_464] : memref<10240x128xf32, #tpu.memory_space<vmem_shared>> -> memref<10240x128xf32, #tpu.memory_space<vmem_shared>>
        tpu.enqueue_indirect_dma source(%arg25 : memref<80x128xf32, #tpu.memory_space<vmem>>) target(%dma_start3A_465 : memref<10240x128xf32, #tpu.memory_space<vmem_shared>>) offsets(%arg21 : memref<80xi32, #tpu.memory_space<vmem>>) semaphore(%arg43 : memref<!tpu.dma_semaphore, #tpu.memory_space<semaphore_mem>>) {add = true}
      } else {
      }
      %gt3A_230 = arith.constant 0 : i32
      %gt3A_231 = arith.cmpi sgt, %add3A_195, %gt3A_230 : i32
      %convert_element_type3A_232 = arith.extui %gt3A_231 : i1 to i32
      %cond3A_233 = arith.constant 0 : i32
      %cond3A_234 = arith.cmpi ne, %convert_element_type3A_232, %cond3A_233 : i32
      scf.if %cond3A_234 {
        %dma_wait3A_460 = arith.constant 0 : i32
        %dma_wait3A_461 = arith.constant 0 : i32
        %dma_wait3A_462 = tpu.memref_slice %arg26[%dma_wait3A_460, %dma_wait3A_461] : memref<10240x128xf32, #tpu.memory_space<vmem_shared>> -> memref<10240x128xf32, #tpu.memory_space<vmem_shared>>
        tpu.wait_indirect_dma semaphore(%arg41 : memref<!tpu.dma_semaphore, #tpu.memory_space<semaphore_mem>>) src(%arg23 : memref<80x128xf32, #tpu.memory_space<vmem>>) dst(%dma_wait3A_462 : memref<10240x128xf32, #tpu.memory_space<vmem_shared>>)
      } else {
      }
      %add3A_235 = arith.constant 400 : i32
      %add3A_236 = arith.addi %mul3A_197, %add3A_235 : i32
      %add3A_237 = arith.addi %mul3A_2, %add3A_236 : i32
      %dma_start3A_238 = tpu.memref_slice %arg3[%add3A_237] : memref<640000xi32, #tpu.memory_space<hbm>> -> memref<80xi32, #tpu.memory_space<hbm>>
      %dma_start3A_239 = tpu.memref_slice %arg3[%add3A_237] : memref<640000xi32, #tpu.memory_space<hbm>> -> memref<80xi32, #tpu.memory_space<hbm>>
      tpu.enqueue_dma source(%dma_start3A_239 : memref<80xi32, #tpu.memory_space<hbm>>) target(%arg11 : memref<80xi32, #tpu.memory_space<vmem>>) target_semaphore(%arg33 : memref<!tpu.dma_semaphore, #tpu.memory_space<semaphore_mem>>)
      %add3A_240 = arith.constant 320000 : i32
      %add3A_241 = arith.addi %add3A_240, %mul3A_2 : i32
      %add3A_242 = arith.addi %add3A_241, %add3A_236 : i32
      %dma_start3A_243 = tpu.memref_slice %arg3[%add3A_242] : memref<640000xi32, #tpu.memory_space<hbm>> -> memref<80xi32, #tpu.memory_space<hbm>>
      %dma_start3A_244 = tpu.memref_slice %arg3[%add3A_242] : memref<640000xi32, #tpu.memory_space<hbm>> -> memref<80xi32, #tpu.memory_space<hbm>>
      tpu.enqueue_dma source(%dma_start3A_244 : memref<80xi32, #tpu.memory_space<hbm>>) target(%arg19 : memref<80xi32, #tpu.memory_space<vmem>>) target_semaphore(%arg33 : memref<!tpu.dma_semaphore, #tpu.memory_space<semaphore_mem>>)
      %add3A_245 = arith.constant 80 : i32
      %add3A_246 = arith.addi %mul3A_197, %add3A_245 : i32
      %add3A_247 = arith.addi %mul3A_2, %add3A_246 : i32
      %dma_wait3A_248 = tpu.memref_slice %arg3[%add3A_247] : memref<640000xi32, #tpu.memory_space<hbm>> -> memref<80xi32, #tpu.memory_space<hbm>>
      %dma_wait3A_249 = tpu.memref_slice %arg3[%add3A_247] : memref<640000xi32, #tpu.memory_space<hbm>> -> memref<80xi32, #tpu.memory_space<hbm>>
      tpu.wait_dma2 semaphore(%arg29 : memref<!tpu.dma_semaphore, #tpu.memory_space<semaphore_mem>>) src(%dma_wait3A_249 : memref<80xi32, #tpu.memory_space<hbm>>) dst(%arg7 : memref<80xi32, #tpu.memory_space<vmem>>)
      %add3A_250 = arith.constant 320000 : i32
      %add3A_251 = arith.addi %add3A_250, %mul3A_2 : i32
      %add3A_252 = arith.addi %add3A_251, %add3A_246 : i32
      %dma_wait3A_253 = tpu.memref_slice %arg3[%add3A_252] : memref<640000xi32, #tpu.memory_space<hbm>> -> memref<80xi32, #tpu.memory_space<hbm>>
      %dma_wait3A_254 = tpu.memref_slice %arg3[%add3A_252] : memref<640000xi32, #tpu.memory_space<hbm>> -> memref<80xi32, #tpu.memory_space<hbm>>
      tpu.wait_dma2 semaphore(%arg29 : memref<!tpu.dma_semaphore, #tpu.memory_space<semaphore_mem>>) src(%dma_wait3A_254 : memref<80xi32, #tpu.memory_space<hbm>>) dst(%arg15 : memref<80xi32, #tpu.memory_space<vmem>>)
      %dma_start3A_255 = arith.constant 0 : i32
      %dma_start3A_256 = arith.constant 0 : i32
      %dma_start3A_257 = tpu.memref_slice %arg2[%dma_start3A_255, %dma_start3A_256] : memref<10000x128xf32, #tpu.memory_space<hbm>> -> memref<10000x128xf32, #tpu.memory_space<hbm>>
      tpu.enqueue_indirect_dma source(%dma_start3A_257 : memref<10000x128xf32, #tpu.memory_space<hbm>>) target(%arg23 : memref<80x128xf32, #tpu.memory_space<vmem>>) offsets(%arg7 : memref<80xi32, #tpu.memory_space<vmem>>) semaphore(%arg37 : memref<!tpu.dma_semaphore, #tpu.memory_space<semaphore_mem>>)
      %dma_wait3A_258 = arith.constant 0 : i32
      %dma_wait3A_259 = arith.constant 0 : i32
      %dma_wait3A_260 = tpu.memref_slice %arg2[%dma_wait3A_258, %dma_wait3A_259] : memref<10000x128xf32, #tpu.memory_space<hbm>> -> memref<10000x128xf32, #tpu.memory_space<hbm>>
      tpu.wait_indirect_dma semaphore(%arg36 : memref<!tpu.dma_semaphore, #tpu.memory_space<semaphore_mem>>) src(%dma_wait3A_260 : memref<10000x128xf32, #tpu.memory_space<hbm>>) dst(%arg22 : memref<80x128xf32, #tpu.memory_space<vmem>>)
      %dma_start3A_261 = arith.constant 0 : i32
      %dma_start3A_262 = arith.constant 0 : i32
      %dma_start3A_263 = tpu.memref_slice %arg26[%dma_start3A_261, %dma_start3A_262] : memref<10240x128xf32, #tpu.memory_space<vmem_shared>> -> memref<10240x128xf32, #tpu.memory_space<vmem_shared>>
      tpu.enqueue_indirect_dma source(%arg22 : memref<80x128xf32, #tpu.memory_space<vmem>>) target(%dma_start3A_263 : memref<10240x128xf32, #tpu.memory_space<vmem_shared>>) offsets(%arg14 : memref<80xi32, #tpu.memory_space<vmem>>) semaphore(%arg40 : memref<!tpu.dma_semaphore, #tpu.memory_space<semaphore_mem>>) {add = true}
      %gt3A_264 = arith.constant 0 : i32
      %gt3A_265 = arith.cmpi sgt, %add3A_195, %gt3A_264 : i32
      %convert_element_type3A_266 = arith.extui %gt3A_265 : i1 to i32
      %cond3A_267 = arith.constant 0 : i32
      %cond3A_268 = arith.cmpi ne, %convert_element_type3A_266, %cond3A_267 : i32
      scf.if %cond3A_268 {
        %dma_wait3A_460 = arith.constant 0 : i32
        %dma_wait3A_461 = arith.constant 0 : i32
        %dma_wait3A_462 = tpu.memref_slice %arg26[%dma_wait3A_460, %dma_wait3A_461] : memref<10240x128xf32, #tpu.memory_space<vmem_shared>> -> memref<10240x128xf32, #tpu.memory_space<vmem_shared>>
        tpu.wait_indirect_dma semaphore(%arg42 : memref<!tpu.dma_semaphore, #tpu.memory_space<semaphore_mem>>) src(%arg24 : memref<80x128xf32, #tpu.memory_space<vmem>>) dst(%dma_wait3A_462 : memref<10240x128xf32, #tpu.memory_space<vmem_shared>>)
      } else {
      }
      %add3A_269 = arith.constant 480 : i32
      %add3A_270 = arith.addi %mul3A_197, %add3A_269 : i32
      %add3A_271 = arith.addi %mul3A_2, %add3A_270 : i32
      %dma_start3A_272 = tpu.memref_slice %arg3[%add3A_271] : memref<640000xi32, #tpu.memory_space<hbm>> -> memref<80xi32, #tpu.memory_space<hbm>>
      %dma_start3A_273 = tpu.memref_slice %arg3[%add3A_271] : memref<640000xi32, #tpu.memory_space<hbm>> -> memref<80xi32, #tpu.memory_space<hbm>>
      tpu.enqueue_dma source(%dma_start3A_273 : memref<80xi32, #tpu.memory_space<hbm>>) target(%arg12 : memref<80xi32, #tpu.memory_space<vmem>>) target_semaphore(%arg34 : memref<!tpu.dma_semaphore, #tpu.memory_space<semaphore_mem>>)
      %add3A_274 = arith.constant 320000 : i32
      %add3A_275 = arith.addi %add3A_274, %mul3A_2 : i32
      %add3A_276 = arith.addi %add3A_275, %add3A_270 : i32
      %dma_start3A_277 = tpu.memref_slice %arg3[%add3A_276] : memref<640000xi32, #tpu.memory_space<hbm>> -> memref<80xi32, #tpu.memory_space<hbm>>
      %dma_start3A_278 = tpu.memref_slice %arg3[%add3A_276] : memref<640000xi32, #tpu.memory_space<hbm>> -> memref<80xi32, #tpu.memory_space<hbm>>
      tpu.enqueue_dma source(%dma_start3A_278 : memref<80xi32, #tpu.memory_space<hbm>>) target(%arg20 : memref<80xi32, #tpu.memory_space<vmem>>) target_semaphore(%arg34 : memref<!tpu.dma_semaphore, #tpu.memory_space<semaphore_mem>>)
      %add3A_279 = arith.constant 160 : i32
      %add3A_280 = arith.addi %mul3A_197, %add3A_279 : i32
      %add3A_281 = arith.addi %mul3A_2, %add3A_280 : i32
      %dma_wait3A_282 = tpu.memref_slice %arg3[%add3A_281] : memref<640000xi32, #tpu.memory_space<hbm>> -> memref<80xi32, #tpu.memory_space<hbm>>
      %dma_wait3A_283 = tpu.memref_slice %arg3[%add3A_281] : memref<640000xi32, #tpu.memory_space<hbm>> -> memref<80xi32, #tpu.memory_space<hbm>>
      tpu.wait_dma2 semaphore(%arg30 : memref<!tpu.dma_semaphore, #tpu.memory_space<semaphore_mem>>) src(%dma_wait3A_283 : memref<80xi32, #tpu.memory_space<hbm>>) dst(%arg8 : memref<80xi32, #tpu.memory_space<vmem>>)
      %add3A_284 = arith.constant 320000 : i32
      %add3A_285 = arith.addi %add3A_284, %mul3A_2 : i32
      %add3A_286 = arith.addi %add3A_285, %add3A_280 : i32
      %dma_wait3A_287 = tpu.memref_slice %arg3[%add3A_286] : memref<640000xi32, #tpu.memory_space<hbm>> -> memref<80xi32, #tpu.memory_space<hbm>>
      %dma_wait3A_288 = tpu.memref_slice %arg3[%add3A_286] : memref<640000xi32, #tpu.memory_space<hbm>> -> memref<80xi32, #tpu.memory_space<hbm>>
      tpu.wait_dma2 semaphore(%arg30 : memref<!tpu.dma_semaphore, #tpu.memory_space<semaphore_mem>>) src(%dma_wait3A_288 : memref<80xi32, #tpu.memory_space<hbm>>) dst(%arg16 : memref<80xi32, #tpu.memory_space<vmem>>)
      %dma_start3A_289 = arith.constant 0 : i32
      %dma_start3A_290 = arith.constant 0 : i32
      %dma_start3A_291 = tpu.memref_slice %arg2[%dma_start3A_289, %dma_start3A_290] : memref<10000x128xf32, #tpu.memory_space<hbm>> -> memref<10000x128xf32, #tpu.memory_space<hbm>>
      tpu.enqueue_indirect_dma source(%dma_start3A_291 : memref<10000x128xf32, #tpu.memory_space<hbm>>) target(%arg24 : memref<80x128xf32, #tpu.memory_space<vmem>>) offsets(%arg8 : memref<80xi32, #tpu.memory_space<vmem>>) semaphore(%arg38 : memref<!tpu.dma_semaphore, #tpu.memory_space<semaphore_mem>>)
      %dma_wait3A_292 = arith.constant 0 : i32
      %dma_wait3A_293 = arith.constant 0 : i32
      %dma_wait3A_294 = tpu.memref_slice %arg2[%dma_wait3A_292, %dma_wait3A_293] : memref<10000x128xf32, #tpu.memory_space<hbm>> -> memref<10000x128xf32, #tpu.memory_space<hbm>>
      tpu.wait_indirect_dma semaphore(%arg37 : memref<!tpu.dma_semaphore, #tpu.memory_space<semaphore_mem>>) src(%dma_wait3A_294 : memref<10000x128xf32, #tpu.memory_space<hbm>>) dst(%arg23 : memref<80x128xf32, #tpu.memory_space<vmem>>)
      %dma_start3A_295 = arith.constant 0 : i32
      %dma_start3A_296 = arith.constant 0 : i32
      %dma_start3A_297 = tpu.memref_slice %arg26[%dma_start3A_295, %dma_start3A_296] : memref<10240x128xf32, #tpu.memory_space<vmem_shared>> -> memref<10240x128xf32, #tpu.memory_space<vmem_shared>>
      tpu.enqueue_indirect_dma source(%arg23 : memref<80x128xf32, #tpu.memory_space<vmem>>) target(%dma_start3A_297 : memref<10240x128xf32, #tpu.memory_space<vmem_shared>>) offsets(%arg15 : memref<80xi32, #tpu.memory_space<vmem>>) semaphore(%arg41 : memref<!tpu.dma_semaphore, #tpu.memory_space<semaphore_mem>>) {add = true}
      %gt3A_298 = arith.constant 0 : i32
      %gt3A_299 = arith.cmpi sgt, %add3A_195, %gt3A_298 : i32
      %convert_element_type3A_300 = arith.extui %gt3A_299 : i1 to i32
      %cond3A_301 = arith.constant 0 : i32
      %cond3A_302 = arith.cmpi ne, %convert_element_type3A_300, %cond3A_301 : i32
      scf.if %cond3A_302 {
        %dma_wait3A_460 = arith.constant 0 : i32
        %dma_wait3A_461 = arith.constant 0 : i32
        %dma_wait3A_462 = tpu.memref_slice %arg26[%dma_wait3A_460, %dma_wait3A_461] : memref<10240x128xf32, #tpu.memory_space<vmem_shared>> -> memref<10240x128xf32, #tpu.memory_space<vmem_shared>>
        tpu.wait_indirect_dma semaphore(%arg43 : memref<!tpu.dma_semaphore, #tpu.memory_space<semaphore_mem>>) src(%arg25 : memref<80x128xf32, #tpu.memory_space<vmem>>) dst(%dma_wait3A_462 : memref<10240x128xf32, #tpu.memory_space<vmem_shared>>)
      } else {
      }
      %add3A_303 = arith.constant 560 : i32
      %add3A_304 = arith.addi %mul3A_197, %add3A_303 : i32
      %add3A_305 = arith.addi %mul3A_2, %add3A_304 : i32
      %dma_start3A_306 = tpu.memref_slice %arg3[%add3A_305] : memref<640000xi32, #tpu.memory_space<hbm>> -> memref<80xi32, #tpu.memory_space<hbm>>
      %dma_start3A_307 = tpu.memref_slice %arg3[%add3A_305] : memref<640000xi32, #tpu.memory_space<hbm>> -> memref<80xi32, #tpu.memory_space<hbm>>
      tpu.enqueue_dma source(%dma_start3A_307 : memref<80xi32, #tpu.memory_space<hbm>>) target(%arg13 : memref<80xi32, #tpu.memory_space<vmem>>) target_semaphore(%arg35 : memref<!tpu.dma_semaphore, #tpu.memory_space<semaphore_mem>>)
      %add3A_308 = arith.constant 320000 : i32
      %add3A_309 = arith.addi %add3A_308, %mul3A_2 : i32
      %add3A_310 = arith.addi %add3A_309, %add3A_304 : i32
      %dma_start3A_311 = tpu.memref_slice %arg3[%add3A_310] : memref<640000xi32, #tpu.memory_space<hbm>> -> memref<80xi32, #tpu.memory_space<hbm>>
      %dma_start3A_312 = tpu.memref_slice %arg3[%add3A_310] : memref<640000xi32, #tpu.memory_space<hbm>> -> memref<80xi32, #tpu.memory_space<hbm>>
      tpu.enqueue_dma source(%dma_start3A_312 : memref<80xi32, #tpu.memory_space<hbm>>) target(%arg21 : memref<80xi32, #tpu.memory_space<vmem>>) target_semaphore(%arg35 : memref<!tpu.dma_semaphore, #tpu.memory_space<semaphore_mem>>)
      %add3A_313 = arith.constant 240 : i32
      %add3A_314 = arith.addi %mul3A_197, %add3A_313 : i32
      %add3A_315 = arith.addi %mul3A_2, %add3A_314 : i32
      %dma_wait3A_316 = tpu.memref_slice %arg3[%add3A_315] : memref<640000xi32, #tpu.memory_space<hbm>> -> memref<80xi32, #tpu.memory_space<hbm>>
      %dma_wait3A_317 = tpu.memref_slice %arg3[%add3A_315] : memref<640000xi32, #tpu.memory_space<hbm>> -> memref<80xi32, #tpu.memory_space<hbm>>
      tpu.wait_dma2 semaphore(%arg31 : memref<!tpu.dma_semaphore, #tpu.memory_space<semaphore_mem>>) src(%dma_wait3A_317 : memref<80xi32, #tpu.memory_space<hbm>>) dst(%arg9 : memref<80xi32, #tpu.memory_space<vmem>>)
      %add3A_318 = arith.constant 320000 : i32
      %add3A_319 = arith.addi %add3A_318, %mul3A_2 : i32
      %add3A_320 = arith.addi %add3A_319, %add3A_314 : i32
      %dma_wait3A_321 = tpu.memref_slice %arg3[%add3A_320] : memref<640000xi32, #tpu.memory_space<hbm>> -> memref<80xi32, #tpu.memory_space<hbm>>
      %dma_wait3A_322 = tpu.memref_slice %arg3[%add3A_320] : memref<640000xi32, #tpu.memory_space<hbm>> -> memref<80xi32, #tpu.memory_space<hbm>>
      tpu.wait_dma2 semaphore(%arg31 : memref<!tpu.dma_semaphore, #tpu.memory_space<semaphore_mem>>) src(%dma_wait3A_322 : memref<80xi32, #tpu.memory_space<hbm>>) dst(%arg17 : memref<80xi32, #tpu.memory_space<vmem>>)
      %dma_start3A_323 = arith.constant 0 : i32
      %dma_start3A_324 = arith.constant 0 : i32
      %dma_start3A_325 = tpu.memref_slice %arg2[%dma_start3A_323, %dma_start3A_324] : memref<10000x128xf32, #tpu.memory_space<hbm>> -> memref<10000x128xf32, #tpu.memory_space<hbm>>
      tpu.enqueue_indirect_dma source(%dma_start3A_325 : memref<10000x128xf32, #tpu.memory_space<hbm>>) target(%arg25 : memref<80x128xf32, #tpu.memory_space<vmem>>) offsets(%arg9 : memref<80xi32, #tpu.memory_space<vmem>>) semaphore(%arg39 : memref<!tpu.dma_semaphore, #tpu.memory_space<semaphore_mem>>)
      %dma_wait3A_326 = arith.constant 0 : i32
      %dma_wait3A_327 = arith.constant 0 : i32
      %dma_wait3A_328 = tpu.memref_slice %arg2[%dma_wait3A_326, %dma_wait3A_327] : memref<10000x128xf32, #tpu.memory_space<hbm>> -> memref<10000x128xf32, #tpu.memory_space<hbm>>
      tpu.wait_indirect_dma semaphore(%arg38 : memref<!tpu.dma_semaphore, #tpu.memory_space<semaphore_mem>>) src(%dma_wait3A_328 : memref<10000x128xf32, #tpu.memory_space<hbm>>) dst(%arg24 : memref<80x128xf32, #tpu.memory_space<vmem>>)
      %dma_start3A_329 = arith.constant 0 : i32
      %dma_start3A_330 = arith.constant 0 : i32
      %dma_start3A_331 = tpu.memref_slice %arg26[%dma_start3A_329, %dma_start3A_330] : memref<10240x128xf32, #tpu.memory_space<vmem_shared>> -> memref<10240x128xf32, #tpu.memory_space<vmem_shared>>
      tpu.enqueue_indirect_dma source(%arg24 : memref<80x128xf32, #tpu.memory_space<vmem>>) target(%dma_start3A_331 : memref<10240x128xf32, #tpu.memory_space<vmem_shared>>) offsets(%arg16 : memref<80xi32, #tpu.memory_space<vmem>>) semaphore(%arg42 : memref<!tpu.dma_semaphore, #tpu.memory_space<semaphore_mem>>) {add = true}
      %dma_wait3A_332 = arith.constant 0 : i32
      %dma_wait3A_333 = arith.constant 0 : i32
      %dma_wait3A_334 = tpu.memref_slice %arg26[%dma_wait3A_332, %dma_wait3A_333] : memref<10240x128xf32, #tpu.memory_space<vmem_shared>> -> memref<10240x128xf32, #tpu.memory_space<vmem_shared>>
      tpu.wait_indirect_dma semaphore(%arg40 : memref<!tpu.dma_semaphore, #tpu.memory_space<semaphore_mem>>) src(%arg22 : memref<80x128xf32, #tpu.memory_space<vmem>>) dst(%dma_wait3A_334 : memref<10240x128xf32, #tpu.memory_space<vmem_shared>>)
      %add3A_335 = arith.constant 640 : i32
      %add3A_336 = arith.addi %mul3A_197, %add3A_335 : i32
      %add3A_337 = arith.addi %mul3A_2, %add3A_336 : i32
      %dma_start3A_338 = tpu.memref_slice %arg3[%add3A_337] : memref<640000xi32, #tpu.memory_space<hbm>> -> memref<80xi32, #tpu.memory_space<hbm>>
      %dma_start3A_339 = tpu.memref_slice %arg3[%add3A_337] : memref<640000xi32, #tpu.memory_space<hbm>> -> memref<80xi32, #tpu.memory_space<hbm>>
      tpu.enqueue_dma source(%dma_start3A_339 : memref<80xi32, #tpu.memory_space<hbm>>) target(%arg6 : memref<80xi32, #tpu.memory_space<vmem>>) target_semaphore(%arg28 : memref<!tpu.dma_semaphore, #tpu.memory_space<semaphore_mem>>)
      %add3A_340 = arith.constant 320000 : i32
      %add3A_341 = arith.addi %add3A_340, %mul3A_2 : i32
      %add3A_342 = arith.addi %add3A_341, %add3A_336 : i32
      %dma_start3A_343 = tpu.memref_slice %arg3[%add3A_342] : memref<640000xi32, #tpu.memory_space<hbm>> -> memref<80xi32, #tpu.memory_space<hbm>>
      %dma_start3A_344 = tpu.memref_slice %arg3[%add3A_342] : memref<640000xi32, #tpu.memory_space<hbm>> -> memref<80xi32, #tpu.memory_space<hbm>>
      tpu.enqueue_dma source(%dma_start3A_344 : memref<80xi32, #tpu.memory_space<hbm>>) target(%arg14 : memref<80xi32, #tpu.memory_space<vmem>>) target_semaphore(%arg28 : memref<!tpu.dma_semaphore, #tpu.memory_space<semaphore_mem>>)
      %add3A_345 = arith.constant 320 : i32
      %add3A_346 = arith.addi %mul3A_197, %add3A_345 : i32
      %add3A_347 = arith.addi %mul3A_2, %add3A_346 : i32
      %dma_wait3A_348 = tpu.memref_slice %arg3[%add3A_347] : memref<640000xi32, #tpu.memory_space<hbm>> -> memref<80xi32, #tpu.memory_space<hbm>>
      %dma_wait3A_349 = tpu.memref_slice %arg3[%add3A_347] : memref<640000xi32, #tpu.memory_space<hbm>> -> memref<80xi32, #tpu.memory_space<hbm>>
      tpu.wait_dma2 semaphore(%arg32 : memref<!tpu.dma_semaphore, #tpu.memory_space<semaphore_mem>>) src(%dma_wait3A_349 : memref<80xi32, #tpu.memory_space<hbm>>) dst(%arg10 : memref<80xi32, #tpu.memory_space<vmem>>)
      %add3A_350 = arith.constant 320000 : i32
      %add3A_351 = arith.addi %add3A_350, %mul3A_2 : i32
      %add3A_352 = arith.addi %add3A_351, %add3A_346 : i32
      %dma_wait3A_353 = tpu.memref_slice %arg3[%add3A_352] : memref<640000xi32, #tpu.memory_space<hbm>> -> memref<80xi32, #tpu.memory_space<hbm>>
      %dma_wait3A_354 = tpu.memref_slice %arg3[%add3A_352] : memref<640000xi32, #tpu.memory_space<hbm>> -> memref<80xi32, #tpu.memory_space<hbm>>
      tpu.wait_dma2 semaphore(%arg32 : memref<!tpu.dma_semaphore, #tpu.memory_space<semaphore_mem>>) src(%dma_wait3A_354 : memref<80xi32, #tpu.memory_space<hbm>>) dst(%arg18 : memref<80xi32, #tpu.memory_space<vmem>>)
      %dma_start3A_355 = arith.constant 0 : i32
      %dma_start3A_356 = arith.constant 0 : i32
      %dma_start3A_357 = tpu.memref_slice %arg2[%dma_start3A_355, %dma_start3A_356] : memref<10000x128xf32, #tpu.memory_space<hbm>> -> memref<10000x128xf32, #tpu.memory_space<hbm>>
      tpu.enqueue_indirect_dma source(%dma_start3A_357 : memref<10000x128xf32, #tpu.memory_space<hbm>>) target(%arg22 : memref<80x128xf32, #tpu.memory_space<vmem>>) offsets(%arg10 : memref<80xi32, #tpu.memory_space<vmem>>) semaphore(%arg36 : memref<!tpu.dma_semaphore, #tpu.memory_space<semaphore_mem>>)
      %dma_wait3A_358 = arith.constant 0 : i32
      %dma_wait3A_359 = arith.constant 0 : i32
      %dma_wait3A_360 = tpu.memref_slice %arg2[%dma_wait3A_358, %dma_wait3A_359] : memref<10000x128xf32, #tpu.memory_space<hbm>> -> memref<10000x128xf32, #tpu.memory_space<hbm>>
      tpu.wait_indirect_dma semaphore(%arg39 : memref<!tpu.dma_semaphore, #tpu.memory_space<semaphore_mem>>) src(%dma_wait3A_360 : memref<10000x128xf32, #tpu.memory_space<hbm>>) dst(%arg25 : memref<80x128xf32, #tpu.memory_space<vmem>>)
      %dma_start3A_361 = arith.constant 0 : i32
      %dma_start3A_362 = arith.constant 0 : i32
      %dma_start3A_363 = tpu.memref_slice %arg26[%dma_start3A_361, %dma_start3A_362] : memref<10240x128xf32, #tpu.memory_space<vmem_shared>> -> memref<10240x128xf32, #tpu.memory_space<vmem_shared>>
      tpu.enqueue_indirect_dma source(%arg25 : memref<80x128xf32, #tpu.memory_space<vmem>>) target(%dma_start3A_363 : memref<10240x128xf32, #tpu.memory_space<vmem_shared>>) offsets(%arg17 : memref<80xi32, #tpu.memory_space<vmem>>) semaphore(%arg43 : memref<!tpu.dma_semaphore, #tpu.memory_space<semaphore_mem>>) {add = true}
      %dma_wait3A_364 = arith.constant 0 : i32
      %dma_wait3A_365 = arith.constant 0 : i32
      %dma_wait3A_366 = tpu.memref_slice %arg26[%dma_wait3A_364, %dma_wait3A_365] : memref<10240x128xf32, #tpu.memory_space<vmem_shared>> -> memref<10240x128xf32, #tpu.memory_space<vmem_shared>>
      tpu.wait_indirect_dma semaphore(%arg41 : memref<!tpu.dma_semaphore, #tpu.memory_space<semaphore_mem>>) src(%arg23 : memref<80x128xf32, #tpu.memory_space<vmem>>) dst(%dma_wait3A_366 : memref<10240x128xf32, #tpu.memory_space<vmem_shared>>)
      %add3A_367 = arith.constant 720 : i32
      %add3A_368 = arith.addi %mul3A_197, %add3A_367 : i32
      %add3A_369 = arith.addi %mul3A_2, %add3A_368 : i32
      %dma_start3A_370 = tpu.memref_slice %arg3[%add3A_369] : memref<640000xi32, #tpu.memory_space<hbm>> -> memref<80xi32, #tpu.memory_space<hbm>>
      %dma_start3A_371 = tpu.memref_slice %arg3[%add3A_369] : memref<640000xi32, #tpu.memory_space<hbm>> -> memref<80xi32, #tpu.memory_space<hbm>>
      tpu.enqueue_dma source(%dma_start3A_371 : memref<80xi32, #tpu.memory_space<hbm>>) target(%arg7 : memref<80xi32, #tpu.memory_space<vmem>>) target_semaphore(%arg29 : memref<!tpu.dma_semaphore, #tpu.memory_space<semaphore_mem>>)
      %add3A_372 = arith.constant 320000 : i32
      %add3A_373 = arith.addi %add3A_372, %mul3A_2 : i32
      %add3A_374 = arith.addi %add3A_373, %add3A_368 : i32
      %dma_start3A_375 = tpu.memref_slice %arg3[%add3A_374] : memref<640000xi32, #tpu.memory_space<hbm>> -> memref<80xi32, #tpu.memory_space<hbm>>
      %dma_start3A_376 = tpu.memref_slice %arg3[%add3A_374] : memref<640000xi32, #tpu.memory_space<hbm>> -> memref<80xi32, #tpu.memory_space<hbm>>
      tpu.enqueue_dma source(%dma_start3A_376 : memref<80xi32, #tpu.memory_space<hbm>>) target(%arg15 : memref<80xi32, #tpu.memory_space<vmem>>) target_semaphore(%arg29 : memref<!tpu.dma_semaphore, #tpu.memory_space<semaphore_mem>>)
      %add3A_377 = arith.constant 400 : i32
      %add3A_378 = arith.addi %mul3A_197, %add3A_377 : i32
      %add3A_379 = arith.addi %mul3A_2, %add3A_378 : i32
      %dma_wait3A_380 = tpu.memref_slice %arg3[%add3A_379] : memref<640000xi32, #tpu.memory_space<hbm>> -> memref<80xi32, #tpu.memory_space<hbm>>
      %dma_wait3A_381 = tpu.memref_slice %arg3[%add3A_379] : memref<640000xi32, #tpu.memory_space<hbm>> -> memref<80xi32, #tpu.memory_space<hbm>>
      tpu.wait_dma2 semaphore(%arg33 : memref<!tpu.dma_semaphore, #tpu.memory_space<semaphore_mem>>) src(%dma_wait3A_381 : memref<80xi32, #tpu.memory_space<hbm>>) dst(%arg11 : memref<80xi32, #tpu.memory_space<vmem>>)
      %add3A_382 = arith.constant 320000 : i32
      %add3A_383 = arith.addi %add3A_382, %mul3A_2 : i32
      %add3A_384 = arith.addi %add3A_383, %add3A_378 : i32
      %dma_wait3A_385 = tpu.memref_slice %arg3[%add3A_384] : memref<640000xi32, #tpu.memory_space<hbm>> -> memref<80xi32, #tpu.memory_space<hbm>>
      %dma_wait3A_386 = tpu.memref_slice %arg3[%add3A_384] : memref<640000xi32, #tpu.memory_space<hbm>> -> memref<80xi32, #tpu.memory_space<hbm>>
      tpu.wait_dma2 semaphore(%arg33 : memref<!tpu.dma_semaphore, #tpu.memory_space<semaphore_mem>>) src(%dma_wait3A_386 : memref<80xi32, #tpu.memory_space<hbm>>) dst(%arg19 : memref<80xi32, #tpu.memory_space<vmem>>)
      %dma_start3A_387 = arith.constant 0 : i32
      %dma_start3A_388 = arith.constant 0 : i32
      %dma_start3A_389 = tpu.memref_slice %arg2[%dma_start3A_387, %dma_start3A_388] : memref<10000x128xf32, #tpu.memory_space<hbm>> -> memref<10000x128xf32, #tpu.memory_space<hbm>>
      tpu.enqueue_indirect_dma source(%dma_start3A_389 : memref<10000x128xf32, #tpu.memory_space<hbm>>) target(%arg23 : memref<80x128xf32, #tpu.memory_space<vmem>>) offsets(%arg11 : memref<80xi32, #tpu.memory_space<vmem>>) semaphore(%arg37 : memref<!tpu.dma_semaphore, #tpu.memory_space<semaphore_mem>>)
      %dma_wait3A_390 = arith.constant 0 : i32
      %dma_wait3A_391 = arith.constant 0 : i32
      %dma_wait3A_392 = tpu.memref_slice %arg2[%dma_wait3A_390, %dma_wait3A_391] : memref<10000x128xf32, #tpu.memory_space<hbm>> -> memref<10000x128xf32, #tpu.memory_space<hbm>>
      tpu.wait_indirect_dma semaphore(%arg36 : memref<!tpu.dma_semaphore, #tpu.memory_space<semaphore_mem>>) src(%dma_wait3A_392 : memref<10000x128xf32, #tpu.memory_space<hbm>>) dst(%arg22 : memref<80x128xf32, #tpu.memory_space<vmem>>)
      %dma_start3A_393 = arith.constant 0 : i32
      %dma_start3A_394 = arith.constant 0 : i32
      %dma_start3A_395 = tpu.memref_slice %arg26[%dma_start3A_393, %dma_start3A_394] : memref<10240x128xf32, #tpu.memory_space<vmem_shared>> -> memref<10240x128xf32, #tpu.memory_space<vmem_shared>>
      tpu.enqueue_indirect_dma source(%arg22 : memref<80x128xf32, #tpu.memory_space<vmem>>) target(%dma_start3A_395 : memref<10240x128xf32, #tpu.memory_space<vmem_shared>>) offsets(%arg18 : memref<80xi32, #tpu.memory_space<vmem>>) semaphore(%arg40 : memref<!tpu.dma_semaphore, #tpu.memory_space<semaphore_mem>>) {add = true}
      %dma_wait3A_396 = arith.constant 0 : i32
      %dma_wait3A_397 = arith.constant 0 : i32
      %dma_wait3A_398 = tpu.memref_slice %arg26[%dma_wait3A_396, %dma_wait3A_397] : memref<10240x128xf32, #tpu.memory_space<vmem_shared>> -> memref<10240x128xf32, #tpu.memory_space<vmem_shared>>
      tpu.wait_indirect_dma semaphore(%arg42 : memref<!tpu.dma_semaphore, #tpu.memory_space<semaphore_mem>>) src(%arg24 : memref<80x128xf32, #tpu.memory_space<vmem>>) dst(%dma_wait3A_398 : memref<10240x128xf32, #tpu.memory_space<vmem_shared>>)
      %add3A_399 = arith.constant 800 : i32
      %add3A_400 = arith.addi %mul3A_197, %add3A_399 : i32
      %add3A_401 = arith.addi %mul3A_2, %add3A_400 : i32
      %dma_start3A_402 = tpu.memref_slice %arg3[%add3A_401] : memref<640000xi32, #tpu.memory_space<hbm>> -> memref<80xi32, #tpu.memory_space<hbm>>
      %dma_start3A_403 = tpu.memref_slice %arg3[%add3A_401] : memref<640000xi32, #tpu.memory_space<hbm>> -> memref<80xi32, #tpu.memory_space<hbm>>
      tpu.enqueue_dma source(%dma_start3A_403 : memref<80xi32, #tpu.memory_space<hbm>>) target(%arg8 : memref<80xi32, #tpu.memory_space<vmem>>) target_semaphore(%arg30 : memref<!tpu.dma_semaphore, #tpu.memory_space<semaphore_mem>>)
      %add3A_404 = arith.constant 320000 : i32
      %add3A_405 = arith.addi %add3A_404, %mul3A_2 : i32
      %add3A_406 = arith.addi %add3A_405, %add3A_400 : i32
      %dma_start3A_407 = tpu.memref_slice %arg3[%add3A_406] : memref<640000xi32, #tpu.memory_space<hbm>> -> memref<80xi32, #tpu.memory_space<hbm>>
      %dma_start3A_408 = tpu.memref_slice %arg3[%add3A_406] : memref<640000xi32, #tpu.memory_space<hbm>> -> memref<80xi32, #tpu.memory_space<hbm>>
      tpu.enqueue_dma source(%dma_start3A_408 : memref<80xi32, #tpu.memory_space<hbm>>) target(%arg16 : memref<80xi32, #tpu.memory_space<vmem>>) target_semaphore(%arg30 : memref<!tpu.dma_semaphore, #tpu.memory_space<semaphore_mem>>)
      %add3A_409 = arith.constant 480 : i32
      %add3A_410 = arith.addi %mul3A_197, %add3A_409 : i32
      %add3A_411 = arith.addi %mul3A_2, %add3A_410 : i32
      %dma_wait3A_412 = tpu.memref_slice %arg3[%add3A_411] : memref<640000xi32, #tpu.memory_space<hbm>> -> memref<80xi32, #tpu.memory_space<hbm>>
      %dma_wait3A_413 = tpu.memref_slice %arg3[%add3A_411] : memref<640000xi32, #tpu.memory_space<hbm>> -> memref<80xi32, #tpu.memory_space<hbm>>
      tpu.wait_dma2 semaphore(%arg34 : memref<!tpu.dma_semaphore, #tpu.memory_space<semaphore_mem>>) src(%dma_wait3A_413 : memref<80xi32, #tpu.memory_space<hbm>>) dst(%arg12 : memref<80xi32, #tpu.memory_space<vmem>>)
      %add3A_414 = arith.constant 320000 : i32
      %add3A_415 = arith.addi %add3A_414, %mul3A_2 : i32
      %add3A_416 = arith.addi %add3A_415, %add3A_410 : i32
      %dma_wait3A_417 = tpu.memref_slice %arg3[%add3A_416] : memref<640000xi32, #tpu.memory_space<hbm>> -> memref<80xi32, #tpu.memory_space<hbm>>
      %dma_wait3A_418 = tpu.memref_slice %arg3[%add3A_416] : memref<640000xi32, #tpu.memory_space<hbm>> -> memref<80xi32, #tpu.memory_space<hbm>>
      tpu.wait_dma2 semaphore(%arg34 : memref<!tpu.dma_semaphore, #tpu.memory_space<semaphore_mem>>) src(%dma_wait3A_418 : memref<80xi32, #tpu.memory_space<hbm>>) dst(%arg20 : memref<80xi32, #tpu.memory_space<vmem>>)
      %dma_start3A_419 = arith.constant 0 : i32
      %dma_start3A_420 = arith.constant 0 : i32
      %dma_start3A_421 = tpu.memref_slice %arg2[%dma_start3A_419, %dma_start3A_420] : memref<10000x128xf32, #tpu.memory_space<hbm>> -> memref<10000x128xf32, #tpu.memory_space<hbm>>
      tpu.enqueue_indirect_dma source(%dma_start3A_421 : memref<10000x128xf32, #tpu.memory_space<hbm>>) target(%arg24 : memref<80x128xf32, #tpu.memory_space<vmem>>) offsets(%arg12 : memref<80xi32, #tpu.memory_space<vmem>>) semaphore(%arg38 : memref<!tpu.dma_semaphore, #tpu.memory_space<semaphore_mem>>)
      %dma_wait3A_422 = arith.constant 0 : i32
      %dma_wait3A_423 = arith.constant 0 : i32
      %dma_wait3A_424 = tpu.memref_slice %arg2[%dma_wait3A_422, %dma_wait3A_423] : memref<10000x128xf32, #tpu.memory_space<hbm>> -> memref<10000x128xf32, #tpu.memory_space<hbm>>
      tpu.wait_indirect_dma semaphore(%arg37 : memref<!tpu.dma_semaphore, #tpu.memory_space<semaphore_mem>>) src(%dma_wait3A_424 : memref<10000x128xf32, #tpu.memory_space<hbm>>) dst(%arg23 : memref<80x128xf32, #tpu.memory_space<vmem>>)
      %dma_start3A_425 = arith.constant 0 : i32
      %dma_start3A_426 = arith.constant 0 : i32
      %dma_start3A_427 = tpu.memref_slice %arg26[%dma_start3A_425, %dma_start3A_426] : memref<10240x128xf32, #tpu.memory_space<vmem_shared>> -> memref<10240x128xf32, #tpu.memory_space<vmem_shared>>
      tpu.enqueue_indirect_dma source(%arg23 : memref<80x128xf32, #tpu.memory_space<vmem>>) target(%dma_start3A_427 : memref<10240x128xf32, #tpu.memory_space<vmem_shared>>) offsets(%arg19 : memref<80xi32, #tpu.memory_space<vmem>>) semaphore(%arg41 : memref<!tpu.dma_semaphore, #tpu.memory_space<semaphore_mem>>) {add = true}
      %dma_wait3A_428 = arith.constant 0 : i32
      %dma_wait3A_429 = arith.constant 0 : i32
      %dma_wait3A_430 = tpu.memref_slice %arg26[%dma_wait3A_428, %dma_wait3A_429] : memref<10240x128xf32, #tpu.memory_space<vmem_shared>> -> memref<10240x128xf32, #tpu.memory_space<vmem_shared>>
      tpu.wait_indirect_dma semaphore(%arg43 : memref<!tpu.dma_semaphore, #tpu.memory_space<semaphore_mem>>) src(%arg25 : memref<80x128xf32, #tpu.memory_space<vmem>>) dst(%dma_wait3A_430 : memref<10240x128xf32, #tpu.memory_space<vmem_shared>>)
      %add3A_431 = arith.constant 880 : i32
      %add3A_432 = arith.addi %mul3A_197, %add3A_431 : i32
      %add3A_433 = arith.addi %mul3A_2, %add3A_432 : i32
      %dma_start3A_434 = tpu.memref_slice %arg3[%add3A_433] : memref<640000xi32, #tpu.memory_space<hbm>> -> memref<80xi32, #tpu.memory_space<hbm>>
      %dma_start3A_435 = tpu.memref_slice %arg3[%add3A_433] : memref<640000xi32, #tpu.memory_space<hbm>> -> memref<80xi32, #tpu.memory_space<hbm>>
      tpu.enqueue_dma source(%dma_start3A_435 : memref<80xi32, #tpu.memory_space<hbm>>) target(%arg9 : memref<80xi32, #tpu.memory_space<vmem>>) target_semaphore(%arg31 : memref<!tpu.dma_semaphore, #tpu.memory_space<semaphore_mem>>)
      %add3A_436 = arith.constant 320000 : i32
      %add3A_437 = arith.addi %add3A_436, %mul3A_2 : i32
      %add3A_438 = arith.addi %add3A_437, %add3A_432 : i32
      %dma_start3A_439 = tpu.memref_slice %arg3[%add3A_438] : memref<640000xi32, #tpu.memory_space<hbm>> -> memref<80xi32, #tpu.memory_space<hbm>>
      %dma_start3A_440 = tpu.memref_slice %arg3[%add3A_438] : memref<640000xi32, #tpu.memory_space<hbm>> -> memref<80xi32, #tpu.memory_space<hbm>>
      tpu.enqueue_dma source(%dma_start3A_440 : memref<80xi32, #tpu.memory_space<hbm>>) target(%arg17 : memref<80xi32, #tpu.memory_space<vmem>>) target_semaphore(%arg31 : memref<!tpu.dma_semaphore, #tpu.memory_space<semaphore_mem>>)
      %add3A_441 = arith.constant 560 : i32
      %add3A_442 = arith.addi %mul3A_197, %add3A_441 : i32
      %add3A_443 = arith.addi %mul3A_2, %add3A_442 : i32
      %dma_wait3A_444 = tpu.memref_slice %arg3[%add3A_443] : memref<640000xi32, #tpu.memory_space<hbm>> -> memref<80xi32, #tpu.memory_space<hbm>>
      %dma_wait3A_445 = tpu.memref_slice %arg3[%add3A_443] : memref<640000xi32, #tpu.memory_space<hbm>> -> memref<80xi32, #tpu.memory_space<hbm>>
      tpu.wait_dma2 semaphore(%arg35 : memref<!tpu.dma_semaphore, #tpu.memory_space<semaphore_mem>>) src(%dma_wait3A_445 : memref<80xi32, #tpu.memory_space<hbm>>) dst(%arg13 : memref<80xi32, #tpu.memory_space<vmem>>)
      %add3A_446 = arith.constant 320000 : i32
      %add3A_447 = arith.addi %add3A_446, %mul3A_2 : i32
      %add3A_448 = arith.addi %add3A_447, %add3A_442 : i32
      %dma_wait3A_449 = tpu.memref_slice %arg3[%add3A_448] : memref<640000xi32, #tpu.memory_space<hbm>> -> memref<80xi32, #tpu.memory_space<hbm>>
      %dma_wait3A_450 = tpu.memref_slice %arg3[%add3A_448] : memref<640000xi32, #tpu.memory_space<hbm>> -> memref<80xi32, #tpu.memory_space<hbm>>
      tpu.wait_dma2 semaphore(%arg35 : memref<!tpu.dma_semaphore, #tpu.memory_space<semaphore_mem>>) src(%dma_wait3A_450 : memref<80xi32, #tpu.memory_space<hbm>>) dst(%arg21 : memref<80xi32, #tpu.memory_space<vmem>>)
      %dma_start3A_451 = arith.constant 0 : i32
      %dma_start3A_452 = arith.constant 0 : i32
      %dma_start3A_453 = tpu.memref_slice %arg2[%dma_start3A_451, %dma_start3A_452] : memref<10000x128xf32, #tpu.memory_space<hbm>> -> memref<10000x128xf32, #tpu.memory_space<hbm>>
      tpu.enqueue_indirect_dma source(%dma_start3A_453 : memref<10000x128xf32, #tpu.memory_space<hbm>>) target(%arg25 : memref<80x128xf32, #tpu.memory_space<vmem>>) offsets(%arg13 : memref<80xi32, #tpu.memory_space<vmem>>) semaphore(%arg39 : memref<!tpu.dma_semaphore, #tpu.memory_space<semaphore_mem>>)
      %dma_wait3A_454 = arith.constant 0 : i32
      %dma_wait3A_455 = arith.constant 0 : i32
      %dma_wait3A_456 = tpu.memref_slice %arg2[%dma_wait3A_454, %dma_wait3A_455] : memref<10000x128xf32, #tpu.memory_space<hbm>> -> memref<10000x128xf32, #tpu.memory_space<hbm>>
      tpu.wait_indirect_dma semaphore(%arg38 : memref<!tpu.dma_semaphore, #tpu.memory_space<semaphore_mem>>) src(%dma_wait3A_456 : memref<10000x128xf32, #tpu.memory_space<hbm>>) dst(%arg24 : memref<80x128xf32, #tpu.memory_space<vmem>>)
      %dma_start3A_457 = arith.constant 0 : i32
      %dma_start3A_458 = arith.constant 0 : i32
      %dma_start3A_459 = tpu.memref_slice %arg26[%dma_start3A_457, %dma_start3A_458] : memref<10240x128xf32, #tpu.memory_space<vmem_shared>> -> memref<10240x128xf32, #tpu.memory_space<vmem_shared>>
      tpu.enqueue_indirect_dma source(%arg24 : memref<80x128xf32, #tpu.memory_space<vmem>>) target(%dma_start3A_459 : memref<10240x128xf32, #tpu.memory_space<vmem_shared>>) offsets(%arg20 : memref<80xi32, #tpu.memory_space<vmem>>) semaphore(%arg42 : memref<!tpu.dma_semaphore, #tpu.memory_space<semaphore_mem>>) {add = true}
    }
    %scan3A_47 = arith.constant 15 : i32
    %dma_wait3A = arith.constant 0 : i32
    %dma_wait3A_48 = arith.constant 0 : i32
    %dma_wait3A_49 = tpu.memref_slice %arg26[%dma_wait3A, %dma_wait3A_48] : memref<10240x128xf32, #tpu.memory_space<vmem_shared>> -> memref<10240x128xf32, #tpu.memory_space<vmem_shared>>
    tpu.wait_indirect_dma semaphore(%arg40 : memref<!tpu.dma_semaphore, #tpu.memory_space<semaphore_mem>>) src(%arg22 : memref<80x128xf32, #tpu.memory_space<vmem>>) dst(%dma_wait3A_49 : memref<10240x128xf32, #tpu.memory_space<vmem_shared>>)
    %add3A_50 = arith.constant 9920 : i32
    %add3A_51 = arith.addi %mul3A_2, %add3A_50 : i32
    %dma_start3A_52 = tpu.memref_slice %arg3[%add3A_51] : memref<640000xi32, #tpu.memory_space<hbm>> -> memref<80xi32, #tpu.memory_space<hbm>>
    %dma_start3A_53 = tpu.memref_slice %arg3[%add3A_51] : memref<640000xi32, #tpu.memory_space<hbm>> -> memref<80xi32, #tpu.memory_space<hbm>>
    tpu.enqueue_dma source(%dma_start3A_53 : memref<80xi32, #tpu.memory_space<hbm>>) target(%arg10 : memref<80xi32, #tpu.memory_space<vmem>>) target_semaphore(%arg32 : memref<!tpu.dma_semaphore, #tpu.memory_space<semaphore_mem>>)
    %add3A_54 = arith.constant 320000 : i32
    %add3A_55 = arith.addi %add3A_54, %mul3A_2 : i32
    %add3A_56 = arith.constant 9920 : i32
    %add3A_57 = arith.addi %add3A_55, %add3A_56 : i32
    %dma_start3A_58 = tpu.memref_slice %arg3[%add3A_57] : memref<640000xi32, #tpu.memory_space<hbm>> -> memref<80xi32, #tpu.memory_space<hbm>>
    %dma_start3A_59 = tpu.memref_slice %arg3[%add3A_57] : memref<640000xi32, #tpu.memory_space<hbm>> -> memref<80xi32, #tpu.memory_space<hbm>>
    tpu.enqueue_dma source(%dma_start3A_59 : memref<80xi32, #tpu.memory_space<hbm>>) target(%arg18 : memref<80xi32, #tpu.memory_space<vmem>>) target_semaphore(%arg32 : memref<!tpu.dma_semaphore, #tpu.memory_space<semaphore_mem>>)
    %add3A_60 = arith.constant 9600 : i32
    %add3A_61 = arith.addi %mul3A_2, %add3A_60 : i32
    %dma_wait3A_62 = tpu.memref_slice %arg3[%add3A_61] : memref<640000xi32, #tpu.memory_space<hbm>> -> memref<80xi32, #tpu.memory_space<hbm>>
    %dma_wait3A_63 = tpu.memref_slice %arg3[%add3A_61] : memref<640000xi32, #tpu.memory_space<hbm>> -> memref<80xi32, #tpu.memory_space<hbm>>
    tpu.wait_dma2 semaphore(%arg28 : memref<!tpu.dma_semaphore, #tpu.memory_space<semaphore_mem>>) src(%dma_wait3A_63 : memref<80xi32, #tpu.memory_space<hbm>>) dst(%arg6 : memref<80xi32, #tpu.memory_space<vmem>>)
    %add3A_64 = arith.constant 320000 : i32
    %add3A_65 = arith.addi %add3A_64, %mul3A_2 : i32
    %add3A_66 = arith.constant 9600 : i32
    %add3A_67 = arith.addi %add3A_65, %add3A_66 : i32
    %dma_wait3A_68 = tpu.memref_slice %arg3[%add3A_67] : memref<640000xi32, #tpu.memory_space<hbm>> -> memref<80xi32, #tpu.memory_space<hbm>>
    %dma_wait3A_69 = tpu.memref_slice %arg3[%add3A_67] : memref<640000xi32, #tpu.memory_space<hbm>> -> memref<80xi32, #tpu.memory_space<hbm>>
    tpu.wait_dma2 semaphore(%arg28 : memref<!tpu.dma_semaphore, #tpu.memory_space<semaphore_mem>>) src(%dma_wait3A_69 : memref<80xi32, #tpu.memory_space<hbm>>) dst(%arg14 : memref<80xi32, #tpu.memory_space<vmem>>)
    %dma_start3A_70 = arith.constant 0 : i32
    %dma_start3A_71 = arith.constant 0 : i32
    %dma_start3A_72 = tpu.memref_slice %arg2[%dma_start3A_70, %dma_start3A_71] : memref<10000x128xf32, #tpu.memory_space<hbm>> -> memref<10000x128xf32, #tpu.memory_space<hbm>>
    tpu.enqueue_indirect_dma source(%dma_start3A_72 : memref<10000x128xf32, #tpu.memory_space<hbm>>) target(%arg22 : memref<80x128xf32, #tpu.memory_space<vmem>>) offsets(%arg6 : memref<80xi32, #tpu.memory_space<vmem>>) semaphore(%arg36 : memref<!tpu.dma_semaphore, #tpu.memory_space<semaphore_mem>>)
    %dma_wait3A_73 = arith.constant 0 : i32
    %dma_wait3A_74 = arith.constant 0 : i32
    %dma_wait3A_75 = tpu.memref_slice %arg2[%dma_wait3A_73, %dma_wait3A_74] : memref<10000x128xf32, #tpu.memory_space<hbm>> -> memref<10000x128xf32, #tpu.memory_space<hbm>>
    tpu.wait_indirect_dma semaphore(%arg39 : memref<!tpu.dma_semaphore, #tpu.memory_space<semaphore_mem>>) src(%dma_wait3A_75 : memref<10000x128xf32, #tpu.memory_space<hbm>>) dst(%arg25 : memref<80x128xf32, #tpu.memory_space<vmem>>)
    %dma_start3A_76 = arith.constant 0 : i32
    %dma_start3A_77 = arith.constant 0 : i32
    %dma_start3A_78 = tpu.memref_slice %arg26[%dma_start3A_76, %dma_start3A_77] : memref<10240x128xf32, #tpu.memory_space<vmem_shared>> -> memref<10240x128xf32, #tpu.memory_space<vmem_shared>>
    tpu.enqueue_indirect_dma source(%arg25 : memref<80x128xf32, #tpu.memory_space<vmem>>) target(%dma_start3A_78 : memref<10240x128xf32, #tpu.memory_space<vmem_shared>>) offsets(%arg21 : memref<80xi32, #tpu.memory_space<vmem>>) semaphore(%arg43 : memref<!tpu.dma_semaphore, #tpu.memory_space<semaphore_mem>>) {add = true}
    %dma_wait3A_79 = arith.constant 0 : i32
    %dma_wait3A_80 = arith.constant 0 : i32
    %dma_wait3A_81 = tpu.memref_slice %arg26[%dma_wait3A_79, %dma_wait3A_80] : memref<10240x128xf32, #tpu.memory_space<vmem_shared>> -> memref<10240x128xf32, #tpu.memory_space<vmem_shared>>
    tpu.wait_indirect_dma semaphore(%arg41 : memref<!tpu.dma_semaphore, #tpu.memory_space<semaphore_mem>>) src(%arg23 : memref<80x128xf32, #tpu.memory_space<vmem>>) dst(%dma_wait3A_81 : memref<10240x128xf32, #tpu.memory_space<vmem_shared>>)
    %add3A_82 = arith.constant 9680 : i32
    %add3A_83 = arith.addi %mul3A_2, %add3A_82 : i32
    %dma_wait3A_84 = tpu.memref_slice %arg3[%add3A_83] : memref<640000xi32, #tpu.memory_space<hbm>> -> memref<80xi32, #tpu.memory_space<hbm>>
    %dma_wait3A_85 = tpu.memref_slice %arg3[%add3A_83] : memref<640000xi32, #tpu.memory_space<hbm>> -> memref<80xi32, #tpu.memory_space<hbm>>
    tpu.wait_dma2 semaphore(%arg29 : memref<!tpu.dma_semaphore, #tpu.memory_space<semaphore_mem>>) src(%dma_wait3A_85 : memref<80xi32, #tpu.memory_space<hbm>>) dst(%arg7 : memref<80xi32, #tpu.memory_space<vmem>>)
    %add3A_86 = arith.constant 320000 : i32
    %add3A_87 = arith.addi %add3A_86, %mul3A_2 : i32
    %add3A_88 = arith.constant 9680 : i32
    %add3A_89 = arith.addi %add3A_87, %add3A_88 : i32
    %dma_wait3A_90 = tpu.memref_slice %arg3[%add3A_89] : memref<640000xi32, #tpu.memory_space<hbm>> -> memref<80xi32, #tpu.memory_space<hbm>>
    %dma_wait3A_91 = tpu.memref_slice %arg3[%add3A_89] : memref<640000xi32, #tpu.memory_space<hbm>> -> memref<80xi32, #tpu.memory_space<hbm>>
    tpu.wait_dma2 semaphore(%arg29 : memref<!tpu.dma_semaphore, #tpu.memory_space<semaphore_mem>>) src(%dma_wait3A_91 : memref<80xi32, #tpu.memory_space<hbm>>) dst(%arg15 : memref<80xi32, #tpu.memory_space<vmem>>)
    %dma_start3A_92 = arith.constant 0 : i32
    %dma_start3A_93 = arith.constant 0 : i32
    %dma_start3A_94 = tpu.memref_slice %arg2[%dma_start3A_92, %dma_start3A_93] : memref<10000x128xf32, #tpu.memory_space<hbm>> -> memref<10000x128xf32, #tpu.memory_space<hbm>>
    tpu.enqueue_indirect_dma source(%dma_start3A_94 : memref<10000x128xf32, #tpu.memory_space<hbm>>) target(%arg23 : memref<80x128xf32, #tpu.memory_space<vmem>>) offsets(%arg7 : memref<80xi32, #tpu.memory_space<vmem>>) semaphore(%arg37 : memref<!tpu.dma_semaphore, #tpu.memory_space<semaphore_mem>>)
    %dma_wait3A_95 = arith.constant 0 : i32
    %dma_wait3A_96 = arith.constant 0 : i32
    %dma_wait3A_97 = tpu.memref_slice %arg2[%dma_wait3A_95, %dma_wait3A_96] : memref<10000x128xf32, #tpu.memory_space<hbm>> -> memref<10000x128xf32, #tpu.memory_space<hbm>>
    tpu.wait_indirect_dma semaphore(%arg36 : memref<!tpu.dma_semaphore, #tpu.memory_space<semaphore_mem>>) src(%dma_wait3A_97 : memref<10000x128xf32, #tpu.memory_space<hbm>>) dst(%arg22 : memref<80x128xf32, #tpu.memory_space<vmem>>)
    %dma_start3A_98 = arith.constant 0 : i32
    %dma_start3A_99 = arith.constant 0 : i32
    %dma_start3A_100 = tpu.memref_slice %arg26[%dma_start3A_98, %dma_start3A_99] : memref<10240x128xf32, #tpu.memory_space<vmem_shared>> -> memref<10240x128xf32, #tpu.memory_space<vmem_shared>>
    tpu.enqueue_indirect_dma source(%arg22 : memref<80x128xf32, #tpu.memory_space<vmem>>) target(%dma_start3A_100 : memref<10240x128xf32, #tpu.memory_space<vmem_shared>>) offsets(%arg14 : memref<80xi32, #tpu.memory_space<vmem>>) semaphore(%arg40 : memref<!tpu.dma_semaphore, #tpu.memory_space<semaphore_mem>>) {add = true}
    %dma_wait3A_101 = arith.constant 0 : i32
    %dma_wait3A_102 = arith.constant 0 : i32
    %dma_wait3A_103 = tpu.memref_slice %arg26[%dma_wait3A_101, %dma_wait3A_102] : memref<10240x128xf32, #tpu.memory_space<vmem_shared>> -> memref<10240x128xf32, #tpu.memory_space<vmem_shared>>
    tpu.wait_indirect_dma semaphore(%arg42 : memref<!tpu.dma_semaphore, #tpu.memory_space<semaphore_mem>>) src(%arg24 : memref<80x128xf32, #tpu.memory_space<vmem>>) dst(%dma_wait3A_103 : memref<10240x128xf32, #tpu.memory_space<vmem_shared>>)
    %add3A_104 = arith.constant 9760 : i32
    %add3A_105 = arith.addi %mul3A_2, %add3A_104 : i32
    %dma_wait3A_106 = tpu.memref_slice %arg3[%add3A_105] : memref<640000xi32, #tpu.memory_space<hbm>> -> memref<80xi32, #tpu.memory_space<hbm>>
    %dma_wait3A_107 = tpu.memref_slice %arg3[%add3A_105] : memref<640000xi32, #tpu.memory_space<hbm>> -> memref<80xi32, #tpu.memory_space<hbm>>
    tpu.wait_dma2 semaphore(%arg30 : memref<!tpu.dma_semaphore, #tpu.memory_space<semaphore_mem>>) src(%dma_wait3A_107 : memref<80xi32, #tpu.memory_space<hbm>>) dst(%arg8 : memref<80xi32, #tpu.memory_space<vmem>>)
    %add3A_108 = arith.constant 320000 : i32
    %add3A_109 = arith.addi %add3A_108, %mul3A_2 : i32
    %add3A_110 = arith.constant 9760 : i32
    %add3A_111 = arith.addi %add3A_109, %add3A_110 : i32
    %dma_wait3A_112 = tpu.memref_slice %arg3[%add3A_111] : memref<640000xi32, #tpu.memory_space<hbm>> -> memref<80xi32, #tpu.memory_space<hbm>>
    %dma_wait3A_113 = tpu.memref_slice %arg3[%add3A_111] : memref<640000xi32, #tpu.memory_space<hbm>> -> memref<80xi32, #tpu.memory_space<hbm>>
    tpu.wait_dma2 semaphore(%arg30 : memref<!tpu.dma_semaphore, #tpu.memory_space<semaphore_mem>>) src(%dma_wait3A_113 : memref<80xi32, #tpu.memory_space<hbm>>) dst(%arg16 : memref<80xi32, #tpu.memory_space<vmem>>)
    %dma_start3A_114 = arith.constant 0 : i32
    %dma_start3A_115 = arith.constant 0 : i32
    %dma_start3A_116 = tpu.memref_slice %arg2[%dma_start3A_114, %dma_start3A_115] : memref<10000x128xf32, #tpu.memory_space<hbm>> -> memref<10000x128xf32, #tpu.memory_space<hbm>>
    tpu.enqueue_indirect_dma source(%dma_start3A_116 : memref<10000x128xf32, #tpu.memory_space<hbm>>) target(%arg24 : memref<80x128xf32, #tpu.memory_space<vmem>>) offsets(%arg8 : memref<80xi32, #tpu.memory_space<vmem>>) semaphore(%arg38 : memref<!tpu.dma_semaphore, #tpu.memory_space<semaphore_mem>>)
    %dma_wait3A_117 = arith.constant 0 : i32
    %dma_wait3A_118 = arith.constant 0 : i32
    %dma_wait3A_119 = tpu.memref_slice %arg2[%dma_wait3A_117, %dma_wait3A_118] : memref<10000x128xf32, #tpu.memory_space<hbm>> -> memref<10000x128xf32, #tpu.memory_space<hbm>>
    tpu.wait_indirect_dma semaphore(%arg37 : memref<!tpu.dma_semaphore, #tpu.memory_space<semaphore_mem>>) src(%dma_wait3A_119 : memref<10000x128xf32, #tpu.memory_space<hbm>>) dst(%arg23 : memref<80x128xf32, #tpu.memory_space<vmem>>)
    %dma_start3A_120 = arith.constant 0 : i32
    %dma_start3A_121 = arith.constant 0 : i32
    %dma_start3A_122 = tpu.memref_slice %arg26[%dma_start3A_120, %dma_start3A_121] : memref<10240x128xf32, #tpu.memory_space<vmem_shared>> -> memref<10240x128xf32, #tpu.memory_space<vmem_shared>>
    tpu.enqueue_indirect_dma source(%arg23 : memref<80x128xf32, #tpu.memory_space<vmem>>) target(%dma_start3A_122 : memref<10240x128xf32, #tpu.memory_space<vmem_shared>>) offsets(%arg15 : memref<80xi32, #tpu.memory_space<vmem>>) semaphore(%arg41 : memref<!tpu.dma_semaphore, #tpu.memory_space<semaphore_mem>>) {add = true}
    %dma_wait3A_123 = arith.constant 0 : i32
    %dma_wait3A_124 = arith.constant 0 : i32
    %dma_wait3A_125 = tpu.memref_slice %arg26[%dma_wait3A_123, %dma_wait3A_124] : memref<10240x128xf32, #tpu.memory_space<vmem_shared>> -> memref<10240x128xf32, #tpu.memory_space<vmem_shared>>
    tpu.wait_indirect_dma semaphore(%arg43 : memref<!tpu.dma_semaphore, #tpu.memory_space<semaphore_mem>>) src(%arg25 : memref<80x128xf32, #tpu.memory_space<vmem>>) dst(%dma_wait3A_125 : memref<10240x128xf32, #tpu.memory_space<vmem_shared>>)
    %add3A_126 = arith.constant 9840 : i32
    %add3A_127 = arith.addi %mul3A_2, %add3A_126 : i32
    %dma_wait3A_128 = tpu.memref_slice %arg3[%add3A_127] : memref<640000xi32, #tpu.memory_space<hbm>> -> memref<80xi32, #tpu.memory_space<hbm>>
    %dma_wait3A_129 = tpu.memref_slice %arg3[%add3A_127] : memref<640000xi32, #tpu.memory_space<hbm>> -> memref<80xi32, #tpu.memory_space<hbm>>
    tpu.wait_dma2 semaphore(%arg31 : memref<!tpu.dma_semaphore, #tpu.memory_space<semaphore_mem>>) src(%dma_wait3A_129 : memref<80xi32, #tpu.memory_space<hbm>>) dst(%arg9 : memref<80xi32, #tpu.memory_space<vmem>>)
    %add3A_130 = arith.constant 320000 : i32
    %add3A_131 = arith.addi %add3A_130, %mul3A_2 : i32
    %add3A_132 = arith.constant 9840 : i32
    %add3A_133 = arith.addi %add3A_131, %add3A_132 : i32
    %dma_wait3A_134 = tpu.memref_slice %arg3[%add3A_133] : memref<640000xi32, #tpu.memory_space<hbm>> -> memref<80xi32, #tpu.memory_space<hbm>>
    %dma_wait3A_135 = tpu.memref_slice %arg3[%add3A_133] : memref<640000xi32, #tpu.memory_space<hbm>> -> memref<80xi32, #tpu.memory_space<hbm>>
    tpu.wait_dma2 semaphore(%arg31 : memref<!tpu.dma_semaphore, #tpu.memory_space<semaphore_mem>>) src(%dma_wait3A_135 : memref<80xi32, #tpu.memory_space<hbm>>) dst(%arg17 : memref<80xi32, #tpu.memory_space<vmem>>)
    %dma_start3A_136 = arith.constant 0 : i32
    %dma_start3A_137 = arith.constant 0 : i32
    %dma_start3A_138 = tpu.memref_slice %arg2[%dma_start3A_136, %dma_start3A_137] : memref<10000x128xf32, #tpu.memory_space<hbm>> -> memref<10000x128xf32, #tpu.memory_space<hbm>>
    tpu.enqueue_indirect_dma source(%dma_start3A_138 : memref<10000x128xf32, #tpu.memory_space<hbm>>) target(%arg25 : memref<80x128xf32, #tpu.memory_space<vmem>>) offsets(%arg9 : memref<80xi32, #tpu.memory_space<vmem>>) semaphore(%arg39 : memref<!tpu.dma_semaphore, #tpu.memory_space<semaphore_mem>>)
    %dma_wait3A_139 = arith.constant 0 : i32
    %dma_wait3A_140 = arith.constant 0 : i32
    %dma_wait3A_141 = tpu.memref_slice %arg2[%dma_wait3A_139, %dma_wait3A_140] : memref<10000x128xf32, #tpu.memory_space<hbm>> -> memref<10000x128xf32, #tpu.memory_space<hbm>>
    tpu.wait_indirect_dma semaphore(%arg38 : memref<!tpu.dma_semaphore, #tpu.memory_space<semaphore_mem>>) src(%dma_wait3A_141 : memref<10000x128xf32, #tpu.memory_space<hbm>>) dst(%arg24 : memref<80x128xf32, #tpu.memory_space<vmem>>)
    %dma_start3A_142 = arith.constant 0 : i32
    %dma_start3A_143 = arith.constant 0 : i32
    %dma_start3A_144 = tpu.memref_slice %arg26[%dma_start3A_142, %dma_start3A_143] : memref<10240x128xf32, #tpu.memory_space<vmem_shared>> -> memref<10240x128xf32, #tpu.memory_space<vmem_shared>>
    tpu.enqueue_indirect_dma source(%arg24 : memref<80x128xf32, #tpu.memory_space<vmem>>) target(%dma_start3A_144 : memref<10240x128xf32, #tpu.memory_space<vmem_shared>>) offsets(%arg16 : memref<80xi32, #tpu.memory_space<vmem>>) semaphore(%arg42 : memref<!tpu.dma_semaphore, #tpu.memory_space<semaphore_mem>>) {add = true}
    %dma_wait3A_145 = arith.constant 0 : i32
    %dma_wait3A_146 = arith.constant 0 : i32
    %dma_wait3A_147 = tpu.memref_slice %arg26[%dma_wait3A_145, %dma_wait3A_146] : memref<10240x128xf32, #tpu.memory_space<vmem_shared>> -> memref<10240x128xf32, #tpu.memory_space<vmem_shared>>
    tpu.wait_indirect_dma semaphore(%arg40 : memref<!tpu.dma_semaphore, #tpu.memory_space<semaphore_mem>>) src(%arg22 : memref<80x128xf32, #tpu.memory_space<vmem>>) dst(%dma_wait3A_147 : memref<10240x128xf32, #tpu.memory_space<vmem_shared>>)
    %add3A_148 = arith.constant 9920 : i32
    %add3A_149 = arith.addi %mul3A_2, %add3A_148 : i32
    %dma_wait3A_150 = tpu.memref_slice %arg3[%add3A_149] : memref<640000xi32, #tpu.memory_space<hbm>> -> memref<80xi32, #tpu.memory_space<hbm>>
    %dma_wait3A_151 = tpu.memref_slice %arg3[%add3A_149] : memref<640000xi32, #tpu.memory_space<hbm>> -> memref<80xi32, #tpu.memory_space<hbm>>
    tpu.wait_dma2 semaphore(%arg32 : memref<!tpu.dma_semaphore, #tpu.memory_space<semaphore_mem>>) src(%dma_wait3A_151 : memref<80xi32, #tpu.memory_space<hbm>>) dst(%arg10 : memref<80xi32, #tpu.memory_space<vmem>>)
    %add3A_152 = arith.constant 320000 : i32
    %add3A_153 = arith.addi %add3A_152, %mul3A_2 : i32
    %add3A_154 = arith.constant 9920 : i32
    %add3A_155 = arith.addi %add3A_153, %add3A_154 : i32
    %dma_wait3A_156 = tpu.memref_slice %arg3[%add3A_155] : memref<640000xi32, #tpu.memory_space<hbm>> -> memref<80xi32, #tpu.memory_space<hbm>>
    %dma_wait3A_157 = tpu.memref_slice %arg3[%add3A_155] : memref<640000xi32, #tpu.memory_space<hbm>> -> memref<80xi32, #tpu.memory_space<hbm>>
    tpu.wait_dma2 semaphore(%arg32 : memref<!tpu.dma_semaphore, #tpu.memory_space<semaphore_mem>>) src(%dma_wait3A_157 : memref<80xi32, #tpu.memory_space<hbm>>) dst(%arg18 : memref<80xi32, #tpu.memory_space<vmem>>)
    %dma_start3A_158 = arith.constant 0 : i32
    %dma_start3A_159 = arith.constant 0 : i32
    %dma_start3A_160 = tpu.memref_slice %arg2[%dma_start3A_158, %dma_start3A_159] : memref<10000x128xf32, #tpu.memory_space<hbm>> -> memref<10000x128xf32, #tpu.memory_space<hbm>>
    tpu.enqueue_indirect_dma source(%dma_start3A_160 : memref<10000x128xf32, #tpu.memory_space<hbm>>) target(%arg22 : memref<80x128xf32, #tpu.memory_space<vmem>>) offsets(%arg10 : memref<80xi32, #tpu.memory_space<vmem>>) semaphore(%arg36 : memref<!tpu.dma_semaphore, #tpu.memory_space<semaphore_mem>>)
    %dma_wait3A_161 = arith.constant 0 : i32
    %dma_wait3A_162 = arith.constant 0 : i32
    %dma_wait3A_163 = tpu.memref_slice %arg2[%dma_wait3A_161, %dma_wait3A_162] : memref<10000x128xf32, #tpu.memory_space<hbm>> -> memref<10000x128xf32, #tpu.memory_space<hbm>>
    tpu.wait_indirect_dma semaphore(%arg39 : memref<!tpu.dma_semaphore, #tpu.memory_space<semaphore_mem>>) src(%dma_wait3A_163 : memref<10000x128xf32, #tpu.memory_space<hbm>>) dst(%arg25 : memref<80x128xf32, #tpu.memory_space<vmem>>)
    %dma_start3A_164 = arith.constant 0 : i32
    %dma_start3A_165 = arith.constant 0 : i32
    %dma_start3A_166 = tpu.memref_slice %arg26[%dma_start3A_164, %dma_start3A_165] : memref<10240x128xf32, #tpu.memory_space<vmem_shared>> -> memref<10240x128xf32, #tpu.memory_space<vmem_shared>>
    tpu.enqueue_indirect_dma source(%arg25 : memref<80x128xf32, #tpu.memory_space<vmem>>) target(%dma_start3A_166 : memref<10240x128xf32, #tpu.memory_space<vmem_shared>>) offsets(%arg17 : memref<80xi32, #tpu.memory_space<vmem>>) semaphore(%arg43 : memref<!tpu.dma_semaphore, #tpu.memory_space<semaphore_mem>>) {add = true}
    %dma_wait3A_167 = arith.constant 0 : i32
    %dma_wait3A_168 = arith.constant 0 : i32
    %dma_wait3A_169 = tpu.memref_slice %arg2[%dma_wait3A_167, %dma_wait3A_168] : memref<10000x128xf32, #tpu.memory_space<hbm>> -> memref<10000x128xf32, #tpu.memory_space<hbm>>
    tpu.wait_indirect_dma semaphore(%arg36 : memref<!tpu.dma_semaphore, #tpu.memory_space<semaphore_mem>>) src(%dma_wait3A_169 : memref<10000x128xf32, #tpu.memory_space<hbm>>) dst(%arg22 : memref<80x128xf32, #tpu.memory_space<vmem>>)
    %dma_start3A_170 = arith.constant 0 : i32
    %dma_start3A_171 = arith.constant 0 : i32
    %dma_start3A_172 = tpu.memref_slice %arg26[%dma_start3A_170, %dma_start3A_171] : memref<10240x128xf32, #tpu.memory_space<vmem_shared>> -> memref<10240x128xf32, #tpu.memory_space<vmem_shared>>
    tpu.enqueue_indirect_dma source(%arg22 : memref<80x128xf32, #tpu.memory_space<vmem>>) target(%dma_start3A_172 : memref<10240x128xf32, #tpu.memory_space<vmem_shared>>) offsets(%arg18 : memref<80xi32, #tpu.memory_space<vmem>>) semaphore(%arg40 : memref<!tpu.dma_semaphore, #tpu.memory_space<semaphore_mem>>) {add = true}
    %dma_wait3A_173 = arith.constant 0 : i32
    %dma_wait3A_174 = arith.constant 0 : i32
    %dma_wait3A_175 = tpu.memref_slice %arg26[%dma_wait3A_173, %dma_wait3A_174] : memref<10240x128xf32, #tpu.memory_space<vmem_shared>> -> memref<10240x128xf32, #tpu.memory_space<vmem_shared>>
    tpu.wait_indirect_dma semaphore(%arg41 : memref<!tpu.dma_semaphore, #tpu.memory_space<semaphore_mem>>) src(%arg23 : memref<80x128xf32, #tpu.memory_space<vmem>>) dst(%dma_wait3A_175 : memref<10240x128xf32, #tpu.memory_space<vmem_shared>>)
    %dma_wait3A_176 = arith.constant 0 : i32
    %dma_wait3A_177 = arith.constant 0 : i32
    %dma_wait3A_178 = tpu.memref_slice %arg26[%dma_wait3A_176, %dma_wait3A_177] : memref<10240x128xf32, #tpu.memory_space<vmem_shared>> -> memref<10240x128xf32, #tpu.memory_space<vmem_shared>>
    tpu.wait_indirect_dma semaphore(%arg42 : memref<!tpu.dma_semaphore, #tpu.memory_space<semaphore_mem>>) src(%arg24 : memref<80x128xf32, #tpu.memory_space<vmem>>) dst(%dma_wait3A_178 : memref<10240x128xf32, #tpu.memory_space<vmem_shared>>)
    %dma_wait3A_179 = arith.constant 0 : i32
    %dma_wait3A_180 = arith.constant 0 : i32
    %dma_wait3A_181 = tpu.memref_slice %arg26[%dma_wait3A_179, %dma_wait3A_180] : memref<10240x128xf32, #tpu.memory_space<vmem_shared>> -> memref<10240x128xf32, #tpu.memory_space<vmem_shared>>
    tpu.wait_indirect_dma semaphore(%arg43 : memref<!tpu.dma_semaphore, #tpu.memory_space<semaphore_mem>>) src(%arg25 : memref<80x128xf32, #tpu.memory_space<vmem>>) dst(%dma_wait3A_181 : memref<10240x128xf32, #tpu.memory_space<vmem_shared>>)
    %dma_wait3A_182 = arith.constant 0 : i32
    %dma_wait3A_183 = arith.constant 0 : i32
    %dma_wait3A_184 = tpu.memref_slice %arg26[%dma_wait3A_182, %dma_wait3A_183] : memref<10240x128xf32, #tpu.memory_space<vmem_shared>> -> memref<10240x128xf32, #tpu.memory_space<vmem_shared>>
    tpu.wait_indirect_dma semaphore(%arg40 : memref<!tpu.dma_semaphore, #tpu.memory_space<semaphore_mem>>) src(%arg22 : memref<80x128xf32, #tpu.memory_space<vmem>>) dst(%dma_wait3A_184 : memref<10240x128xf32, #tpu.memory_space<vmem_shared>>)
    %barrier3A_185 = arith.constant 0 : index
    tpu.barrier barrier_id(%barrier3A_185)
    %eq3A_186 = arith.constant 0 : i32
    %eq3A_187 = arith.cmpi eq, %arg1, %eq3A_186 : i32
    %convert_element_type3A_188 = arith.extui %eq3A_187 : i1 to i32
    %cond3A_189 = arith.constant 0 : i32
    %cond3A_190 = arith.cmpi ne, %convert_element_type3A_188, %cond3A_189 : i32
    scf.if %cond3A_190 {
      "tpu.region"() ({
        %run_scoped3A = tpu.sem_alloc : memref<!tpu.dma_semaphore, #tpu.memory_space<semaphore_mem>>
        %dma_start3A_191 = arith.constant 0 : i32
        %dma_start3A_192 = arith.constant 0 : i32
        %dma_start3A_193 = tpu.memref_slice %arg5[%arg0, %dma_start3A_191, %dma_start3A_192] : memref<2x10240x128xf32, #tpu.memory_space<hbm>> -> memref<1x10240x128xf32, #tpu.memory_space<hbm>>
        %dma_start3A_194 = tpu.memref_squeeze %dma_start3A_193 : memref<1x10240x128xf32, #tpu.memory_space<hbm>> -> memref<10240x128xf32, #tpu.memory_space<hbm>>
        tpu.enqueue_dma source(%arg26 : memref<10240x128xf32, #tpu.memory_space<vmem_shared>>) target(%dma_start3A_194 : memref<10240x128xf32, #tpu.memory_space<hbm>>) target_semaphore(%run_scoped3A : memref<!tpu.dma_semaphore, #tpu.memory_space<semaphore_mem>>)
        %dma_wait3A_195 = arith.constant 0 : i32
        %dma_wait3A_196 = arith.constant 0 : i32
        %dma_wait3A_197 = tpu.memref_slice %arg5[%arg0, %dma_wait3A_195, %dma_wait3A_196] : memref<2x10240x128xf32, #tpu.memory_space<hbm>> -> memref<1x10240x128xf32, #tpu.memory_space<hbm>>
        %dma_wait3A_198 = tpu.memref_squeeze %dma_wait3A_197 : memref<1x10240x128xf32, #tpu.memory_space<hbm>> -> memref<10240x128xf32, #tpu.memory_space<hbm>>
        tpu.wait_dma2 semaphore(%run_scoped3A : memref<!tpu.dma_semaphore, #tpu.memory_space<semaphore_mem>>) src(%arg26 : memref<10240x128xf32, #tpu.memory_space<vmem_shared>>) dst(%dma_wait3A_198 : memref<10240x128xf32, #tpu.memory_space<hbm>>)
        tpu.yield
      }) : () -> ()
    } else {
    }
    return
  }
}

module attributes {stable_mosaic.version = 14 : i64} {
  func.func @_mlp_body(%arg0: i32, %arg1: memref<2000x128xf32, #tpu.memory_space<vmem>>, %arg2: memref<2x2000x128xf32, #tpu.memory_space<vmem>>, %arg3: memref<128x128xf32, #tpu.memory_space<vmem>>, %arg4: memref<1x128xf32, #tpu.memory_space<vmem>>, %arg5: memref<128x128xf32, #tpu.memory_space<vmem>>, %arg6: memref<1x128xf32, #tpu.memory_space<vmem>>, %arg7: memref<2000x128xf32, #tpu.memory_space<vmem>>) attributes {dimension_semantics = [#tpu.dimension_semantics<arbitrary>], iteration_bounds = array<i64: 5>, scalar_prefetch = 0 : i64, scratch_operands = 0 : i64, tpu.core_type = #tpu.core_type<tc>, window_params = [{transform_indices = @transform_0, window_bounds = array<i64: 2000, 128>}, {transform_indices = @transform_1, window_bounds = array<i64: 2, 2000, 128>}, {pipeline_mode = #tpu.pipeline_mode<synchronous>, transform_indices = @transform_2, window_bounds = array<i64: 128, 128>}, {pipeline_mode = #tpu.pipeline_mode<synchronous>, transform_indices = @transform_3, window_bounds = array<i64: 1, 128>}, {pipeline_mode = #tpu.pipeline_mode<synchronous>, transform_indices = @transform_4, window_bounds = array<i64: 128, 128>}, {pipeline_mode = #tpu.pipeline_mode<synchronous>, transform_indices = @transform_5, window_bounds = array<i64: 1, 128>}, {transform_indices = @transform_6, window_bounds = array<i64: 2000, 128>}]} {
    %get3A = arith.constant 0 : index
    %get3A_0 = arith.constant 0 : index
    %get3A_1 = vector.load %arg1[%get3A, %get3A_0] : memref<2000x128xf32, #tpu.memory_space<vmem>>, vector<2000x128xf32>
    %get3A_2 = arith.constant 0 : index
    %get3A_3 = arith.constant 0 : index
    %get3A_4 = arith.constant 0 : index
    %get3A_5 = vector.load %arg2[%get3A_2, %get3A_3, %get3A_4] : memref<2x2000x128xf32, #tpu.memory_space<vmem>>, vector<1x2000x128xf32>
    %get3A_6 = vector.shape_cast %get3A_5 : vector<1x2000x128xf32> to vector<2000x128xf32>
    %add3A = arith.addf %get3A_1, %get3A_6 : vector<2000x128xf32>
    %get3A_7 = arith.constant 1 : index
    %get3A_8 = arith.constant 0 : index
    %get3A_9 = arith.constant 0 : index
    %get3A_10 = vector.load %arg2[%get3A_7, %get3A_8, %get3A_9] : memref<2x2000x128xf32, #tpu.memory_space<vmem>>, vector<1x2000x128xf32>
    %get3A_11 = vector.shape_cast %get3A_10 : vector<1x2000x128xf32> to vector<2000x128xf32>
    %add3A_12 = arith.addf %add3A, %get3A_11 : vector<2000x128xf32>
    %get3A_13 = arith.constant 0 : index
    %get3A_14 = arith.constant 0 : index
    %get3A_15 = vector.load %arg3[%get3A_13, %get3A_14] : memref<128x128xf32, #tpu.memory_space<vmem>>, vector<128x128xf32>
    %dot_general3A = arith.constant dense<0.000000e+00> : vector<2000x128xf32>
    %dot_general3A_16 = tpu.matmul %add3A_12, %get3A_15, %dot_general3A {dimension_numbers = #tpu.dot_dimension_numbers<[1], [1], [0], [0], [0, 0, 1, 0], [], []>, transpose_lhs_hint = false} : vector<2000x128xf32>, vector<128x128xf32>, vector<2000x128xf32> -> vector<2000x128xf32>
    %get3A_17 = arith.constant 0 : index
    %get3A_18 = arith.constant 0 : index
    %get3A_19 = vector.load %arg4[%get3A_17, %get3A_18] : memref<1x128xf32, #tpu.memory_space<vmem>>, vector<1x128xf32>
    %add3A_20 = vector.broadcast %get3A_19 : vector<1x128xf32> to vector<2000x128xf32>
    %add3A_21 = arith.addf %dot_general3A_16, %add3A_20 : vector<2000x128xf32>
    %gt3A = arith.constant 0.000000e+00 : f32
    %gt3A_22 = vector.broadcast %gt3A : f32 to vector<2000x128xf32>
    %gt3A_23 = arith.cmpf ogt, %add3A_21, %gt3A_22 : vector<2000x128xf32>
    %mul3A = arith.constant 2.000000e-01 : f32
    %mul3A_24 = vector.broadcast %mul3A : f32 to vector<2000x128xf32>
    %mul3A_25 = arith.mulf %mul3A_24, %add3A_21 : vector<2000x128xf32>
    %select_n3A = arith.select %gt3A_23, %add3A_21, %mul3A_25 : vector<2000x128xi1>, vector<2000x128xf32>
    %get3A_26 = arith.constant 0 : index
    %get3A_27 = arith.constant 0 : index
    %get3A_28 = vector.load %arg5[%get3A_26, %get3A_27] : memref<128x128xf32, #tpu.memory_space<vmem>>, vector<128x128xf32>
    %dot_general3A_29 = arith.constant dense<0.000000e+00> : vector<2000x128xf32>
    %dot_general3A_30 = tpu.matmul %select_n3A, %get3A_28, %dot_general3A_29 {dimension_numbers = #tpu.dot_dimension_numbers<[1], [1], [0], [0], [0, 0, 1, 0], [], []>, transpose_lhs_hint = false} : vector<2000x128xf32>, vector<128x128xf32>, vector<2000x128xf32> -> vector<2000x128xf32>
    %get3A_31 = arith.constant 0 : index
    %get3A_32 = arith.constant 0 : index
    %get3A_33 = vector.load %arg6[%get3A_31, %get3A_32] : memref<1x128xf32, #tpu.memory_space<vmem>>, vector<1x128xf32>
    %add3A_34 = vector.broadcast %get3A_33 : vector<1x128xf32> to vector<2000x128xf32>
    %add3A_35 = arith.addf %dot_general3A_30, %add3A_34 : vector<2000x128xf32>
    %gt3A_36 = arith.constant 0.000000e+00 : f32
    %gt3A_37 = vector.broadcast %gt3A_36 : f32 to vector<2000x128xf32>
    %gt3A_38 = arith.cmpf ogt, %add3A_35, %gt3A_37 : vector<2000x128xf32>
    %mul3A_39 = arith.constant 2.000000e-01 : f32
    %mul3A_40 = vector.broadcast %mul3A_39 : f32 to vector<2000x128xf32>
    %mul3A_41 = arith.mulf %mul3A_40, %add3A_35 : vector<2000x128xf32>
    %select_n3A_42 = arith.select %gt3A_38, %add3A_35, %mul3A_41 : vector<2000x128xi1>, vector<2000x128xf32>
    %swap3A = arith.constant 0 : index
    %swap3A_43 = arith.constant 0 : index
    %swap3A_44 = vector.load %arg7[%swap3A, %swap3A_43] : memref<2000x128xf32, #tpu.memory_space<vmem>>, vector<2000x128xf32>
    tpu.vector_store %arg7[%swap3A, %swap3A_43], %select_n3A_42 {strides = array<i32>} : memref<2000x128xf32, #tpu.memory_space<vmem>>, vector<2000x128xf32>,
    return
  }
  func.func @transform_0(%arg0: i32) -> (i32, i32) {
    %c0_i32 = arith.constant 0 : i32
    %c0_i32_0 = arith.constant 0 : i32
    return %arg0, %c0_i32 : i32, i32
  }
  func.func @transform_1(%arg0: i32) -> (i32, i32, i32) {
    %c0_i32 = arith.constant 0 : i32
    %c0_i32_0 = arith.constant 0 : i32
    %c0_i32_1 = arith.constant 0 : i32
    return %c0_i32, %arg0, %c0_i32_0 : i32, i32, i32
  }
  func.func @transform_2(%arg0: i32) -> (i32, i32) {
    %c0_i32 = arith.constant 0 : i32
    %c0_i32_0 = arith.constant 0 : i32
    %c0_i32_1 = arith.constant 0 : i32
    return %c0_i32, %c0_i32_0 : i32, i32
  }
  func.func @transform_3(%arg0: i32) -> (i32, i32) {
    %c0_i32 = arith.constant 0 : i32
    %c0_i32_0 = arith.constant 0 : i32
    %c0_i32_1 = arith.constant 0 : i32
    return %c0_i32, %c0_i32_0 : i32, i32
  }
  func.func @transform_4(%arg0: i32) -> (i32, i32) {
    %c0_i32 = arith.constant 0 : i32
    %c0_i32_0 = arith.constant 0 : i32
    %c0_i32_1 = arith.constant 0 : i32
    return %c0_i32, %c0_i32_0 : i32, i32
  }
  func.func @transform_5(%arg0: i32) -> (i32, i32) {
    %c0_i32 = arith.constant 0 : i32
    %c0_i32_0 = arith.constant 0 : i32
    %c0_i32_1 = arith.constant 0 : i32
    return %c0_i32, %c0_i32_0 : i32, i32
  }
  func.func @transform_6(%arg0: i32) -> (i32, i32) {
    %c0_i32 = arith.constant 0 : i32
    %c0_i32_0 = arith.constant 0 : i32
    return %arg0, %c0_i32 : i32, i32
  }
}

module attributes {stable_mosaic.version = 14 : i64} {
  func.func @_final_body(%arg0: i32, %arg1: memref<2000x128xf32, #tpu.memory_space<vmem>>, %arg2: memref<2x2000x128xf32, #tpu.memory_space<vmem>>, %arg3: memref<128x128xf32, #tpu.memory_space<vmem>>, %arg4: memref<1x128xf32, #tpu.memory_space<vmem>>, %arg5: memref<128x128xf32, #tpu.memory_space<vmem>>, %arg6: memref<1x128xf32, #tpu.memory_space<vmem>>, %arg7: memref<1x128xf32, #tpu.memory_space<vmem>>, %arg8: memref<1x1xf32, #tpu.memory_space<vmem>>, %arg9: memref<2000x1xf32, #tpu.memory_space<vmem>>) attributes {dimension_semantics = [#tpu.dimension_semantics<arbitrary>], iteration_bounds = array<i64: 5>, scalar_prefetch = 0 : i64, scratch_operands = 0 : i64, tpu.core_type = #tpu.core_type<tc>, window_params = [{transform_indices = @transform_0, window_bounds = array<i64: 2000, 128>}, {transform_indices = @transform_1, window_bounds = array<i64: 2, 2000, 128>}, {pipeline_mode = #tpu.pipeline_mode<synchronous>, transform_indices = @transform_2, window_bounds = array<i64: 128, 128>}, {pipeline_mode = #tpu.pipeline_mode<synchronous>, transform_indices = @transform_3, window_bounds = array<i64: 1, 128>}, {pipeline_mode = #tpu.pipeline_mode<synchronous>, transform_indices = @transform_4, window_bounds = array<i64: 128, 128>}, {pipeline_mode = #tpu.pipeline_mode<synchronous>, transform_indices = @transform_5, window_bounds = array<i64: 1, 128>}, {pipeline_mode = #tpu.pipeline_mode<synchronous>, transform_indices = @transform_6, window_bounds = array<i64: 1, 128>}, {pipeline_mode = #tpu.pipeline_mode<synchronous>, transform_indices = @transform_7, window_bounds = array<i64: 1, 1>}, {transform_indices = @transform_8, window_bounds = array<i64: 2000, 1>}]} {
    %get3A = arith.constant 0 : index
    %get3A_0 = arith.constant 0 : index
    %get3A_1 = vector.load %arg1[%get3A, %get3A_0] : memref<2000x128xf32, #tpu.memory_space<vmem>>, vector<2000x128xf32>
    %get3A_2 = arith.constant 0 : index
    %get3A_3 = arith.constant 0 : index
    %get3A_4 = arith.constant 0 : index
    %get3A_5 = vector.load %arg2[%get3A_2, %get3A_3, %get3A_4] : memref<2x2000x128xf32, #tpu.memory_space<vmem>>, vector<1x2000x128xf32>
    %get3A_6 = vector.shape_cast %get3A_5 : vector<1x2000x128xf32> to vector<2000x128xf32>
    %add3A = arith.addf %get3A_1, %get3A_6 : vector<2000x128xf32>
    %get3A_7 = arith.constant 1 : index
    %get3A_8 = arith.constant 0 : index
    %get3A_9 = arith.constant 0 : index
    %get3A_10 = vector.load %arg2[%get3A_7, %get3A_8, %get3A_9] : memref<2x2000x128xf32, #tpu.memory_space<vmem>>, vector<1x2000x128xf32>
    %get3A_11 = vector.shape_cast %get3A_10 : vector<1x2000x128xf32> to vector<2000x128xf32>
    %add3A_12 = arith.addf %add3A, %get3A_11 : vector<2000x128xf32>
    %get3A_13 = arith.constant 0 : index
    %get3A_14 = arith.constant 0 : index
    %get3A_15 = vector.load %arg3[%get3A_13, %get3A_14] : memref<128x128xf32, #tpu.memory_space<vmem>>, vector<128x128xf32>
    %dot_general3A = arith.constant dense<0.000000e+00> : vector<2000x128xf32>
    %dot_general3A_16 = tpu.matmul %add3A_12, %get3A_15, %dot_general3A {dimension_numbers = #tpu.dot_dimension_numbers<[1], [1], [0], [0], [0, 0, 1, 0], [], []>, transpose_lhs_hint = false} : vector<2000x128xf32>, vector<128x128xf32>, vector<2000x128xf32> -> vector<2000x128xf32>
    %get3A_17 = arith.constant 0 : index
    %get3A_18 = arith.constant 0 : index
    %get3A_19 = vector.load %arg4[%get3A_17, %get3A_18] : memref<1x128xf32, #tpu.memory_space<vmem>>, vector<1x128xf32>
    %add3A_20 = vector.broadcast %get3A_19 : vector<1x128xf32> to vector<2000x128xf32>
    %add3A_21 = arith.addf %dot_general3A_16, %add3A_20 : vector<2000x128xf32>
    %gt3A = arith.constant 0.000000e+00 : f32
    %gt3A_22 = vector.broadcast %gt3A : f32 to vector<2000x128xf32>
    %gt3A_23 = arith.cmpf ogt, %add3A_21, %gt3A_22 : vector<2000x128xf32>
    %mul3A = arith.constant 2.000000e-01 : f32
    %mul3A_24 = vector.broadcast %mul3A : f32 to vector<2000x128xf32>
    %mul3A_25 = arith.mulf %mul3A_24, %add3A_21 : vector<2000x128xf32>
    %select_n3A = arith.select %gt3A_23, %add3A_21, %mul3A_25 : vector<2000x128xi1>, vector<2000x128xf32>
    %get3A_26 = arith.constant 0 : index
    %get3A_27 = arith.constant 0 : index
    %get3A_28 = vector.load %arg5[%get3A_26, %get3A_27] : memref<128x128xf32, #tpu.memory_space<vmem>>, vector<128x128xf32>
    %dot_general3A_29 = arith.constant dense<0.000000e+00> : vector<2000x128xf32>
    %dot_general3A_30 = tpu.matmul %select_n3A, %get3A_28, %dot_general3A_29 {dimension_numbers = #tpu.dot_dimension_numbers<[1], [1], [0], [0], [0, 0, 1, 0], [], []>, transpose_lhs_hint = false} : vector<2000x128xf32>, vector<128x128xf32>, vector<2000x128xf32> -> vector<2000x128xf32>
    %get3A_31 = arith.constant 0 : index
    %get3A_32 = arith.constant 0 : index
    %get3A_33 = vector.load %arg6[%get3A_31, %get3A_32] : memref<1x128xf32, #tpu.memory_space<vmem>>, vector<1x128xf32>
    %add3A_34 = vector.broadcast %get3A_33 : vector<1x128xf32> to vector<2000x128xf32>
    %add3A_35 = arith.addf %dot_general3A_30, %add3A_34 : vector<2000x128xf32>
    %gt3A_36 = arith.constant 0.000000e+00 : f32
    %gt3A_37 = vector.broadcast %gt3A_36 : f32 to vector<2000x128xf32>
    %gt3A_38 = arith.cmpf ogt, %add3A_35, %gt3A_37 : vector<2000x128xf32>
    %mul3A_39 = arith.constant 2.000000e-01 : f32
    %mul3A_40 = vector.broadcast %mul3A_39 : f32 to vector<2000x128xf32>
    %mul3A_41 = arith.mulf %mul3A_40, %add3A_35 : vector<2000x128xf32>
    %select_n3A_42 = arith.select %gt3A_38, %add3A_35, %mul3A_41 : vector<2000x128xi1>, vector<2000x128xf32>
    %get3A_43 = arith.constant 0 : index
    %get3A_44 = arith.constant 0 : index
    %get3A_45 = vector.load %arg7[%get3A_43, %get3A_44] : memref<1x128xf32, #tpu.memory_space<vmem>>, vector<1x128xf32>
    %mul3A_46 = vector.broadcast %get3A_45 : vector<1x128xf32> to vector<2000x128xf32>
    %mul3A_47 = arith.mulf %select_n3A_42, %mul3A_46 : vector<2000x128xf32>
    %reduce_sum3A = arith.constant dense<0.000000e+00> : vector<2000xf32>
    %reduce_sum3A_48 = vector.multi_reduction <add>, %mul3A_47, %reduce_sum3A [1] : vector<2000x128xf32> to vector<2000xf32>
    %broadcast_in_dim3A = vector.shape_cast %reduce_sum3A_48 : vector<2000xf32> to vector<2000x1xf32>
    %get3A_49 = arith.constant 0 : index
    %get3A_50 = arith.constant 0 : index
    %get3A_51 = vector.load %arg8[%get3A_49, %get3A_50] : memref<1x1xf32, #tpu.memory_space<vmem>>, vector<1x1xf32>
    %add3A_52 = vector.broadcast %get3A_51 : vector<1x1xf32> to vector<2000x1xf32>
    %add3A_53 = arith.addf %broadcast_in_dim3A, %add3A_52 : vector<2000x1xf32>
    %swap3A = arith.constant 0 : index
    %swap3A_54 = arith.constant 0 : index
    %swap3A_55 = vector.load %arg9[%swap3A, %swap3A_54] : memref<2000x1xf32, #tpu.memory_space<vmem>>, vector<2000x1xf32>
    tpu.vector_store %arg9[%swap3A, %swap3A_54], %add3A_53 {strides = array<i32>} : memref<2000x1xf32, #tpu.memory_space<vmem>>, vector<2000x1xf32>,
    return
  }
  func.func @transform_0(%arg0: i32) -> (i32, i32) {
    %c0_i32 = arith.constant 0 : i32
    %c0_i32_0 = arith.constant 0 : i32
    return %arg0, %c0_i32 : i32, i32
  }
  func.func @transform_1(%arg0: i32) -> (i32, i32, i32) {
    %c0_i32 = arith.constant 0 : i32
    %c0_i32_0 = arith.constant 0 : i32
    %c0_i32_1 = arith.constant 0 : i32
    return %c0_i32, %arg0, %c0_i32_0 : i32, i32, i32
  }
  func.func @transform_2(%arg0: i32) -> (i32, i32) {
    %c0_i32 = arith.constant 0 : i32
    %c0_i32_0 = arith.constant 0 : i32
    %c0_i32_1 = arith.constant 0 : i32
    return %c0_i32, %c0_i32_0 : i32, i32
  }
  func.func @transform_3(%arg0: i32) -> (i32, i32) {
    %c0_i32 = arith.constant 0 : i32
    %c0_i32_0 = arith.constant 0 : i32
    %c0_i32_1 = arith.constant 0 : i32
    return %c0_i32, %c0_i32_0 : i32, i32
  }
  func.func @transform_4(%arg0: i32) -> (i32, i32) {
    %c0_i32 = arith.constant 0 : i32
    %c0_i32_0 = arith.constant 0 : i32
    %c0_i32_1 = arith.constant 0 : i32
    return %c0_i32, %c0_i32_0 : i32, i32
  }
  func.func @transform_5(%arg0: i32) -> (i32, i32) {
    %c0_i32 = arith.constant 0 : i32
    %c0_i32_0 = arith.constant 0 : i32
    %c0_i32_1 = arith.constant 0 : i32
    return %c0_i32, %c0_i32_0 : i32, i32
  }
  func.func @transform_6(%arg0: i32) -> (i32, i32) {
    %c0_i32 = arith.constant 0 : i32
    %c0_i32_0 = arith.constant 0 : i32
    %c0_i32_1 = arith.constant 0 : i32
    return %c0_i32, %c0_i32_0 : i32, i32
  }
  func.func @transform_7(%arg0: i32) -> (i32, i32) {
    %c0_i32 = arith.constant 0 : i32
    %c0_i32_0 = arith.constant 0 : i32
    %c0_i32_1 = arith.constant 0 : i32
    return %c0_i32, %c0_i32_0 : i32, i32
  }
  func.func @transform_8(%arg0: i32) -> (i32, i32) {
    %c0_i32 = arith.constant 0 : i32
    %c0_i32_0 = arith.constant 0 : i32
    return %arg0, %c0_i32 : i32, i32
  }
}

</mosaic_0001>

<sc_bundles>
// kernel: kernel.6.cloned.1.call-start
scs
__scs_entry_jumppad:
0x0: {  	(pc) =	sbr.rel $0x88, $3  }
0x1: {  	(tag) =	ssettag $0x0;
	lr =	simm.s32 $0x1  }
0x2: {  	[smem:$0x3F95] =	sst lr;
	_ =	strace $0xD0000000  }
0x3: {  	_ = 	snop  }
0x4: {  	_ = 	snop  }
0x5: {  	_ = 	snop  }
0x6: {  	_ = 	snop  }
0x7: {  	_ = 	snop  }
__scs_overlays_trampoline_lowered:
0x8: {  	[smem:$0x3FA4] =	sst s0  }
0x9: {  	[smem:$0x3FA5] =	sst s1  }
0xa: {  	[smem:$0x3FA6] =	sst s2  }
0xb: {  	[smem:$0x3FA7] =	sst s3  }
0xc: {  	[smem:$0x3FA8] =	sst s4  }
0xd: {  	[smem:$0x3FA9] =	sst s5  }
0xe: {  	[smem:$0x3FAA] =	sst s6  }
0xf: {  	[smem:$0x3FAB] =	sst s7  }
0x10: {  	[smem:$0x3FAC] =	sst s8  }
0x11: {  	[smem:$0x3FAD] =	sst s9;
	s0 =	simm.s32 @!p0 $0x0  }
0x12: {  	s1 =	sld [smem:$0x3F93];
	s0 =	simm.s32 @p0 $0x1  }
0x13: {  	[smem:$0x3FAE] =	sst s0;
	s0 =	simm.s32 @!p1 $0x0  }
0x14: {  	s2 =	sld [smem:$0x3F92];
	s0 =	simm.s32 @p1 $0x1  }
0x15: {  	[smem:$0x3FAF] =	sst s0;
	s0 =	simm.s32 @!p2 $0x0  }
0x16: {  	s3 =	sld [smem:$0x3FDB];
	s0 =	simm.s32 @p2 $0x1  }
0x17: {  	s4 =	simm.s32 $0x1BF5;
	[smem:$0x3FB1] =	sst s0  }
0x18: {  	s0 =	sld [smem:$0x3F94];
	_ =	swait.ge [sflag:s4], $0x0  }
0x19: {  	s7 =	sld [smem:$0x3F95]  }
0x1a: {  	s8 =	sadd.s32 $0xFFFFE003, lr  }
0x1b: {  	s9 =	sadd.s32 $0xFFFFFEF7, lr;
	s5 =	simm.s32 $0xFFFFFFFF;
	p2 =	slt.u32 s8, $0xFFFFF086  }
0x1c: {  	p1 =	slt.u32 s9, $0xF7A;
	s5 =	simm.s32 @!p2 $0x0  }
0x1d: {  	s5 =	simm.s32 @p1 $0x1;
	p0 =	seq.s32 s7, s2  }
0x1e: {  	s7 =	smul.u32 @!p0 $0xF7A, s2;
	p2 =	seq.s32 @!p0 s5, $0x0  }
0x1f: {  	s9 =	smul.u32 $0xF7A, s1;
	s8 =	simm.s32 @!p0 $0x1BF5;
	p2 =	por !p2, p0  }
0x20: {  	[sflag:s8] =	ssyncset.s32 @!p0 $0xFFFFF086;
	s6 =	sadd.s32 @!p0 s3, s7;
	s7 =	simm.s32 @!p0 $0x108  }
0x21: {  	s3 =	sadd.s32 s3, s9;
	s6 =	sadd.s32 @!p0 $0x88, s6;
	s7 =	simm.s32 @p2 $0x1082  }
0x22: {  	[simem:s7], [sflag:s8] =	dma.local @!p0 [hbm:s6], $0xF7A  }
0x23: {  	s9 =	sor.u32 $0xD0000000, s2;
	s6 =	simm.s32 $0x108;
	_ =	swait.ge @!p0 [sflag:s8], $0x0  }
0x24: {  	s3 =	sadd.s32 $0x88, s3;
	s6 =	simm.s32 @!p1 $0x1082;
	[sflag:s4] =	ssyncset.s32 $0xFFFFF086  }
0x25: {  	[simem:s6], [sflag:s4] =	dma.local [hbm:s3], $0xF7A  }
0x26: {  	[smem:$0x3F95] =	sst s1;
	(tag) =	ssettag s2;
	_ =	strace s9  }
0x27: {  	s1 =	sld [smem:$0x3FA5]  }
0x28: {  	s2 =	sld [smem:$0x3FA6]  }
0x29: {  	s4 =	sld [smem:$0x3FA8]  }
0x2a: {  	p0 =	seq.s32 s5, $0x0;
	s5 =	sld [smem:$0x3FA9]  }
0x2b: {  	s6 =	sld [smem:$0x3FAA]  }
0x2c: {  	s7 =	sld [smem:$0x3FAB]  }
0x2d: {  	s3 =	simm.s32 $0x108;
	s8 =	sld [smem:$0x3FAC]  }
0x2e: {  	s3 =	simm.s32 @!p0 $0x1082;
	s9 =	sld [smem:$0x3FAD]  }
0x2f: {  	lr =	sadd.s32 s0, s3;
	s0 =	sld [smem:$0x3FA4]  }
0x30: {  	s3 =	sld [smem:$0x3FA7]  }
0x31: {  	[smem:$0x3FB0] =	sst s10  }
0x32: {  	s10 =	sld [smem:$0x3FAE];
	_ =	sdelay $0x3  }
0x33: {  	p0 =	seq.s32 s10, $0x1;
	s10 =	sld [smem:$0x3FB0];
	_ =	sdelay $0x3  }
0x34: {  	[smem:$0x3FB0] =	sst s10  }
0x35: {  	s10 =	sld [smem:$0x3FAF];
	_ =	sdelay $0x3  }
0x36: {  	p1 =	seq.s32 s10, $0x1;
	s10 =	sld [smem:$0x3FB0];
	_ =	sdelay $0x3  }
0x37: {  	[smem:$0x3FB0] =	sst s10  }
0x38: {  	s10 =	sld [smem:$0x3FB1]  }
0x39: {  	_ = 	snop;
	(pc) =	sbr.ind lr, $3  }
0x3a: {  	_ = 	snop  }
0x3b: {  	_ = 	snop  }
0x3c: {  	p2 =	seq.s32 s10, $0x1;
	s10 =	sld [smem:$0x3FB0]  }
0x3d: {  	_ =	shalt  }
0x3e: {  	_ =	shalt  }
0x3f: {  	_ =	shalt  }
0x40: {  	_ =	shalt  }
0x41: {  	_ =	shalt  }
0x42: {  	_ =	shalt  }
0x43: {  	_ =	shalt  }
0x44: {  	_ =	shalt  }
0x45: {  	_ =	shalt  }
0x46: {  	_ =	shalt  }
0x47: {  	_ =	shalt  }
0x48: {  	_ =	shalt  }
0x49: {  	_ =	shalt  }
0x4a: {  	_ =	shalt  }
0x4b: {  	_ =	shalt  }
0x4c: {  	_ =	shalt  }
0x4d: {  	_ =	shalt  }
0x4e: {  	_ =	shalt  }
0x4f: {  	_ =	shalt  }
0x50: {  	_ =	shalt  }
0x51: {  	_ =	shalt  }
0x52: {  	_ =	shalt  }
0x53: {  	_ =	shalt  }
0x54: {  	_ =	shalt  }
0x55: {  	_ =	shalt  }
0x56: {  	_ =	shalt  }
0x57: {  	_ =	shalt  }
0x58: {  	_ =	shalt  }
0x59: {  	_ =	shalt  }
0x5a: {  	_ =	shalt  }
0x5b: {  	_ =	shalt  }
0x5c: {  	_ =	shalt  }
0x5d: {  	_ =	shalt  }
0x5e: {  	_ =	shalt  }
0x5f: {  	_ =	shalt  }
0x60: {  	_ =	shalt  }
0x61: {  	_ =	shalt  }
0x62: {  	_ =	shalt  }
0x63: {  	_ =	shalt  }
0x64: {  	_ =	shalt  }
0x65: {  	_ =	shalt  }
0x66: {  	_ =	shalt  }
0x67: {  	_ =	shalt  }
0x68: {  	_ =	shalt  }
0x69: {  	_ =	shalt  }
0x6a: {  	_ =	shalt  }
0x6b: {  	_ =	shalt  }
0x6c: {  	_ =	shalt  }
0x6d: {  	_ =	shalt  }
0x6e: {  	_ =	shalt  }
0x6f: {  	_ =	shalt  }
0x70: {  	_ =	shalt  }
0x71: {  	_ =	shalt  }
0x72: {  	_ =	shalt  }
0x73: {  	_ =	shalt  }
0x74: {  	_ =	shalt  }
0x75: {  	_ =	shalt  }
0x76: {  	_ =	shalt  }
0x77: {  	_ =	shalt  }
0x78: {  	_ =	shalt  }
0x79: {  	_ =	shalt  }
0x7a: {  	_ =	shalt  }
0x7b: {  	_ =	shalt  }
0x7c: {  	_ =	shalt  }
0x7d: {  	_ =	shalt  }
0x7e: {  	_ =	shalt  }
0x7f: {  	_ =	shalt  }
0x80: {  	_ =	shalt  }
0x81: {  	_ =	shalt  }
0x82: {  	_ =	shalt  }
0x83: {  	_ =	shalt  }
0x84: {  	_ =	shalt  }
0x85: {  	_ =	shalt  }
0x86: {  	_ =	shalt  }
0x87: {  	_ =	shalt  }
.Lfunc_end0:
.L_simem_size_0:
called_computation_lowered:
.L_overlay_start_0:
0x88: {  	s2 =	sld [smem:$0x3FD9]  }
0x89: {  	s3 =	sld [smem:$0x3FFE];
	_ =	sdelay $0x1  }
0x8a: {  	s1 =	srdreg.scid  }
0x8b: {  	s0 =	sand.u32 $0x1, s1  }
0x8c: {  	s17 =	sshll.u32 s0, $0xA;
	s2 =	sadd.s32 s3, s2  }
0x8d: {  	s2 =	sadd.s32 s2, s17  }
0x8e: {  	[smem:$0x3FBC] =	sst s2  }
0x8f: {  	_ = 	snop  }
0x90: {  	s2 =	sld [smem:$0x3FC9];
	(tm) =	ssettm $0x1  }
0x91: {  	s18 =	sld [smem:$0x3FFB];
	_ =	sdelay $0x3  }
0x92: {  	_ =	strace s18  }
0x93: {  	s3 =	sld [smem:$0x3FFC];
	_ =	sdelay $0x3  }
0x94: {  	_ =	strace s3  }
0x95: {  	s3 =	sld [smem:$0x3FFD];
	_ =	sdelay $0x3  }
0x96: {  	_ =	strace s3  }
0x97: {  	_ =	strace $0x8FFFFFFF  }
0x98: {  	s19 =	sld [smem:$0x3FDB];
	_ =	sdelay $0x1  }
0x99: {  	s4 =	simm.s32 $_scs_section_size  }
0x9a: {  	s5 =	simm.s32 $_size__tile_overlayer_lowered;
	s6 =	simm.s32 $_tile_overlayer_lowered  }
0x9b: {  	s22 =	simm.s32 $0x1BFF;
	s21 =	sshll.u32 s6, $0x1;
	s3 =	sadd.s32 s4, s19  }
0x9c: {  	s7 =	simm.s32 $0x0;
	s20 =	sshll.u32 s5, $0x1;
	s5 =	sadd.s32 s21, s3  }
0x9d: {  	[timem:s7], [sflag:s22] =	dma.local [hbm:s5], s20  }
0x9e: {  	_ =	swait.ge [sflag:s22], s20  }
0x9f: {  	s4 =	ssub.s32 $0x0, s20;
	[sflag:s22] =	ssyncset.done $0x0  }
0xa0: {  	[sflag:s22] =	ssyncadd.s32 s4;
	_ =	sdelay $0x1  }
0xa1: {  	s23 =	simm.s32 $0x1B8B  }
0xa2: {  	_ =	swait.ge [sflag:s23], $0x1  }
0xa3: {  	[sflag:s23] =	ssyncset.done $0x0  }
0xa4: {  	s25 =	simm.s32 $0x1B8E;
	s24 =	sld [smem:$0x3FFE];
	[sflag:s23] =	ssyncadd.s32 $0xFFFFFFFF  }
0xa5: {  	s26 =	simm.s32 $execute0_lowered;
	[smem:$0x3FD2] =	sst s25  }
0xa6: {  	s5 =	sshll.u32 s26, $0x1;
	_ =	strace $0x80000046;
	[dreg:$0x1] =	wrdreg $0xFFFFFFFF  }
0xa7: {  	s28 =	simm.s32 $_size_execute0_lowered;
	s3 =	sadd.s32 s3, s5;
	[dreg:$0x0] =	wrdreg $0x0  }
0xa8: {  	s5 =	sshll.u32 s28, $0x1;
	[dreg:$0x2] =	wrdreg s3  }
0xa9: {  	[dreg:$0x3] =	wrdreg s5  }
0xaa: {  	[dreg:$0x4] =	wrdreg $0xC0  }
0xab: {  	_ =	task [dreg:s7], $0x5FFFF  }
0xac: {  	[dreg:$0x1] =	wrdreg $0xFFFFFFFF  }
0xad: {  	[dreg:$0x0] =	wrdreg $0x60  }
0xae: {  	[dreg:$0x2] =	wrdreg s2  }
0xaf: {  	[dreg:$0x3] =	wrdreg s24  }
0xb0: {  	[dreg:$0x4] =	wrdreg $0xA8000  }
0xb1: {  	[dreg:$0x5] =	wrdreg $0x9  }
0xb2: {  	_ =	task.clear_ibuf [dreg:s7], $0x6FFFF;
	_ =	strace $0x90000046  }
0xb3: {  	s29 =	simm.s32 $0x9;
	_ =	strace $0x80000048  }
0xb4: {  	_ =	swait.ge [sflag:s29], $0x1  }
0xb5: {  	[sflag:s29] =	ssyncadd.s32 $0xFFFFFFFF  }
0xb6: {  	_ =	strace $0x90000048  }
0xb7: {  	_ =	sfence  }
0xb8: {  	s30 =	sld [smem:$0x0];
	_ =	sdelay $0x2  }
0xb9: {  	s31 =	sshll.u32 s1, $0xD;
	s1 =	sshrl.u32 s1, $0x2  }
0xba: {  	s3 =	sand.u32 $0x4000, s31;
	s1 =	sadd.s32 s1, s30  }
0xbb: {  	s0 =	sor.u32 s3, s0;
	s1 =	sshll.u32 s1, $0x11  }
0xbc: {  	s0 =	sor.u32 s1, s0  }
0xbd: {  	s0 =	sadd.s32 $0x8F2B, s0  }
0xbe: {  	[sflag:s0] =	ssyncadd.remote.s32 $0x1  }
0xbf: {  	_ =	sfence.sel $0xFFFF  }
0xc0: {  	[dreg:$0x0] =	wrdreg $0xFFFFFFFF;
	(pc) =	sbr.abs _section_cstart, $3  }
0xc1: {  	[dreg:$0x1] =	wrdreg $0xFFFFFFFF  }
0xc2: {  	_ =	task.clear_ibuf [dreg:s7], $0x2FFFF;
	_ =	strace $0x9FFFFFFF  }
0xc3: {  	(tm) =	ssettm $0x7FFFFFFF  }
tec
execute0_lowered:
.L_overlay_start_1:
0x0: {  	(tag) =	ssettag $0x1  }
0x1: {  	s0 =	rddreg [dreg:$0x0]  }
0x2: {  	s4 =	rddreg [dreg:$0x1];
	s3 =	srdreg.scid  }
0x3: {  	s1 =	stileid.u32;
	s2 =	rddreg [dreg:$0x2]  }
0x4: {  	s30 =	simm.s32 $0x50;
	s5 =	sand.u32 $0x1, s3;
	s6 =	sshll.u32 s1, $0x1  }
0x5: {  	s3 =	simm.s32 $0x0;
	s9 =	sadd.s32 $0x2A00, s4;
	s29 =	smul.u32 $0x4E20, s1  }
0x6: {  	s8 =	sadd.s32 $0x16400, s4;
	s6 =	sor.u32 s5, s6;
	s7 =	smul.u32 $0x28000, s5  }
0x7: {  	[smem:$0x7FF] =	sst s3;
	s24 =	ssub.s32 $0x2, s5;
	s5 =	smul.u32 $0x2710, s5  }
0x8: {  	p0 =	sne.s32 s1, $0x0;
	s6 =	smul.u32 $0x2710, s6;
	_ =	strace $0x80000047  }
0x9: {  	[dreg:$0x14] =	wrdreg s8;
	s25 =	sshrl.u32 s24, $0x1;
	s4 =	sadd.s32 s7, s4  }
0xa: {  	[dreg:$0x13] =	wrdreg s9;
	s6 =	sshrl.u32 s6, $0x3;
	s4 =	sadd.s32 $0x3E400, s4  }
0xb: {  	s26 =	ssub.s32 s24, s25;
	s10 =	sadd.s32 s9, s6;
	[dreg:$0x1f] =	wrdreg s4  }
0xc: {  	s5 =	sadd.s32 s5, s29;
	s6 =	smax.u32 s26, $0x1;
	[dreg:$0x15] =	wrdreg s10  }
0xd: {  	s18 =	sadd.s32 $0x4E570, s5;
	s28 =	sadd.s32 $0x9C40, s10;
	[smem:$0x7FC] =	sst s6  }
0xe: {  	s19 =	sadd.s32 $0x370, s5;
	s31 =	sadd.s32 $0xA, s10;
	[dreg:$0x16] =	wrdreg s28  }
0xf: {  	s20 =	sadd.s32 $0x4E520, s5;
	s11 =	sadd.s32 $0x9C4A, s10;
	[dreg:$0x17] =	wrdreg s31  }
0x10: {  	s24 =	sadd.s32 $0x320, s5;
	s12 =	sadd.s32 $0x14, s10;
	[dreg:$0x18] =	wrdreg s11  }
0x11: {  	s8 =	sadd.s32 $0x4E480, s5;
	s13 =	sadd.s32 $0x9C54, s10;
	[dreg:$0x19] =	wrdreg s12  }
0x12: {  	s4 =	sshrl.u32 s18, $0x3;
	s14 =	sadd.s32 $0x1E, s10;
	[dreg:$0x1a] =	wrdreg s13  }
0x13: {  	s22 =	sshrl.u32 s20, $0x3;
	s15 =	sadd.s32 $0x9C5E, s10;
	[dreg:$0x1b] =	wrdreg s14  }
0x14: {  	s25 =	sshrl.u32 s24, $0x3;
	s16 =	sadd.s32 $0x4D8, s10;
	[dreg:$0x1c] =	wrdreg s15  }
0x15: {  	s26 =	sadd.s32 $0x4E4D0, s5;
	s17 =	sadd.s32 $0xA118, s10;
	[dreg:$0x1d] =	wrdreg s16  }
0x16: {  	s18 =	sadd.s32 $0x1E0, s5;
	s4 =	sadd.s32 s4, s9;
	[dreg:$0x1e] =	wrdreg s17  }
0x17: {  	s6 =	sshrl.u32 s19, $0x3;
	s23 =	sadd.s32 s22, s9;
	[dreg:$0x4] =	wrdreg s4  }
0x18: {  	s19 =	sadd.s32 $0x4E390, s5;
	s21 =	sadd.s32 s6, s9;
	[dreg:$0x6] =	wrdreg s23  }
0x19: {  	s4 =	sadd.s32 s25, s9;
	s6 =	sshrl.u32 s26, $0x3;
	s28 =	sadd.s32 $0x2D0, s5  }
0x1a: {  	s11 =	sadd.s32 $0x4E430, s5;
	s12 =	sadd.s32 $0x230, s5;
	s16 =	sadd.s32 $0x4E3E0, s5  }
0x1b: {  	s23 =	sadd.s32 $0x190, s5;
	s25 =	sadd.s32 $0x4E340, s5;
	[dreg:$0x5] =	wrdreg s21  }
0x1c: {  	s26 =	sadd.s32 $0x140, s5;
	s5 =	sadd.s32 $0x280, s5;
	[dreg:$0x7] =	wrdreg s4  }
0x1d: {  	s10 =	sshrl.u32 s8, $0x3;
	s29 =	sadd.s32 s6, s9;
	[smem:$0x7FD] =	sst s5  }
0x1e: {  	s31 =	sshrl.u32 s28, $0x3;
	s4 =	sadd.s32 s10, s9;
	[dreg:$0x8] =	wrdreg s29  }
0x1f: {  	s6 =	sshrl.u32 s11, $0x3;
	s7 =	sadd.s32 s31, s9;
	[dreg:$0xa] =	wrdreg s4  }
0x20: {  	s14 =	sshrl.u32 s12, $0x3;
	s13 =	sadd.s32 s6, s9;
	[dreg:$0x9] =	wrdreg s7  }
0x21: {  	s17 =	sshrl.u32 s16, $0x3;
	s15 =	sadd.s32 s14, s9;
	[dreg:$0xb] =	wrdreg s13  }
0x22: {  	s21 =	sshrl.u32 s19, $0x3;
	s4 =	sadd.s32 s17, s9;
	[dreg:$0xc] =	wrdreg s15  }
0x23: {  	s6 =	sshrl.u32 s18, $0x3;
	s22 =	sadd.s32 s21, s9;
	[dreg:$0xd] =	wrdreg s4  }
0x24: {  	s24 =	sshrl.u32 s23, $0x3;
	s20 =	sadd.s32 s6, s9;
	[dreg:$0xf] =	wrdreg s22  }
0x25: {  	s29 =	sshrl.u32 s26, $0x3;
	s4 =	sadd.s32 s24, s9;
	[dreg:$0xe] =	wrdreg s20  }
0x26: {  	s6 =	sshrl.u32 s25, $0x3;
	s31 =	sadd.s32 s29, s9;
	[dreg:$0x10] =	wrdreg s4  }
0x27: {  	s24 =	simm.s32 $0x700;
	s28 =	sadd.s32 s6, s9;
	[dreg:$0x12] =	wrdreg s31  }
0x28: {  	s25 =	simm.s32 $0x9;
	s4 =	simm.s32 $0x0;
	[dreg:$0x11] =	wrdreg s28  }
.LBB2_1:
0x29: {  	[smem:$0x7FA] =	sst s4  }
0x2a: {  	s4 =	sshrl.u32 @!p0 s2, $0x3;
	s5 =	rddreg [dreg:$0x14]  }
0x2b: {  	s1 =	simm.s32 @!p0 $0x1C01;
	[smem:$0x7FB] =	sst s4  }
0x2c: {  	[spmem:s4], [sflag:s1] =	dma.local @!p0 [hbm:s5], $0x28000  }
0x2d: {  	s1 =	simm.s32 @!p0 $0x1  }
0x2e: {  	_ =	swait.ge @!p0 [sflag:s1], $0x28000  }
0x2f: {  	[sflag:s1] =	ssyncset.done @!p0 $0x0  }
0x30: {  	[sflag:s1] =	ssyncadd.s32 @!p0 $0xFFFD8000  }
0x31: {  	[bflag:$0x0] =	sbarrier.arrive $0xFFFF  }
0x32: {  	s18 =	rddreg [dreg:$0x15]  }
0x33: {  	[tilespmem:s3], [sflag:$0x2] =	stream.linear.gather [hbm4b:s18+s3], $0x50, $0x38;
	[tilespmem:$0x1E800] =	vst v63  }
0x34: {  	s11 =	simm.s32 $0x400;
	s19 =	rddreg [dreg:$0x16]  }
0x35: {  	[tilespmem:s11], [sflag:$0x2] =	stream.linear.gather [hbm4b:s19+s3], $0x50, $0x38;
	[tilespmem:$0x1E800] =	vst v63  }
0x36: {  	s15 =	simm.s32 $0x80;
	s20 =	rddreg [dreg:$0x17]  }
0x37: {  	[tilespmem:s15], [sflag:$0x3] =	stream.linear.gather [hbm4b:s20+s3], $0x50, $0x38;
	[tilespmem:$0x1E800] =	vst v63  }
0x38: {  	s16 =	simm.s32 $0x480;
	s21 =	rddreg [dreg:$0x18]  }
0x39: {  	[tilespmem:s16], [sflag:$0x3] =	stream.linear.gather [hbm4b:s21+s3], $0x50, $0x38;
	[tilespmem:$0x1E800] =	vst v63  }
0x3a: {  	s22 =	rddreg [dreg:$0x19];
	s19 =	simm.s32 $0x100  }
0x3b: {  	[tilespmem:s19], [sflag:$0x4] =	stream.linear.gather [hbm4b:s22+s3], $0x50, $0x38;
	[tilespmem:$0x1E800] =	vst v63  }
0x3c: {  	s23 =	rddreg [dreg:$0x1a];
	s20 =	simm.s32 $0x500  }
0x3d: {  	[tilespmem:s20], [sflag:$0x4] =	stream.linear.gather [hbm4b:s23+s3], $0x50, $0x38;
	[tilespmem:$0x1E800] =	vst v63  }
0x3e: {  	p1 =	por $0x1, $0x1;
	s26 =	rddreg [dreg:$0x1b];
	s22 =	simm.s32 $0x180  }
0x3f: {  	[tilespmem:s22], [sflag:$0x5] =	stream.linear.gather [hbm4b:s26+s3], $0x50, $0x38;
	[tilespmem:$0x1E800] =	vst v63  }
0x40: {  	s31 =	simm.s32 $0x580;
	s1 =	simm.s32 @!p1 $0xE;
	s29 =	rddreg [dreg:$0x1c]  }
0x41: {  	[tilespmem:s31], [sflag:$0x5] =	stream.linear.gather [hbm4b:s29+s3], $0x50, $0x38;
	[tilespmem:$0x1E800] =	vst v63  }
0x42: {  	_ =	swait.ge @!p1 [sflag:s1], $0x2800  }
0x43: {  	s28 =	simm.s32 $0x200;
	s4 =	rddreg [dreg:$0x12];
	[sflag:s1] =	ssyncset.done @!p1 $0x0  }
0x44: {  	s26 =	rddreg [dreg:$0x11];
	[sflag:s1] =	ssyncadd.s32 @!p1 $0xFFFFD800;
	s5 =	sadd.s32 $0x0, s4  }
0x45: {  	[tilespmem:s28], [sflag:$0x6] =	stream.linear.gather [hbm4b:s5+s3], $0x50, $0x38;
	[tilespmem:$0x1E800] =	vst v63  }
0x46: {  	s8 =	simm.s32 $0x600;
	s7 =	simm.s32 $0x2;
	s6 =	sadd.s32 $0x0, s26  }
0x47: {  	[tilespmem:s8], [sflag:$0x6] =	stream.linear.gather [hbm4b:s6+s3], $0x50, $0x38;
	[tilespmem:$0x1E800] =	vst v63  }
0x48: {  	_ =	swait.ge [sflag:s7], $0x50  }
0x49: {  	[sflag:s7] =	ssyncset.done $0x0  }
0x4a: {  	[sflag:s7] =	ssyncadd.s32 $0xFFFFFFB0  }
0x4b: {  	_ =	swait.ge [sflag:s7], $0x50  }
0x4c: {  	[sflag:s7] =	ssyncset.done $0x0  }
0x4d: {  	s13 =	simm.s32 $0x800;
	s1 =	simm.s32 @!p1 $0xD;
	[sflag:s7] =	ssyncadd.s32 $0xFFFFFFB0  }
0x4e: {  	[tilespmem:s13], [sflag:$0xA] =	stream.indirect.gather [hbm4b:s0+s30], $0x80, s3, s30, $0xb8;
	[tilespmem:$0x1E800] =	vst v63  }
0x4f: {  	_ =	swait.ge @!p1 [sflag:s1], $0x2800  }
0x50: {  	s26 =	simm.s32 @!p1 $0x780;
	[sflag:s1] =	ssyncset.done @!p1 $0x0  }
0x51: {  	s5 =	simm.s32 @!p1 $0x8000;
	[sflag:s1] =	ssyncadd.s32 @!p1 $0xFFFFD800;
	s1 =	simm.s32 @!p1 $0x50  }
0x52: {  	[spmem:s2] =	stream.indirect.scatter.add.f32 @!p1 [tilespmem:s5], [sflag:$0x11], $0x80, s26, s1, $0xb8;
	[tilespmem:$0x1E800] =	vst v63  }
0x53: {  	s1 =	simm.s32 @!p1 $0xF  }
0x54: {  	_ =	swait.ge @!p1 [sflag:s1], $0x2800  }
0x55: {  	s29 =	simm.s32 $0x280;
	s9 =	rddreg [dreg:$0x10];
	[sflag:s1] =	ssyncset.done @!p1 $0x0  }
0x56: {  	s10 =	rddreg [dreg:$0xf];
	[sflag:s1] =	ssyncadd.s32 @!p1 $0xFFFFD800;
	s12 =	sadd.s32 $0x0, s9  }
0x57: {  	[tilespmem:s29], [sflag:$0x7] =	stream.linear.gather [hbm4b:s12+s3], $0x50, $0x38;
	[tilespmem:$0x1E800] =	vst v63  }
0x58: {  	s17 =	simm.s32 $0x3;
	s7 =	simm.s32 $0x680;
	s14 =	sadd.s32 $0x0, s10  }
0x59: {  	[tilespmem:s7], [sflag:$0x7] =	stream.linear.gather [hbm4b:s14+s3], $0x50, $0x38;
	[tilespmem:$0x1E800] =	vst v63  }
0x5a: {  	_ =	swait.ge [sflag:s17], $0x50  }
0x5b: {  	[sflag:s17] =	ssyncset.done $0x0  }
0x5c: {  	[sflag:s17] =	ssyncadd.s32 $0xFFFFFFB0  }
0x5d: {  	_ =	swait.ge [sflag:s17], $0x50  }
0x5e: {  	[sflag:s17] =	ssyncset.done $0x0  }
0x5f: {  	s9 =	simm.s32 $0x3000;
	s12 =	simm.s32 $0xA;
	[sflag:s17] =	ssyncadd.s32 $0xFFFFFFB0  }
0x60: {  	[tilespmem:s9], [sflag:$0xB] =	stream.indirect.gather [hbm4b:s0+s30], $0x80, s15, s30, $0xb8;
	[tilespmem:$0x1E800] =	vst v63  }
0x61: {  	_ =	swait.ge [sflag:s12], $0x2800  }
0x62: {  	[sflag:s12] =	ssyncset.done $0x0  }
0x63: {  	s1 =	simm.s32 @!p1 $0x10;
	[sflag:s12] =	ssyncadd.s32 $0xFFFFD800  }
0x64: {  	[spmem:s2] =	stream.indirect.scatter.add.f32 [tilespmem:s13], [sflag:$0xE], $0x80, s11, s30, $0xb8;
	[tilespmem:$0x1E800] =	vst v63  }
0x65: {  	_ =	swait.ge @!p1 [sflag:s1], $0x2800  }
0x66: {  	s14 =	simm.s32 $0x300;
	s18 =	rddreg [dreg:$0xe];
	[sflag:s1] =	ssyncset.done @!p1 $0x0  }
0x67: {  	s21 =	rddreg [dreg:$0xd];
	[sflag:s1] =	ssyncadd.s32 @!p1 $0xFFFFD800;
	s23 =	sadd.s32 $0x0, s18  }
0x68: {  	[tilespmem:s14], [sflag:$0x8] =	stream.linear.gather [hbm4b:s23+s3], $0x50, $0x38;
	[tilespmem:$0x1E800] =	vst v63  }
0x69: {  	s5 =	simm.s32 $0x4;
	s4 =	sadd.s32 $0x0, s21  }
0x6a: {  	[tilespmem:s24], [sflag:$0x8] =	stream.linear.gather [hbm4b:s4+s3], $0x50, $0x38;
	[tilespmem:$0x1E800] =	vst v63  }
0x6b: {  	_ =	swait.ge [sflag:s5], $0x50  }
0x6c: {  	[sflag:s5] =	ssyncset.done $0x0  }
0x6d: {  	[sflag:s5] =	ssyncadd.s32 $0xFFFFFFB0  }
0x6e: {  	_ =	swait.ge [sflag:s5], $0x50  }
0x6f: {  	[sflag:s5] =	ssyncset.done $0x0  }
0x70: {  	s17 =	simm.s32 $0x5800;
	s18 =	simm.s32 $0xB;
	[sflag:s5] =	ssyncadd.s32 $0xFFFFFFB0  }
0x71: {  	[tilespmem:s17], [sflag:$0xC] =	stream.indirect.gather [hbm4b:s0+s30], $0x80, s19, s30, $0xb8;
	[tilespmem:$0x1E800] =	vst v63  }
0x72: {  	_ =	swait.ge [sflag:s18], $0x2800  }
0x73: {  	[sflag:s18] =	ssyncset.done $0x0  }
0x74: {  	s1 =	simm.s32 @!p1 $0x11;
	[sflag:s18] =	ssyncadd.s32 $0xFFFFD800  }
0x75: {  	[spmem:s2] =	stream.indirect.scatter.add.f32 [tilespmem:s9], [sflag:$0xF], $0x80, s16, s30, $0xb8;
	[tilespmem:$0x1E800] =	vst v63  }
0x76: {  	_ =	swait.ge @!p1 [sflag:s1], $0x2800  }
0x77: {  	s4 =	simm.s32 $0x380;
	s6 =	rddreg [dreg:$0xc];
	[sflag:s1] =	ssyncset.done @!p1 $0x0  }
0x78: {  	s10 =	rddreg [dreg:$0xb];
	[sflag:s1] =	ssyncadd.s32 @!p1 $0xFFFFD800;
	s21 =	sadd.s32 $0x0, s6  }
0x79: {  	[tilespmem:s4], [sflag:$0x9] =	stream.linear.gather [hbm4b:s21+s3], $0x50, $0x38;
	[tilespmem:$0x1E800] =	vst v63  }
0x7a: {  	s26 =	simm.s32 $0x5;
	s24 =	simm.s32 $0x780;
	s23 =	sadd.s32 $0x0, s10  }
0x7b: {  	[tilespmem:s24], [sflag:$0x9] =	stream.linear.gather [hbm4b:s23+s3], $0x50, $0x38;
	[tilespmem:$0x1E800] =	vst v63  }
0x7c: {  	_ =	swait.ge [sflag:s26], $0x50  }
0x7d: {  	[sflag:s26] =	ssyncset.done $0x0  }
0x7e: {  	[sflag:s26] =	ssyncadd.s32 $0xFFFFFFB0  }
0x7f: {  	_ =	swait.ge [sflag:s26], $0x50  }
0x80: {  	[sflag:s26] =	ssyncset.done $0x0  }
0x81: {  	s21 =	simm.s32 $0x8000;
	s23 =	simm.s32 $0xC;
	[sflag:s26] =	ssyncadd.s32 $0xFFFFFFB0  }
0x82: {  	[tilespmem:s21], [sflag:$0xD] =	stream.indirect.gather [hbm4b:s0+s30], $0x80, s22, s30, $0xb8;
	[tilespmem:$0x1E800] =	vst v63  }
0x83: {  	_ =	swait.ge [sflag:s23], $0x2800  }
0x84: {  	[sflag:s23] =	ssyncset.done $0x0  }
0x85: {  	s6 =	simm.s32 $0xE;
	[sflag:s23] =	ssyncadd.s32 $0xFFFFD800  }
0x86: {  	[spmem:s2] =	stream.indirect.scatter.add.f32 [tilespmem:s17], [sflag:$0x10], $0x80, s20, s30, $0xb8;
	[tilespmem:$0x1E800] =	vst v63  }
0x87: {  	_ =	swait.ge [sflag:s6], $0x2800  }
0x88: {  	s10 =	sld [smem:$0x7FD];
	_ =	sdelay $0x2  }
0x89: {  	[sflag:s6] =	ssyncset.done $0x0;
	s24 =	rddreg [dreg:$0x13];
	s5 =	sshrl.u32 s10, $0x3  }
0x8a: {  	s26 =	rddreg [dreg:$0xa];
	[sflag:s6] =	ssyncadd.s32 $0xFFFFD800;
	s1 =	sadd.s32 s24, s5  }
0x8b: {  	[tilespmem:s3], [sflag:$0x2] =	stream.linear.gather [hbm4b:s1+s3], $0x50, $0x38;
	[tilespmem:$0x1E800] =	vst v63  }
0x8c: {  	s26 =	sadd.s32 $0x0, s26;
	s5 =	simm.s32 $0x6  }
0x8d: {  	[tilespmem:s11], [sflag:$0x2] =	stream.linear.gather [hbm4b:s26+s3], $0x50, $0x38;
	[tilespmem:$0x1E800] =	vst v63  }
0x8e: {  	_ =	swait.ge [sflag:s5], $0x50  }
0x8f: {  	[sflag:s5] =	ssyncset.done $0x0  }
0x90: {  	[sflag:s5] =	ssyncadd.s32 $0xFFFFFFB0  }
0x91: {  	_ =	swait.ge [sflag:s5], $0x50  }
0x92: {  	[sflag:s5] =	ssyncset.done $0x0  }
0x93: {  	s6 =	simm.s32 $0xD;
	[sflag:s5] =	ssyncadd.s32 $0xFFFFFFB0  }
0x94: {  	[tilespmem:s13], [sflag:$0xA] =	stream.indirect.gather [hbm4b:s0+s30], $0x80, s28, s30, $0xb8;
	[tilespmem:$0x1E800] =	vst v63  }
0x95: {  	_ =	swait.ge [sflag:s6], $0x2800  }
0x96: {  	[sflag:s6] =	ssyncset.done $0x0  }
0x97: {  	s11 =	simm.s32 $0xF;
	[sflag:s6] =	ssyncadd.s32 $0xFFFFD800  }
0x98: {  	[spmem:s2] =	stream.indirect.scatter.add.f32 [tilespmem:s21], [sflag:$0x11], $0x80, s31, s30, $0xb8;
	[tilespmem:$0x1E800] =	vst v63  }
0x99: {  	_ =	swait.ge [sflag:s11], $0x2800  }
0x9a: {  	s24 =	rddreg [dreg:$0x9];
	[sflag:s11] =	ssyncset.done $0x0  }
0x9b: {  	s26 =	rddreg [dreg:$0x8];
	[sflag:s11] =	ssyncadd.s32 $0xFFFFD800;
	s1 =	sadd.s32 $0x0, s24  }
0x9c: {  	[tilespmem:s15], [sflag:$0x3] =	stream.linear.gather [hbm4b:s1+s3], $0x50, $0x38;
	[tilespmem:$0x1E800] =	vst v63  }
0x9d: {  	s6 =	sadd.s32 $0x0, s26;
	s11 =	simm.s32 $0x7  }
0x9e: {  	[tilespmem:s16], [sflag:$0x3] =	stream.linear.gather [hbm4b:s6+s3], $0x50, $0x38;
	[tilespmem:$0x1E800] =	vst v63  }
0x9f: {  	_ =	swait.ge [sflag:s11], $0x50  }
0xa0: {  	[sflag:s11] =	ssyncset.done $0x0  }
0xa1: {  	[sflag:s11] =	ssyncadd.s32 $0xFFFFFFB0  }
0xa2: {  	_ =	swait.ge [sflag:s11], $0x50  }
0xa3: {  	[sflag:s11] =	ssyncset.done $0x0  }
0xa4: {  	[sflag:s11] =	ssyncadd.s32 $0xFFFFFFB0  }
0xa5: {  	[tilespmem:s9], [sflag:$0xB] =	stream.indirect.gather [hbm4b:s0+s30], $0x80, s29, s30, $0xb8;
	[tilespmem:$0x1E800] =	vst v63  }
0xa6: {  	_ =	swait.ge [sflag:s12], $0x2800  }
0xa7: {  	[sflag:s12] =	ssyncset.done $0x0  }
0xa8: {  	[sflag:s12] =	ssyncadd.s32 $0xFFFFD800;
	s12 =	simm.s32 $0x10  }
0xa9: {  	[spmem:s2] =	stream.indirect.scatter.add.f32 [tilespmem:s13], [sflag:$0xE], $0x80, s8, s30, $0xb8;
	[tilespmem:$0x1E800] =	vst v63  }
0xaa: {  	_ =	swait.ge [sflag:s12], $0x2800  }
0xab: {  	s13 =	rddreg [dreg:$0x7];
	[sflag:s12] =	ssyncset.done $0x0  }
0xac: {  	s15 =	rddreg [dreg:$0x6];
	[sflag:s12] =	ssyncadd.s32 $0xFFFFD800;
	s1 =	sadd.s32 $0x0, s13  }
0xad: {  	[tilespmem:s19], [sflag:$0x4] =	stream.linear.gather [hbm4b:s1+s3], $0x50, $0x38;
	[tilespmem:$0x1E800] =	vst v63  }
0xae: {  	s16 =	sadd.s32 $0x0, s15;
	s19 =	simm.s32 $0x8  }
0xaf: {  	[tilespmem:s20], [sflag:$0x4] =	stream.linear.gather [hbm4b:s16+s3], $0x50, $0x38;
	[tilespmem:$0x1E800] =	vst v63  }
0xb0: {  	_ =	swait.ge [sflag:s19], $0x50  }
0xb1: {  	[sflag:s19] =	ssyncset.done $0x0  }
0xb2: {  	[sflag:s19] =	ssyncadd.s32 $0xFFFFFFB0  }
0xb3: {  	_ =	swait.ge [sflag:s19], $0x50  }
0xb4: {  	[sflag:s19] =	ssyncset.done $0x0  }
0xb5: {  	[sflag:s19] =	ssyncadd.s32 $0xFFFFFFB0  }
0xb6: {  	[tilespmem:s17], [sflag:$0xC] =	stream.indirect.gather [hbm4b:s0+s30], $0x80, s14, s30, $0xb8;
	[tilespmem:$0x1E800] =	vst v63  }
0xb7: {  	_ =	swait.ge [sflag:s18], $0x2800  }
0xb8: {  	[sflag:s18] =	ssyncset.done $0x0  }
0xb9: {  	s20 =	simm.s32 $0x11;
	[sflag:s18] =	ssyncadd.s32 $0xFFFFD800  }
0xba: {  	[spmem:s2] =	stream.indirect.scatter.add.f32 [tilespmem:s9], [sflag:$0xF], $0x80, s7, s30, $0xb8;
	[tilespmem:$0x1E800] =	vst v63  }
0xbb: {  	_ =	swait.ge [sflag:s20], $0x2800  }
0xbc: {  	s24 =	rddreg [dreg:$0x5];
	[sflag:s20] =	ssyncset.done $0x0  }
0xbd: {  	s26 =	rddreg [dreg:$0x4];
	[sflag:s20] =	ssyncadd.s32 $0xFFFFD800;
	s1 =	sadd.s32 $0x0, s24  }
0xbe: {  	[tilespmem:s22], [sflag:$0x5] =	stream.linear.gather [hbm4b:s1+s3], $0x50, $0x38;
	[tilespmem:$0x1E800] =	vst v63  }
0xbf: {  	s29 =	sadd.s32 $0x0, s26  }
0xc0: {  	[tilespmem:s31], [sflag:$0x5] =	stream.linear.gather [hbm4b:s29+s3], $0x50, $0x38;
	[tilespmem:$0x1E800] =	vst v63  }
0xc1: {  	_ =	swait.ge [sflag:s25], $0x50  }
0xc2: {  	[sflag:s25] =	ssyncset.done $0x0  }
0xc3: {  	[sflag:s25] =	ssyncadd.s32 $0xFFFFFFB0  }
0xc4: {  	_ =	swait.ge [sflag:s25], $0x50  }
0xc5: {  	[sflag:s25] =	ssyncset.done $0x0  }
0xc6: {  	[sflag:s25] =	ssyncadd.s32 $0xFFFFFFB0  }
0xc7: {  	[tilespmem:s21], [sflag:$0xD] =	stream.indirect.gather [hbm4b:s0+s30], $0x80, s4, s30, $0xb8;
	[tilespmem:$0x1E800] =	vst v63  }
0xc8: {  	p2 =	por $0x0, $0x0;
	s28 =	sadd.s32 $0x280, s10;
	_ =	swait.ge [sflag:s23], $0x2800  }
0xc9: {  	s26 =	simm.s32 $0x50;
	s1 =	simm.s32 $0xA0;
	[sflag:s23] =	ssyncset.done $0x0  }
.LBB2_2:
0xca: {  	s10 =	simm.s32 @!p2 $0xE;
	s23 =	simm.s32 $0xC  }
0xcb: {  	s19 =	simm.s32 $0x700;
	s17 =	simm.s32 $0x5800;
	[sflag:s23] =	ssyncadd.s32 $0xFFFFD800  }
0xcc: {  	[spmem:s2] =	stream.indirect.scatter.add.f32 [tilespmem:s17], [sflag:$0x10], $0x80, s19, s30, $0xb8;
	[tilespmem:$0x1E800] =	vst v63  }
0xcd: {  	_ =	swait.ge @!p2 [sflag:s10], $0x2800  }
0xce: {  	s31 =	simm.s32 $0x200;
	[sflag:s10] =	ssyncset.done @!p2 $0x0;
	s11 =	rddreg [dreg:$0x12]  }
0xcf: {  	s16 =	rddreg [dreg:$0x11];
	[sflag:s10] =	ssyncadd.s32 @!p2 $0xFFFFD800;
	s11 =	sadd.s32 s26, s11  }
0xd0: {  	[tilespmem:s31], [sflag:$0x6] =	stream.linear.gather [hbm4b:s11+s3], $0x50, $0x38;
	[tilespmem:$0x1E800] =	vst v63  }
0xd1: {  	s8 =	simm.s32 $0x600;
	s6 =	simm.s32 $0x2;
	s10 =	sadd.s32 s26, s16  }
0xd2: {  	[tilespmem:s8], [sflag:$0x6] =	stream.linear.gather [hbm4b:s10+s3], $0x50, $0x38;
	[tilespmem:$0x1E800] =	vst v63  }
0xd3: {  	_ =	swait.ge [sflag:s6], $0x50  }
0xd4: {  	[sflag:s6] =	ssyncset.done $0x0  }
0xd5: {  	[sflag:s6] =	ssyncadd.s32 $0xFFFFFFB0  }
0xd6: {  	_ =	swait.ge [sflag:s6], $0x50  }
0xd7: {  	[sflag:s6] =	ssyncset.done $0x0  }
0xd8: {  	s13 =	simm.s32 $0x800;
	s10 =	simm.s32 @!p2 $0xD;
	[sflag:s6] =	ssyncadd.s32 $0xFFFFFFB0  }
0xd9: {  	[tilespmem:s13], [sflag:$0xA] =	stream.indirect.gather [hbm4b:s0+s30], $0x80, s3, s30, $0xb8;
	[tilespmem:$0x1E800] =	vst v63  }
0xda: {  	_ =	swait.ge @!p2 [sflag:s10], $0x2800  }
0xdb: {  	s15 =	simm.s32 @!p2 $0xF;
	s11 =	simm.s32 @!p2 $0x8000;
	[sflag:s10] =	ssyncset.done @!p2 $0x0  }
0xdc: {  	s6 =	simm.s32 @!p2 $0x780;
	[sflag:s10] =	ssyncadd.s32 @!p2 $0xFFFFD800;
	s10 =	simm.s32 @!p2 $0x50  }
0xdd: {  	[spmem:s2] =	stream.indirect.scatter.add.f32 @!p2 [tilespmem:s11], [sflag:$0x11], $0x80, s6, s10, $0xb8;
	[tilespmem:$0x1E800] =	vst v63  }
0xde: {  	_ =	swait.ge @!p2 [sflag:s15], $0x2800  }
0xdf: {  	s29 =	simm.s32 $0x280;
	s18 =	rddreg [dreg:$0x10];
	[sflag:s15] =	ssyncset.done @!p2 $0x0  }
0xe0: {  	s20 =	rddreg [dreg:$0xf];
	[sflag:s15] =	ssyncadd.s32 @!p2 $0xFFFFD800;
	s6 =	sadd.s32 s26, s18  }
0xe1: {  	[tilespmem:s29], [sflag:$0x7] =	stream.linear.gather [hbm4b:s6+s3], $0x50, $0x38;
	[tilespmem:$0x1E800] =	vst v63  }
0xe2: {  	s7 =	simm.s32 $0x680;
	s22 =	simm.s32 $0x3;
	s21 =	sadd.s32 s26, s20  }
0xe3: {  	[tilespmem:s7], [sflag:$0x7] =	stream.linear.gather [hbm4b:s21+s3], $0x50, $0x38;
	[tilespmem:$0x1E800] =	vst v63  }
0xe4: {  	_ =	swait.ge [sflag:s22], $0x50  }
0xe5: {  	[sflag:s22] =	ssyncset.done $0x0  }
0xe6: {  	[sflag:s22] =	ssyncadd.s32 $0xFFFFFFB0  }
0xe7: {  	_ =	swait.ge [sflag:s22], $0x50  }
0xe8: {  	s9 =	simm.s32 $0x3000;
	[sflag:s22] =	ssyncset.done $0x0  }
0xe9: {  	s12 =	simm.s32 $0xA;
	s16 =	simm.s32 $0x80;
	[sflag:s22] =	ssyncadd.s32 $0xFFFFFFB0  }
0xea: {  	[tilespmem:s9], [sflag:$0xB] =	stream.indirect.gather [hbm4b:s0+s30], $0x80, s16, s30, $0xb8;
	[tilespmem:$0x1E800] =	vst v63  }
0xeb: {  	_ =	swait.ge [sflag:s12], $0x2800  }
0xec: {  	[sflag:s12] =	ssyncset.done $0x0  }
0xed: {  	s15 =	simm.s32 $0x400;
	s6 =	simm.s32 @!p2 $0x10;
	[sflag:s12] =	ssyncadd.s32 $0xFFFFD800  }
0xee: {  	[spmem:s2] =	stream.indirect.scatter.add.f32 [tilespmem:s13], [sflag:$0xE], $0x80, s15, s30, $0xb8;
	[tilespmem:$0x1E800] =	vst v63  }
0xef: {  	_ =	swait.ge @!p2 [sflag:s6], $0x2800  }
0xf0: {  	s14 =	simm.s32 $0x300;
	s24 =	rddreg [dreg:$0xe];
	[sflag:s6] =	ssyncset.done @!p2 $0x0  }
0xf1: {  	s4 =	rddreg [dreg:$0xd];
	[sflag:s6] =	ssyncadd.s32 @!p2 $0xFFFFD800;
	s18 =	sadd.s32 s26, s24  }
0xf2: {  	[tilespmem:s14], [sflag:$0x8] =	stream.linear.gather [hbm4b:s18+s3], $0x50, $0x38;
	[tilespmem:$0x1E800] =	vst v63  }
0xf3: {  	s21 =	simm.s32 $0x4;
	s20 =	sadd.s32 s26, s4  }
0xf4: {  	[tilespmem:s19], [sflag:$0x8] =	stream.linear.gather [hbm4b:s20+s3], $0x50, $0x38;
	[tilespmem:$0x1E800] =	vst v63  }
0xf5: {  	_ =	swait.ge [sflag:s21], $0x50  }
0xf6: {  	[sflag:s21] =	ssyncset.done $0x0  }
0xf7: {  	[sflag:s21] =	ssyncadd.s32 $0xFFFFFFB0  }
0xf8: {  	_ =	swait.ge [sflag:s21], $0x50  }
0xf9: {  	[sflag:s21] =	ssyncset.done $0x0  }
0xfa: {  	s18 =	simm.s32 $0xB;
	s20 =	simm.s32 $0x100;
	[sflag:s21] =	ssyncadd.s32 $0xFFFFFFB0  }
0xfb: {  	[tilespmem:s17], [sflag:$0xC] =	stream.indirect.gather [hbm4b:s0+s30], $0x80, s20, s30, $0xb8;
	[tilespmem:$0x1E800] =	vst v63  }
0xfc: {  	_ =	swait.ge [sflag:s18], $0x2800  }
0xfd: {  	[sflag:s18] =	ssyncset.done $0x0  }
0xfe: {  	s6 =	simm.s32 @!p2 $0x11;
	s19 =	simm.s32 $0x480;
	[sflag:s18] =	ssyncadd.s32 $0xFFFFD800  }
0xff: {  	[spmem:s2] =	stream.indirect.scatter.add.f32 [tilespmem:s9], [sflag:$0xF], $0x80, s19, s30, $0xb8;
	[tilespmem:$0x1E800] =	vst v63  }
0x100: {  	_ =	swait.ge @!p2 [sflag:s6], $0x2800  }
0x101: {  	s4 =	simm.s32 $0x380;
	s22 =	rddreg [dreg:$0xc];
	[sflag:s6] =	ssyncset.done @!p2 $0x0  }
0x102: {  	s24 =	rddreg [dreg:$0xb];
	[sflag:s6] =	ssyncadd.s32 @!p2 $0xFFFFD800;
	s21 =	sadd.s32 s26, s22  }
0x103: {  	[tilespmem:s4], [sflag:$0x9] =	stream.linear.gather [hbm4b:s21+s3], $0x50, $0x38;
	[tilespmem:$0x1E800] =	vst v63  }
0x104: {  	s10 =	simm.s32 $0x5;
	s22 =	sadd.s32 s26, s24;
	s24 =	simm.s32 $0x780  }
0x105: {  	[tilespmem:s24], [sflag:$0x9] =	stream.linear.gather [hbm4b:s22+s3], $0x50, $0x38;
	[tilespmem:$0x1E800] =	vst v63  }
0x106: {  	_ =	swait.ge [sflag:s10], $0x50  }
0x107: {  	[sflag:s10] =	ssyncset.done $0x0  }
0x108: {  	[sflag:s10] =	ssyncadd.s32 $0xFFFFFFB0  }
0x109: {  	_ =	swait.ge [sflag:s10], $0x50  }
0x10a: {  	[sflag:s10] =	ssyncset.done $0x0  }
0x10b: {  	s21 =	simm.s32 $0x8000;
	s24 =	simm.s32 $0x180;
	[sflag:s10] =	ssyncadd.s32 $0xFFFFFFB0  }
0x10c: {  	[tilespmem:s21], [sflag:$0xD] =	stream.indirect.gather [hbm4b:s0+s30], $0x80, s24, s30, $0xb8;
	[tilespmem:$0x1E800] =	vst v63  }
0x10d: {  	_ =	swait.ge [sflag:s23], $0x2800  }
0x10e: {  	[sflag:s23] =	ssyncset.done $0x0  }
0x10f: {  	s11 =	simm.s32 $0xE;
	s22 =	simm.s32 $0x500;
	[sflag:s23] =	ssyncadd.s32 $0xFFFFD800  }
0x110: {  	[spmem:s2] =	stream.indirect.scatter.add.f32 [tilespmem:s17], [sflag:$0x10], $0x80, s22, s30, $0xb8;
	[tilespmem:$0x1E800] =	vst v63  }
0x111: {  	_ =	swait.ge [sflag:s11], $0x2800  }
0x112: {  	[sflag:s11] =	ssyncset.done $0x0  }
0x113: {  	s6 =	sshrl.u32 s28, $0x3;
	[sflag:s11] =	ssyncadd.s32 $0xFFFFD800;
	s11 =	rddreg [dreg:$0x13]  }
0x114: {  	s10 =	rddreg [dreg:$0xa];
	s6 =	sadd.s32 s11, s6  }
0x115: {  	[tilespmem:s3], [sflag:$0x2] =	stream.linear.gather [hbm4b:s6+s3], $0x50, $0x38;
	[tilespmem:$0x1E800] =	vst v63  }
0x116: {  	s11 =	sadd.s32 s26, s10  }
0x117: {  	[tilespmem:s15], [sflag:$0x2] =	stream.linear.gather [hbm4b:s11+s3], $0x50, $0x38;
	[tilespmem:$0x1E800] =	vst v63  }
0x118: {  	s15 =	simm.s32 $0x6  }
0x119: {  	_ =	swait.ge [sflag:s15], $0x50  }
0x11a: {  	[sflag:s15] =	ssyncset.done $0x0  }
0x11b: {  	[sflag:s15] =	ssyncadd.s32 $0xFFFFFFB0  }
0x11c: {  	_ =	swait.ge [sflag:s15], $0x50  }
0x11d: {  	[sflag:s15] =	ssyncset.done $0x0  }
0x11e: {  	[sflag:s15] =	ssyncadd.s32 $0xFFFFFFB0  }
0x11f: {  	[tilespmem:s13], [sflag:$0xA] =	stream.indirect.gather [hbm4b:s0+s30], $0x80, s31, s30, $0xb8;
	[tilespmem:$0x1E800] =	vst v63  }
0x120: {  	s31 =	simm.s32 $0xD  }
0x121: {  	_ =	swait.ge [sflag:s31], $0x2800  }
0x122: {  	[sflag:s31] =	ssyncset.done $0x0  }
0x123: {  	s6 =	simm.s32 $0xF;
	s11 =	simm.s32 $0x580;
	[sflag:s31] =	ssyncadd.s32 $0xFFFFD800  }
0x124: {  	[spmem:s2] =	stream.indirect.scatter.add.f32 [tilespmem:s21], [sflag:$0x11], $0x80, s11, s30, $0xb8;
	[tilespmem:$0x1E800] =	vst v63  }
0x125: {  	_ =	swait.ge [sflag:s6], $0x2800  }
0x126: {  	s10 =	rddreg [dreg:$0x9];
	[sflag:s6] =	ssyncset.done $0x0  }
0x127: {  	s31 =	rddreg [dreg:$0x8];
	[sflag:s6] =	ssyncadd.s32 $0xFFFFD800;
	s6 =	sadd.s32 s26, s10  }
0x128: {  	[tilespmem:s16], [sflag:$0x3] =	stream.linear.gather [hbm4b:s6+s3], $0x50, $0x38;
	[tilespmem:$0x1E800] =	vst v63  }
0x129: {  	s31 =	sadd.s32 s26, s31;
	s10 =	simm.s32 $0x7  }
0x12a: {  	[tilespmem:s19], [sflag:$0x3] =	stream.linear.gather [hbm4b:s31+s3], $0x50, $0x38;
	[tilespmem:$0x1E800] =	vst v63  }
0x12b: {  	_ =	swait.ge [sflag:s10], $0x50  }
0x12c: {  	[sflag:s10] =	ssyncset.done $0x0  }
0x12d: {  	[sflag:s10] =	ssyncadd.s32 $0xFFFFFFB0  }
0x12e: {  	_ =	swait.ge [sflag:s10], $0x50  }
0x12f: {  	[sflag:s10] =	ssyncset.done $0x0  }
0x130: {  	[sflag:s10] =	ssyncadd.s32 $0xFFFFFFB0  }
0x131: {  	[tilespmem:s9], [sflag:$0xB] =	stream.indirect.gather [hbm4b:s0+s30], $0x80, s29, s30, $0xb8;
	[tilespmem:$0x1E800] =	vst v63  }
0x132: {  	_ =	swait.ge [sflag:s12], $0x2800  }
0x133: {  	[sflag:s12] =	ssyncset.done $0x0  }
0x134: {  	[sflag:s12] =	ssyncadd.s32 $0xFFFFD800;
	s12 =	simm.s32 $0x10  }
0x135: {  	[spmem:s2] =	stream.indirect.scatter.add.f32 [tilespmem:s13], [sflag:$0xE], $0x80, s8, s30, $0xb8;
	[tilespmem:$0x1E800] =	vst v63  }
0x136: {  	_ =	swait.ge [sflag:s12], $0x2800  }
0x137: {  	s13 =	rddreg [dreg:$0x7];
	[sflag:s12] =	ssyncset.done $0x0  }
0x138: {  	s15 =	rddreg [dreg:$0x6];
	[sflag:s12] =	ssyncadd.s32 $0xFFFFD800;
	s6 =	sadd.s32 s26, s13  }
0x139: {  	[tilespmem:s20], [sflag:$0x4] =	stream.linear.gather [hbm4b:s6+s3], $0x50, $0x38;
	[tilespmem:$0x1E800] =	vst v63  }
0x13a: {  	s19 =	simm.s32 $0x8;
	s16 =	sadd.s32 s26, s15  }
0x13b: {  	[tilespmem:s22], [sflag:$0x4] =	stream.linear.gather [hbm4b:s16+s3], $0x50, $0x38;
	[tilespmem:$0x1E800] =	vst v63  }
0x13c: {  	_ =	swait.ge [sflag:s19], $0x50  }
0x13d: {  	[sflag:s19] =	ssyncset.done $0x0  }
0x13e: {  	[sflag:s19] =	ssyncadd.s32 $0xFFFFFFB0  }
0x13f: {  	_ =	swait.ge [sflag:s19], $0x50  }
0x140: {  	[sflag:s19] =	ssyncset.done $0x0  }
0x141: {  	[sflag:s19] =	ssyncadd.s32 $0xFFFFFFB0  }
0x142: {  	[tilespmem:s17], [sflag:$0xC] =	stream.indirect.gather [hbm4b:s0+s30], $0x80, s14, s30, $0xb8;
	[tilespmem:$0x1E800] =	vst v63  }
0x143: {  	_ =	swait.ge [sflag:s18], $0x2800  }
0x144: {  	[sflag:s18] =	ssyncset.done $0x0  }
0x145: {  	s20 =	simm.s32 $0x11;
	[sflag:s18] =	ssyncadd.s32 $0xFFFFD800  }
0x146: {  	[spmem:s2] =	stream.indirect.scatter.add.f32 [tilespmem:s9], [sflag:$0xF], $0x80, s7, s30, $0xb8;
	[tilespmem:$0x1E800] =	vst v63  }
0x147: {  	_ =	swait.ge [sflag:s20], $0x2800  }
0x148: {  	s22 =	rddreg [dreg:$0x5];
	[sflag:s20] =	ssyncset.done $0x0  }
0x149: {  	s29 =	rddreg [dreg:$0x4];
	[sflag:s20] =	ssyncadd.s32 $0xFFFFD800;
	s6 =	sadd.s32 s26, s22  }
0x14a: {  	[tilespmem:s24], [sflag:$0x5] =	stream.linear.gather [hbm4b:s6+s3], $0x50, $0x38;
	[tilespmem:$0x1E800] =	vst v63  }
0x14b: {  	s31 =	sadd.s32 s26, s29  }
0x14c: {  	[tilespmem:s11], [sflag:$0x5] =	stream.linear.gather [hbm4b:s31+s3], $0x50, $0x38;
	[tilespmem:$0x1E800] =	vst v63  }
0x14d: {  	_ =	swait.ge [sflag:s25], $0x50  }
0x14e: {  	[sflag:s25] =	ssyncset.done $0x0  }
0x14f: {  	s5 =	smov.u32 s1;
	s1 =	sadd.s32 $0x50, s1;
	[sflag:s25] =	ssyncadd.s32 $0xFFFFFFB0  }
0x150: {  	p1 =	sne.s32 s1, $0x4B0;
	_ =	swait.ge [sflag:s25], $0x50  }
.Ltmp0:
0x151: {  	[sflag:s25] =	ssyncset.done $0x0;
	(pc) =	sbr.rel @p1 .LBB2_2-.Ltmp0, $4  }
0x152: {  	[sflag:s25] =	ssyncadd.s32 $0xFFFFFFB0  }
0x153: {  	[tilespmem:s21], [sflag:$0xD] =	stream.indirect.gather [hbm4b:s0+s30], $0x80, s4, s30, $0xb8;
	[tilespmem:$0x1E800] =	vst v63  }
0x154: {  	s26 =	smov.u32 s5;
	_ =	swait.ge [sflag:s23], $0x2800  }
0x155: {  	s28 =	sadd.s32 $0x280, s28;
	p2 =	seq.s32 s26, $0x0;
	[sflag:s23] =	ssyncset.done $0x0  }
0x156: {  	s1 =	simm.s32 @!p2 $0xE;
	s23 =	simm.s32 $0xC  }
0x157: {  	s4 =	simm.s32 $0x700;
	s17 =	simm.s32 $0x5800;
	[sflag:s23] =	ssyncadd.s32 $0xFFFFD800  }
0x158: {  	[spmem:s2] =	stream.indirect.scatter.add.f32 [tilespmem:s17], [sflag:$0x10], $0x80, s4, s30, $0xb8;
	[tilespmem:$0x1E800] =	vst v63  }
0x159: {  	_ =	swait.ge @!p2 [sflag:s1], $0x2800  }
0x15a: {  	s9 =	simm.s32 $0x200;
	s5 =	rddreg [dreg:$0x12];
	[sflag:s1] =	ssyncset.done @!p2 $0x0  }
0x15b: {  	s6 =	rddreg [dreg:$0x11];
	[sflag:s1] =	ssyncadd.s32 @!p2 $0xFFFFD800;
	s8 =	sadd.s32 s26, s5  }
0x15c: {  	[tilespmem:s9], [sflag:$0x6] =	stream.linear.gather [hbm4b:s8+s3], $0x50, $0x38;
	[tilespmem:$0x1E800] =	vst v63  }
0x15d: {  	s11 =	simm.s32 $0x600;
	s29 =	simm.s32 $0x2;
	s10 =	sadd.s32 s26, s6  }
0x15e: {  	[tilespmem:s11], [sflag:$0x6] =	stream.linear.gather [hbm4b:s10+s3], $0x50, $0x38;
	[tilespmem:$0x1E800] =	vst v63  }
0x15f: {  	_ =	swait.ge [sflag:s29], $0x50  }
0x160: {  	[sflag:s29] =	ssyncset.done $0x0  }
0x161: {  	[sflag:s29] =	ssyncadd.s32 $0xFFFFFFB0  }
0x162: {  	_ =	swait.ge [sflag:s29], $0x50  }
0x163: {  	[sflag:s29] =	ssyncset.done $0x0  }
0x164: {  	s16 =	simm.s32 $0x800;
	s1 =	simm.s32 @!p2 $0xD;
	[sflag:s29] =	ssyncadd.s32 $0xFFFFFFB0  }
0x165: {  	[tilespmem:s16], [sflag:$0xA] =	stream.indirect.gather [hbm4b:s0+s30], $0x80, s3, s30, $0xb8;
	[tilespmem:$0x1E800] =	vst v63  }
0x166: {  	_ =	swait.ge @!p2 [sflag:s1], $0x2800  }
0x167: {  	s5 =	simm.s32 @!p2 $0x8000;
	[sflag:s1] =	ssyncset.done @!p2 $0x0  }
0x168: {  	s6 =	simm.s32 @!p2 $0x780;
	[sflag:s1] =	ssyncadd.s32 @!p2 $0xFFFFD800;
	s1 =	simm.s32 @!p2 $0x50  }
0x169: {  	[spmem:s2] =	stream.indirect.scatter.add.f32 @!p2 [tilespmem:s5], [sflag:$0x11], $0x80, s6, s1, $0xb8;
	[tilespmem:$0x1E800] =	vst v63  }
0x16a: {  	s1 =	simm.s32 @!p2 $0xF  }
0x16b: {  	_ =	swait.ge @!p2 [sflag:s1], $0x2800  }
0x16c: {  	s15 =	simm.s32 $0x280;
	s12 =	rddreg [dreg:$0x10];
	[sflag:s1] =	ssyncset.done @!p2 $0x0  }
0x16d: {  	s13 =	rddreg [dreg:$0xf];
	[sflag:s1] =	ssyncadd.s32 @!p2 $0xFFFFD800;
	s14 =	sadd.s32 s26, s12  }
0x16e: {  	[tilespmem:s15], [sflag:$0x7] =	stream.linear.gather [hbm4b:s14+s3], $0x50, $0x38;
	[tilespmem:$0x1E800] =	vst v63  }
0x16f: {  	s19 =	simm.s32 $0x680;
	s31 =	simm.s32 $0x3;
	s18 =	sadd.s32 s26, s13  }
0x170: {  	[tilespmem:s19], [sflag:$0x7] =	stream.linear.gather [hbm4b:s18+s3], $0x50, $0x38;
	[tilespmem:$0x1E800] =	vst v63  }
0x171: {  	_ =	swait.ge [sflag:s31], $0x50  }
0x172: {  	[sflag:s31] =	ssyncset.done $0x0  }
0x173: {  	[sflag:s31] =	ssyncadd.s32 $0xFFFFFFB0  }
0x174: {  	_ =	swait.ge [sflag:s31], $0x50  }
0x175: {  	s20 =	simm.s32 $0x80;
	[sflag:s31] =	ssyncset.done $0x0  }
0x176: {  	s9 =	simm.s32 $0xA;
	s13 =	simm.s32 $0x3000;
	[sflag:s31] =	ssyncadd.s32 $0xFFFFFFB0  }
0x177: {  	[tilespmem:s13], [sflag:$0xB] =	stream.indirect.gather [hbm4b:s0+s30], $0x80, s20, s30, $0xb8;
	[tilespmem:$0x1E800] =	vst v63  }
0x178: {  	_ =	swait.ge [sflag:s9], $0x2800  }
0x179: {  	[sflag:s9] =	ssyncset.done $0x0  }
0x17a: {  	s21 =	simm.s32 $0x400;
	s1 =	simm.s32 @!p2 $0x10;
	[sflag:s9] =	ssyncadd.s32 $0xFFFFD800  }
0x17b: {  	[spmem:s2] =	stream.indirect.scatter.add.f32 [tilespmem:s16], [sflag:$0xE], $0x80, s21, s30, $0xb8;
	[tilespmem:$0x1E800] =	vst v63  }
0x17c: {  	_ =	swait.ge @!p2 [sflag:s1], $0x2800  }
0x17d: {  	s14 =	simm.s32 $0x300;
	s22 =	rddreg [dreg:$0xe];
	[sflag:s1] =	ssyncset.done @!p2 $0x0  }
0x17e: {  	s24 =	rddreg [dreg:$0xd];
	[sflag:s1] =	ssyncadd.s32 @!p2 $0xFFFFD800;
	s4 =	sadd.s32 s26, s22  }
0x17f: {  	[tilespmem:s14], [sflag:$0x8] =	stream.linear.gather [hbm4b:s4+s3], $0x50, $0x38;
	[tilespmem:$0x1E800] =	vst v63  }
0x180: {  	s7 =	simm.s32 $0x700;
	s12 =	simm.s32 $0x4;
	s5 =	sadd.s32 s26, s24  }
0x181: {  	[tilespmem:s7], [sflag:$0x8] =	stream.linear.gather [hbm4b:s5+s3], $0x50, $0x38;
	[tilespmem:$0x1E800] =	vst v63  }
0x182: {  	_ =	swait.ge [sflag:s12], $0x50  }
0x183: {  	[sflag:s12] =	ssyncset.done $0x0  }
0x184: {  	[sflag:s12] =	ssyncadd.s32 $0xFFFFFFB0  }
0x185: {  	_ =	swait.ge [sflag:s12], $0x50  }
0x186: {  	[sflag:s12] =	ssyncset.done $0x0  }
0x187: {  	s6 =	simm.s32 $0x100;
	s18 =	simm.s32 $0xB;
	[sflag:s12] =	ssyncadd.s32 $0xFFFFFFB0  }
0x188: {  	[tilespmem:s17], [sflag:$0xC] =	stream.indirect.gather [hbm4b:s0+s30], $0x80, s6, s30, $0xb8;
	[tilespmem:$0x1E800] =	vst v63  }
0x189: {  	_ =	swait.ge [sflag:s18], $0x2800  }
0x18a: {  	[sflag:s18] =	ssyncset.done $0x0  }
0x18b: {  	s1 =	simm.s32 @!p2 $0x11;
	s7 =	simm.s32 $0x480;
	[sflag:s18] =	ssyncadd.s32 $0xFFFFD800  }
0x18c: {  	[spmem:s2] =	stream.indirect.scatter.add.f32 [tilespmem:s13], [sflag:$0xF], $0x80, s7, s30, $0xb8;
	[tilespmem:$0x1E800] =	vst v63  }
0x18d: {  	_ =	swait.ge @!p2 [sflag:s1], $0x2800  }
0x18e: {  	s21 =	simm.s32 $0x380;
	s11 =	rddreg [dreg:$0xc];
	[sflag:s1] =	ssyncset.done @!p2 $0x0  }
0x18f: {  	s20 =	rddreg [dreg:$0xb];
	[sflag:s1] =	ssyncadd.s32 @!p2 $0xFFFFD800;
	s22 =	sadd.s32 s26, s11  }
0x190: {  	[tilespmem:s21], [sflag:$0x9] =	stream.linear.gather [hbm4b:s22+s3], $0x50, $0x38;
	[tilespmem:$0x1E800] =	vst v63  }
0x191: {  	s5 =	simm.s32 $0x780;
	s4 =	sadd.s32 s26, s20  }
0x192: {  	[tilespmem:s5], [sflag:$0x9] =	stream.linear.gather [hbm4b:s4+s3], $0x50, $0x38;
	[tilespmem:$0x1E800] =	vst v63  }
0x193: {  	s4 =	simm.s32 $0x5  }
0x194: {  	_ =	swait.ge [sflag:s4], $0x50  }
0x195: {  	[sflag:s4] =	ssyncset.done $0x0  }
0x196: {  	[sflag:s4] =	ssyncadd.s32 $0xFFFFFFB0  }
0x197: {  	_ =	swait.ge [sflag:s4], $0x50  }
0x198: {  	[sflag:s4] =	ssyncset.done $0x0  }
0x199: {  	s20 =	simm.s32 $0x180;
	s11 =	simm.s32 $0x8000;
	[sflag:s4] =	ssyncadd.s32 $0xFFFFFFB0  }
0x19a: {  	[tilespmem:s11], [sflag:$0xD] =	stream.indirect.gather [hbm4b:s0+s30], $0x80, s20, s30, $0xb8;
	[tilespmem:$0x1E800] =	vst v63  }
0x19b: {  	_ =	swait.ge [sflag:s23], $0x2800  }
0x19c: {  	[sflag:s23] =	ssyncset.done $0x0  }
0x19d: {  	s7 =	simm.s32 $0xE;
	s22 =	simm.s32 $0x500;
	[sflag:s23] =	ssyncadd.s32 $0xFFFFD800  }
0x19e: {  	[spmem:s2] =	stream.indirect.scatter.add.f32 [tilespmem:s17], [sflag:$0x10], $0x80, s22, s30, $0xb8;
	[tilespmem:$0x1E800] =	vst v63  }
0x19f: {  	_ =	swait.ge [sflag:s7], $0x2800  }
0x1a0: {  	s6 =	sshrl.u32 s28, $0x3;
	[sflag:s7] =	ssyncset.done $0x0;
	s28 =	rddreg [dreg:$0x13]  }
0x1a1: {  	s5 =	rddreg [dreg:$0xa];
	[sflag:s7] =	ssyncadd.s32 $0xFFFFD800;
	s1 =	sadd.s32 s28, s6  }
0x1a2: {  	[tilespmem:s3], [sflag:$0x2] =	stream.linear.gather [hbm4b:s1+s3], $0x50, $0x38;
	[tilespmem:$0x1E800] =	vst v63  }
0x1a3: {  	s19 =	simm.s32 $0x400;
	s28 =	sadd.s32 s26, s5  }
0x1a4: {  	[tilespmem:s19], [sflag:$0x2] =	stream.linear.gather [hbm4b:s28+s3], $0x50, $0x38;
	[tilespmem:$0x1E800] =	vst v63  }
0x1a5: {  	s28 =	simm.s32 $0x6  }
0x1a6: {  	_ =	swait.ge [sflag:s28], $0x50  }
0x1a7: {  	[sflag:s28] =	ssyncset.done $0x0  }
0x1a8: {  	[sflag:s28] =	ssyncadd.s32 $0xFFFFFFB0  }
0x1a9: {  	_ =	swait.ge [sflag:s28], $0x50  }
0x1aa: {  	[sflag:s28] =	ssyncset.done $0x0  }
0x1ab: {  	s8 =	simm.s32 $0x200;
	s6 =	simm.s32 $0xD;
	[sflag:s28] =	ssyncadd.s32 $0xFFFFFFB0  }
0x1ac: {  	[tilespmem:s16], [sflag:$0xA] =	stream.indirect.gather [hbm4b:s0+s30], $0x80, s8, s30, $0xb8;
	[tilespmem:$0x1E800] =	vst v63  }
0x1ad: {  	_ =	swait.ge [sflag:s6], $0x2800  }
0x1ae: {  	[sflag:s6] =	ssyncset.done $0x0  }
0x1af: {  	s19 =	simm.s32 $0x580;
	s8 =	simm.s32 $0xF;
	[sflag:s6] =	ssyncadd.s32 $0xFFFFD800  }
0x1b0: {  	[spmem:s2] =	stream.indirect.scatter.add.f32 [tilespmem:s11], [sflag:$0x11], $0x80, s19, s30, $0xb8;
	[tilespmem:$0x1E800] =	vst v63  }
0x1b1: {  	_ =	swait.ge [sflag:s8], $0x2800  }
0x1b2: {  	s10 =	simm.s32 $0x80;
	s1 =	rddreg [dreg:$0x9];
	[sflag:s8] =	ssyncset.done $0x0  }
0x1b3: {  	s5 =	rddreg [dreg:$0x8];
	[sflag:s8] =	ssyncadd.s32 $0xFFFFD800;
	s1 =	sadd.s32 s26, s1  }
0x1b4: {  	[tilespmem:s10], [sflag:$0x3] =	stream.linear.gather [hbm4b:s1+s3], $0x50, $0x38;
	[tilespmem:$0x1E800] =	vst v63  }
0x1b5: {  	s24 =	simm.s32 $0x480;
	s5 =	sadd.s32 s26, s5;
	s10 =	simm.s32 $0x7  }
0x1b6: {  	[tilespmem:s24], [sflag:$0x3] =	stream.linear.gather [hbm4b:s5+s3], $0x50, $0x38;
	[tilespmem:$0x1E800] =	vst v63  }
0x1b7: {  	_ =	swait.ge [sflag:s10], $0x50  }
0x1b8: {  	[sflag:s10] =	ssyncset.done $0x0  }
0x1b9: {  	[sflag:s10] =	ssyncadd.s32 $0xFFFFFFB0  }
0x1ba: {  	_ =	swait.ge [sflag:s10], $0x50  }
0x1bb: {  	[sflag:s10] =	ssyncset.done $0x0  }
0x1bc: {  	[sflag:s10] =	ssyncadd.s32 $0xFFFFFFB0  }
0x1bd: {  	[tilespmem:s13], [sflag:$0xB] =	stream.indirect.gather [hbm4b:s0+s30], $0x80, s15, s30, $0xb8;
	[tilespmem:$0x1E800] =	vst v63  }
0x1be: {  	_ =	swait.ge [sflag:s9], $0x2800  }
0x1bf: {  	[sflag:s9] =	ssyncset.done $0x0  }
0x1c0: {  	s10 =	simm.s32 $0x600;
	s15 =	simm.s32 $0x10;
	[sflag:s9] =	ssyncadd.s32 $0xFFFFD800  }
0x1c1: {  	[spmem:s2] =	stream.indirect.scatter.add.f32 [tilespmem:s16], [sflag:$0xE], $0x80, s10, s30, $0xb8;
	[tilespmem:$0x1E800] =	vst v63  }
0x1c2: {  	_ =	swait.ge [sflag:s15], $0x2800  }
0x1c3: {  	s24 =	rddreg [dreg:$0x7]  }
0x1c4: {  	[sflag:s15] =	ssyncset.done $0x0;
	s5 =	rddreg [dreg:$0x6]  }
0x1c5: {  	[sflag:s15] =	ssyncadd.s32 $0xFFFFD800;
	s1 =	sadd.s32 s26, s24;
	s24 =	simm.s32 $0x100  }
0x1c6: {  	[tilespmem:s24], [sflag:$0x4] =	stream.linear.gather [hbm4b:s1+s3], $0x50, $0x38;
	[tilespmem:$0x1E800] =	vst v63  }
0x1c7: {  	s24 =	sadd.s32 s26, s5;
	s5 =	simm.s32 $0x8  }
0x1c8: {  	[tilespmem:s22], [sflag:$0x4] =	stream.linear.gather [hbm4b:s24+s3], $0x50, $0x38;
	[tilespmem:$0x1E800] =	vst v63  }
0x1c9: {  	_ =	swait.ge [sflag:s5], $0x50  }
0x1ca: {  	[sflag:s5] =	ssyncset.done $0x0  }
0x1cb: {  	[sflag:s5] =	ssyncadd.s32 $0xFFFFFFB0  }
0x1cc: {  	_ =	swait.ge [sflag:s5], $0x50  }
0x1cd: {  	[sflag:s5] =	ssyncset.done $0x0  }
0x1ce: {  	[sflag:s5] =	ssyncadd.s32 $0xFFFFFFB0  }
0x1cf: {  	[tilespmem:s17], [sflag:$0xC] =	stream.indirect.gather [hbm4b:s0+s30], $0x80, s14, s30, $0xb8;
	[tilespmem:$0x1E800] =	vst v63  }
0x1d0: {  	_ =	swait.ge [sflag:s18], $0x2800  }
0x1d1: {  	[sflag:s18] =	ssyncset.done $0x0  }
0x1d2: {  	s24 =	simm.s32 $0x680;
	s14 =	simm.s32 $0x11;
	[sflag:s18] =	ssyncadd.s32 $0xFFFFD800  }
0x1d3: {  	[spmem:s2] =	stream.indirect.scatter.add.f32 [tilespmem:s13], [sflag:$0xF], $0x80, s24, s30, $0xb8;
	[tilespmem:$0x1E800] =	vst v63  }
0x1d4: {  	_ =	swait.ge [sflag:s14], $0x2800  }
0x1d5: {  	s5 =	rddreg [dreg:$0x5];
	[sflag:s14] =	ssyncset.done $0x0  }
0x1d6: {  	s24 =	rddreg [dreg:$0x4];
	[sflag:s14] =	ssyncadd.s32 $0xFFFFD800;
	s1 =	sadd.s32 s26, s5  }
0x1d7: {  	[tilespmem:s20], [sflag:$0x5] =	stream.linear.gather [hbm4b:s1+s3], $0x50, $0x38;
	[tilespmem:$0x1E800] =	vst v63  }
0x1d8: {  	s5 =	sadd.s32 s26, s24  }
0x1d9: {  	[tilespmem:s19], [sflag:$0x5] =	stream.linear.gather [hbm4b:s5+s3], $0x50, $0x38;
	[tilespmem:$0x1E800] =	vst v63  }
0x1da: {  	_ =	swait.ge [sflag:s25], $0x50  }
0x1db: {  	[sflag:s25] =	ssyncset.done $0x0  }
0x1dc: {  	[sflag:s25] =	ssyncadd.s32 $0xFFFFFFB0  }
0x1dd: {  	_ =	swait.ge [sflag:s25], $0x50  }
0x1de: {  	[sflag:s25] =	ssyncset.done $0x0  }
0x1df: {  	[sflag:s25] =	ssyncadd.s32 $0xFFFFFFB0  }
0x1e0: {  	[tilespmem:s11], [sflag:$0xD] =	stream.indirect.gather [hbm4b:s0+s30], $0x80, s21, s30, $0xb8;
	[tilespmem:$0x1E800] =	vst v63  }
0x1e1: {  	_ =	swait.ge [sflag:s23], $0x2800  }
0x1e2: {  	[sflag:s23] =	ssyncset.done $0x0  }
0x1e3: {  	s21 =	simm.s32 $0x700;
	[sflag:s23] =	ssyncadd.s32 $0xFFFFD800  }
0x1e4: {  	[spmem:s2] =	stream.indirect.scatter.add.f32 [tilespmem:s17], [sflag:$0x10], $0x80, s21, s30, $0xb8;
	[tilespmem:$0x1E800] =	vst v63  }
0x1e5: {  	_ =	swait.ge [sflag:s7], $0x2800  }
0x1e6: {  	[sflag:s7] =	ssyncset.done $0x0  }
0x1e7: {  	s5 =	simm.s32 $0x200;
	s26 =	rddreg [dreg:$0x1d];
	[sflag:s7] =	ssyncadd.s32 $0xFFFFD800  }
0x1e8: {  	[tilespmem:s5], [sflag:$0x6] =	stream.linear.gather [hbm4b:s26+s3], $0x50, $0x38;
	[tilespmem:$0x1E800] =	vst v63  }
0x1e9: {  	s21 =	rddreg [dreg:$0x1e]  }
0x1ea: {  	[tilespmem:s10], [sflag:$0x6] =	stream.linear.gather [hbm4b:s21+s3], $0x50, $0x38;
	[tilespmem:$0x1E800] =	vst v63  }
0x1eb: {  	_ =	swait.ge [sflag:s29], $0x50  }
0x1ec: {  	[sflag:s29] =	ssyncset.done $0x0  }
0x1ed: {  	[sflag:s29] =	ssyncadd.s32 $0xFFFFFFB0  }
0x1ee: {  	_ =	swait.ge [sflag:s29], $0x50  }
0x1ef: {  	[sflag:s29] =	ssyncset.done $0x0  }
0x1f0: {  	[sflag:s29] =	ssyncadd.s32 $0xFFFFFFB0  }
0x1f1: {  	[tilespmem:s16], [sflag:$0xA] =	stream.indirect.gather [hbm4b:s0+s30], $0x80, s3, s30, $0xb8;
	[tilespmem:$0x1E800] =	vst v63  }
0x1f2: {  	_ =	swait.ge [sflag:s6], $0x2800  }
0x1f3: {  	[sflag:s6] =	ssyncset.done $0x0  }
0x1f4: {  	s26 =	simm.s32 $0x780;
	[sflag:s6] =	ssyncadd.s32 $0xFFFFD800  }
0x1f5: {  	[spmem:s2] =	stream.indirect.scatter.add.f32 [tilespmem:s11], [sflag:$0x11], $0x80, s26, s30, $0xb8;
	[tilespmem:$0x1E800] =	vst v63  }
0x1f6: {  	_ =	swait.ge [sflag:s8], $0x2800  }
0x1f7: {  	[sflag:s8] =	ssyncset.done $0x0  }
0x1f8: {  	[sflag:s8] =	ssyncadd.s32 $0xFFFFD800  }
0x1f9: {  	_ =	swait.ge [sflag:s31], $0x50  }
0x1fa: {  	[sflag:s31] =	ssyncset.done $0x0  }
0x1fb: {  	[sflag:s31] =	ssyncadd.s32 $0xFFFFFFB0  }
0x1fc: {  	_ =	swait.ge [sflag:s31], $0x50  }
0x1fd: {  	[sflag:s31] =	ssyncset.done $0x0  }
0x1fe: {  	s29 =	simm.s32 $0x80;
	[sflag:s31] =	ssyncadd.s32 $0xFFFFFFB0  }
0x1ff: {  	[tilespmem:s13], [sflag:$0xB] =	stream.indirect.gather [hbm4b:s0+s30], $0x80, s29, s30, $0xb8;
	[tilespmem:$0x1E800] =	vst v63  }
0x200: {  	_ =	swait.ge [sflag:s9], $0x2800  }
0x201: {  	[sflag:s9] =	ssyncset.done $0x0  }
0x202: {  	s31 =	simm.s32 $0x400;
	[sflag:s9] =	ssyncadd.s32 $0xFFFFD800  }
0x203: {  	[spmem:s2] =	stream.indirect.scatter.add.f32 [tilespmem:s16], [sflag:$0xE], $0x80, s31, s30, $0xb8;
	[tilespmem:$0x1E800] =	vst v63  }
0x204: {  	_ =	swait.ge [sflag:s15], $0x2800  }
0x205: {  	[sflag:s15] =	ssyncset.done $0x0  }
0x206: {  	[sflag:s15] =	ssyncadd.s32 $0xFFFFD800  }
0x207: {  	_ =	swait.ge [sflag:s12], $0x50  }
0x208: {  	[sflag:s12] =	ssyncset.done $0x0  }
0x209: {  	[sflag:s12] =	ssyncadd.s32 $0xFFFFFFB0  }
0x20a: {  	_ =	swait.ge [sflag:s12], $0x50  }
0x20b: {  	[sflag:s12] =	ssyncset.done $0x0  }
0x20c: {  	s21 =	simm.s32 $0x100;
	[sflag:s12] =	ssyncadd.s32 $0xFFFFFFB0  }
0x20d: {  	[tilespmem:s17], [sflag:$0xC] =	stream.indirect.gather [hbm4b:s0+s30], $0x80, s21, s30, $0xb8;
	[tilespmem:$0x1E800] =	vst v63  }
0x20e: {  	_ =	swait.ge [sflag:s18], $0x2800  }
0x20f: {  	[sflag:s18] =	ssyncset.done $0x0  }
0x210: {  	s26 =	simm.s32 $0x480;
	[sflag:s18] =	ssyncadd.s32 $0xFFFFD800  }
0x211: {  	[spmem:s2] =	stream.indirect.scatter.add.f32 [tilespmem:s13], [sflag:$0xF], $0x80, s26, s30, $0xb8;
	[tilespmem:$0x1E800] =	vst v63  }
0x212: {  	_ =	swait.ge [sflag:s14], $0x2800  }
0x213: {  	[sflag:s14] =	ssyncset.done $0x0  }
0x214: {  	[sflag:s14] =	ssyncadd.s32 $0xFFFFD800  }
0x215: {  	_ =	swait.ge [sflag:s4], $0x50  }
0x216: {  	[sflag:s4] =	ssyncset.done $0x0  }
0x217: {  	[sflag:s4] =	ssyncadd.s32 $0xFFFFFFB0  }
0x218: {  	_ =	swait.ge [sflag:s4], $0x50  }
0x219: {  	[sflag:s4] =	ssyncset.done $0x0  }
0x21a: {  	[sflag:s4] =	ssyncadd.s32 $0xFFFFFFB0  }
0x21b: {  	[tilespmem:s11], [sflag:$0xD] =	stream.indirect.gather [hbm4b:s0+s30], $0x80, s20, s30, $0xb8;
	[tilespmem:$0x1E800] =	vst v63  }
0x21c: {  	_ =	swait.ge [sflag:s23], $0x2800  }
0x21d: {  	[sflag:s23] =	ssyncset.done $0x0  }
0x21e: {  	[sflag:s23] =	ssyncadd.s32 $0xFFFFD800  }
0x21f: {  	[spmem:s2] =	stream.indirect.scatter.add.f32 [tilespmem:s17], [sflag:$0x10], $0x80, s22, s30, $0xb8;
	[tilespmem:$0x1E800] =	vst v63  }
0x220: {  	_ =	swait.ge [sflag:s7], $0x2800  }
0x221: {  	[sflag:s7] =	ssyncset.done $0x0  }
0x222: {  	[sflag:s7] =	ssyncadd.s32 $0xFFFFD800  }
0x223: {  	_ =	swait.ge [sflag:s28], $0x50  }
0x224: {  	[sflag:s28] =	ssyncset.done $0x0  }
0x225: {  	[sflag:s28] =	ssyncadd.s32 $0xFFFFFFB0  }
0x226: {  	_ =	swait.ge [sflag:s28], $0x50  }
0x227: {  	[sflag:s28] =	ssyncset.done $0x0  }
0x228: {  	[sflag:s28] =	ssyncadd.s32 $0xFFFFFFB0  }
0x229: {  	[tilespmem:s16], [sflag:$0xA] =	stream.indirect.gather [hbm4b:s0+s30], $0x80, s5, s30, $0xb8;
	[tilespmem:$0x1E800] =	vst v63  }
0x22a: {  	_ =	swait.ge [sflag:s6], $0x2800  }
0x22b: {  	[sflag:s6] =	ssyncset.done $0x0  }
0x22c: {  	[sflag:s6] =	ssyncadd.s32 $0xFFFFD800  }
0x22d: {  	[spmem:s2] =	stream.indirect.scatter.add.f32 [tilespmem:s11], [sflag:$0x11], $0x80, s19, s30, $0xb8;
	[tilespmem:$0x1E800] =	vst v63  }
0x22e: {  	_ =	swait.ge [sflag:s9], $0x2800  }
0x22f: {  	[sflag:s9] =	ssyncset.done $0x0  }
0x230: {  	s1 =	simm.s32 $0x600;
	[sflag:s9] =	ssyncadd.s32 $0xFFFFD800  }
0x231: {  	[spmem:s2] =	stream.indirect.scatter.add.f32 [tilespmem:s16], [sflag:$0xE], $0x80, s1, s30, $0xb8;
	[tilespmem:$0x1E800] =	vst v63  }
0x232: {  	_ =	swait.ge [sflag:s8], $0x2800  }
0x233: {  	[sflag:s8] =	ssyncset.done $0x0  }
0x234: {  	[sflag:s8] =	ssyncadd.s32 $0xFFFFD800  }
0x235: {  	_ =	swait.ge [sflag:s15], $0x2800  }
0x236: {  	[sflag:s15] =	ssyncset.done $0x0  }
0x237: {  	[sflag:s15] =	ssyncadd.s32 $0xFFFFD800  }
0x238: {  	_ =	swait.ge [sflag:s14], $0x2800  }
0x239: {  	[sflag:s14] =	ssyncset.done $0x0  }
0x23a: {  	[sflag:s14] =	ssyncadd.s32 $0xFFFFD800  }
0x23b: {  	_ =	swait.ge [sflag:s7], $0x2800  }
0x23c: {  	[sflag:s7] =	ssyncset.done $0x0  }
0x23d: {  	[sflag:s7] =	ssyncadd.s32 $0xFFFFD800  }
0x23e: {  	[bflag:$0x0] =	sbarrier.arrive $0xFFFF  }
0x23f: {  	s4 =	sld [smem:$0x7FB];
	_ =	sdelay $0x1  }
0x240: {  	s1 =	simm.s32 @!p0 $0x1C12;
	s5 =	rddreg [dreg:$0x1f]  }
0x241: {  	[hbm:s5], [sflag:s1] =	dma.local @!p0 [spmem:s4], $0x28000  }
0x242: {  	s1 =	simm.s32 @!p0 $0x12  }
0x243: {  	_ =	swait.ge @!p0 [sflag:s1], $0x28000  }
0x244: {  	s29 =	sld [smem:$0x7FA]  }
0x245: {  	s31 =	sld [smem:$0x7FC];
	_ =	sdelay $0x1  }
0x246: {  	s4 =	sadd.s32 $0x1, s29  }
0x247: {  	p1 =	sne.s32 s4, s31  }
.Ltmp1:
0x248: {  	_ = 	snop;
	(pc) =	sbr.rel @p1 .LBB2_1-.Ltmp1, $3  }
0x249: {  	_ =	sdelay $0x1  }
0x24a: {  	[sflag:s1] =	ssyncset.done @!p0 $0x0  }
0x24b: {  	s24 =	simm.s32 $0x700;
	[sflag:s1] =	ssyncadd.s32 @!p0 $0xFFFD8000  }
0x24c: {  	_ =	sfence.sel $0x180000  }
0x24d: {  	[bflag:$0x0] =	sbarrier.arrive $0xFFFF  }
0x24e: {  	_ =	strace $0x90000047  }
0x24f: {  	[bflag:$0x2] =	sbarrier.arrive $0xFFFF  }
0x250: {  	s0 =	rddreg [dreg:$0x3]  }
0x251: {  	s0 =	sadd.s32 @!p0 $0x100000, s0  }
0x252: {  	[sflag:s0] =	ssyncadd.tile.s32 @!p0 $0x1;
	_ =	shalt  }
.Lfunc_end2:
_tile_overlayer_lowered:
.L_overlay_start_2:
0x253: {  	(tag) =	ssettag $0x2  }
0x254: {  	s0 =	rddreg [dreg:$0x0];
	s2 =	stileid.u32  }
0x255: {  	s1 =	rddreg [dreg:$0x1];
	p0 =	sne.s32 s2, $0x0  }
0x256: {  	s3 =	rddreg [dreg:$0x2];
	[bflag:$0x3] =	sbarrier.arrive $0xFFFF;
	s2 =	simm.s32 @!p0 $0x1C12  }
0x257: {  	[timem:s3], [sflag:s2] =	dma.local @!p0 [hbm:s0], s1  }
0x258: {  	s0 =	simm.s32 @!p0 $0x12  }
0x259: {  	_ =	swait.ge @!p0 [sflag:s0], s1  }
0x25a: {  	s1 =	ssub.s32 @!p0 $0x0, s1;
	[sflag:s0] =	ssyncset.done @!p0 $0x0  }
0x25b: {  	[sflag:s0] =	ssyncadd.s32 @!p0 s1  }
0x25c: {  	[bflag:$0x3] =	sbarrier.arrive $0xFFFF  }
0x25d: {  	_ =	shalt  }

// kernel: kernel.9.cloned.1.call-start
scs
__scs_entry_jumppad:
0x0: {  	(pc) =	sbr.rel $0x88, $3  }
0x1: {  	(tag) =	ssettag $0x0;
	lr =	simm.s32 $0x1  }
0x2: {  	[smem:$0x3F95] =	sst lr;
	_ =	strace $0xD0000000  }
0x3: {  	_ = 	snop  }
0x4: {  	_ = 	snop  }
0x5: {  	_ = 	snop  }
0x6: {  	_ = 	snop  }
0x7: {  	_ = 	snop  }
__scs_overlays_trampoline_lowered:
0x8: {  	[smem:$0x3FA4] =	sst s0  }
0x9: {  	[smem:$0x3FA5] =	sst s1  }
0xa: {  	[smem:$0x3FA6] =	sst s2  }
0xb: {  	[smem:$0x3FA7] =	sst s3  }
0xc: {  	[smem:$0x3FA8] =	sst s4  }
0xd: {  	[smem:$0x3FA9] =	sst s5  }
0xe: {  	[smem:$0x3FAA] =	sst s6  }
0xf: {  	[smem:$0x3FAB] =	sst s7  }
0x10: {  	[smem:$0x3FAC] =	sst s8  }
0x11: {  	[smem:$0x3FAD] =	sst s9;
	s0 =	simm.s32 @!p0 $0x0  }
0x12: {  	s1 =	sld [smem:$0x3F93];
	s0 =	simm.s32 @p0 $0x1  }
0x13: {  	[smem:$0x3FAE] =	sst s0;
	s0 =	simm.s32 @!p1 $0x0  }
0x14: {  	s2 =	sld [smem:$0x3F92];
	s0 =	simm.s32 @p1 $0x1  }
0x15: {  	[smem:$0x3FAF] =	sst s0;
	s0 =	simm.s32 @!p2 $0x0  }
0x16: {  	s3 =	sld [smem:$0x3FDB];
	s0 =	simm.s32 @p2 $0x1  }
0x17: {  	s4 =	simm.s32 $0x1BF5;
	[smem:$0x3FB1] =	sst s0  }
0x18: {  	s0 =	sld [smem:$0x3F94];
	_ =	swait.ge [sflag:s4], $0x0  }
0x19: {  	s7 =	sld [smem:$0x3F95]  }
0x1a: {  	s8 =	sadd.s32 $0xFFFFE003, lr  }
0x1b: {  	s9 =	sadd.s32 $0xFFFFFEF7, lr;
	s5 =	simm.s32 $0xFFFFFFFF;
	p2 =	slt.u32 s8, $0xFFFFF086  }
0x1c: {  	p1 =	slt.u32 s9, $0xF7A;
	s5 =	simm.s32 @!p2 $0x0  }
0x1d: {  	s5 =	simm.s32 @p1 $0x1;
	p0 =	seq.s32 s7, s2  }
0x1e: {  	s7 =	smul.u32 @!p0 $0xF7A, s2;
	p2 =	seq.s32 @!p0 s5, $0x0  }
0x1f: {  	s9 =	smul.u32 $0xF7A, s1;
	s8 =	simm.s32 @!p0 $0x1BF5;
	p2 =	por !p2, p0  }
0x20: {  	[sflag:s8] =	ssyncset.s32 @!p0 $0xFFFFF086;
	s6 =	sadd.s32 @!p0 s3, s7;
	s7 =	simm.s32 @!p0 $0x108  }
0x21: {  	s3 =	sadd.s32 s3, s9;
	s6 =	sadd.s32 @!p0 $0x88, s6;
	s7 =	simm.s32 @p2 $0x1082  }
0x22: {  	[simem:s7], [sflag:s8] =	dma.local @!p0 [hbm:s6], $0xF7A  }
0x23: {  	s9 =	sor.u32 $0xD0000000, s2;
	s6 =	simm.s32 $0x108;
	_ =	swait.ge @!p0 [sflag:s8], $0x0  }
0x24: {  	s3 =	sadd.s32 $0x88, s3;
	s6 =	simm.s32 @!p1 $0x1082;
	[sflag:s4] =	ssyncset.s32 $0xFFFFF086  }
0x25: {  	[simem:s6], [sflag:s4] =	dma.local [hbm:s3], $0xF7A  }
0x26: {  	[smem:$0x3F95] =	sst s1;
	(tag) =	ssettag s2;
	_ =	strace s9  }
0x27: {  	s1 =	sld [smem:$0x3FA5]  }
0x28: {  	s2 =	sld [smem:$0x3FA6]  }
0x29: {  	s4 =	sld [smem:$0x3FA8]  }
0x2a: {  	p0 =	seq.s32 s5, $0x0;
	s5 =	sld [smem:$0x3FA9]  }
0x2b: {  	s6 =	sld [smem:$0x3FAA]  }
0x2c: {  	s7 =	sld [smem:$0x3FAB]  }
0x2d: {  	s3 =	simm.s32 $0x108;
	s8 =	sld [smem:$0x3FAC]  }
0x2e: {  	s3 =	simm.s32 @!p0 $0x1082;
	s9 =	sld [smem:$0x3FAD]  }
0x2f: {  	lr =	sadd.s32 s0, s3;
	s0 =	sld [smem:$0x3FA4]  }
0x30: {  	s3 =	sld [smem:$0x3FA7]  }
0x31: {  	[smem:$0x3FB0] =	sst s10  }
0x32: {  	s10 =	sld [smem:$0x3FAE];
	_ =	sdelay $0x3  }
0x33: {  	p0 =	seq.s32 s10, $0x1;
	s10 =	sld [smem:$0x3FB0];
	_ =	sdelay $0x3  }
0x34: {  	[smem:$0x3FB0] =	sst s10  }
0x35: {  	s10 =	sld [smem:$0x3FAF];
	_ =	sdelay $0x3  }
0x36: {  	p1 =	seq.s32 s10, $0x1;
	s10 =	sld [smem:$0x3FB0];
	_ =	sdelay $0x3  }
0x37: {  	[smem:$0x3FB0] =	sst s10  }
0x38: {  	s10 =	sld [smem:$0x3FB1]  }
0x39: {  	_ = 	snop;
	(pc) =	sbr.ind lr, $3  }
0x3a: {  	_ = 	snop  }
0x3b: {  	_ = 	snop  }
0x3c: {  	p2 =	seq.s32 s10, $0x1;
	s10 =	sld [smem:$0x3FB0]  }
0x3d: {  	_ =	shalt  }
0x3e: {  	_ =	shalt  }
0x3f: {  	_ =	shalt  }
0x40: {  	_ =	shalt  }
0x41: {  	_ =	shalt  }
0x42: {  	_ =	shalt  }
0x43: {  	_ =	shalt  }
0x44: {  	_ =	shalt  }
0x45: {  	_ =	shalt  }
0x46: {  	_ =	shalt  }
0x47: {  	_ =	shalt  }
0x48: {  	_ =	shalt  }
0x49: {  	_ =	shalt  }
0x4a: {  	_ =	shalt  }
0x4b: {  	_ =	shalt  }
0x4c: {  	_ =	shalt  }
0x4d: {  	_ =	shalt  }
0x4e: {  	_ =	shalt  }
0x4f: {  	_ =	shalt  }
0x50: {  	_ =	shalt  }
0x51: {  	_ =	shalt  }
0x52: {  	_ =	shalt  }
0x53: {  	_ =	shalt  }
0x54: {  	_ =	shalt  }
0x55: {  	_ =	shalt  }
0x56: {  	_ =	shalt  }
0x57: {  	_ =	shalt  }
0x58: {  	_ =	shalt  }
0x59: {  	_ =	shalt  }
0x5a: {  	_ =	shalt  }
0x5b: {  	_ =	shalt  }
0x5c: {  	_ =	shalt  }
0x5d: {  	_ =	shalt  }
0x5e: {  	_ =	shalt  }
0x5f: {  	_ =	shalt  }
0x60: {  	_ =	shalt  }
0x61: {  	_ =	shalt  }
0x62: {  	_ =	shalt  }
0x63: {  	_ =	shalt  }
0x64: {  	_ =	shalt  }
0x65: {  	_ =	shalt  }
0x66: {  	_ =	shalt  }
0x67: {  	_ =	shalt  }
0x68: {  	_ =	shalt  }
0x69: {  	_ =	shalt  }
0x6a: {  	_ =	shalt  }
0x6b: {  	_ =	shalt  }
0x6c: {  	_ =	shalt  }
0x6d: {  	_ =	shalt  }
0x6e: {  	_ =	shalt  }
0x6f: {  	_ =	shalt  }
0x70: {  	_ =	shalt  }
0x71: {  	_ =	shalt  }
0x72: {  	_ =	shalt  }
0x73: {  	_ =	shalt  }
0x74: {  	_ =	shalt  }
0x75: {  	_ =	shalt  }
0x76: {  	_ =	shalt  }
0x77: {  	_ =	shalt  }
0x78: {  	_ =	shalt  }
0x79: {  	_ =	shalt  }
0x7a: {  	_ =	shalt  }
0x7b: {  	_ =	shalt  }
0x7c: {  	_ =	shalt  }
0x7d: {  	_ =	shalt  }
0x7e: {  	_ =	shalt  }
0x7f: {  	_ =	shalt  }
0x80: {  	_ =	shalt  }
0x81: {  	_ =	shalt  }
0x82: {  	_ =	shalt  }
0x83: {  	_ =	shalt  }
0x84: {  	_ =	shalt  }
0x85: {  	_ =	shalt  }
0x86: {  	_ =	shalt  }
0x87: {  	_ =	shalt  }
.Lfunc_end0:
.L_simem_size_0:
called_computation.1_lowered:
.L_overlay_start_0:
0x88: {  	s2 =	sld [smem:$0x3FD9]  }
0x89: {  	s3 =	sld [smem:$0x3FFE];
	_ =	sdelay $0x1  }
0x8a: {  	s1 =	srdreg.scid  }
0x8b: {  	s0 =	sand.u32 $0x1, s1  }
0x8c: {  	s16 =	sshll.u32 s0, $0xA;
	s2 =	sadd.s32 s3, s2  }
0x8d: {  	s2 =	sadd.s32 s2, s16  }
0x8e: {  	[smem:$0x3FBC] =	sst s2  }
0x8f: {  	_ = 	snop  }
0x90: {  	(tm) =	ssettm $0x1  }
0x91: {  	s17 =	sld [smem:$0x3FFB];
	_ =	sdelay $0x3  }
0x92: {  	_ =	strace s17  }
0x93: {  	s2 =	sld [smem:$0x3FFC];
	_ =	sdelay $0x3  }
0x94: {  	_ =	strace s2  }
0x95: {  	s2 =	sld [smem:$0x3FFD];
	_ =	sdelay $0x3  }
0x96: {  	_ =	strace s2  }
0x97: {  	_ =	strace $0x8FFFFFFF  }
0x98: {  	s18 =	sld [smem:$0x3FDB];
	_ =	sdelay $0x1  }
0x99: {  	s19 =	simm.s32 $_scs_section_size  }
0x9a: {  	s4 =	simm.s32 $_size__tile_overlayer_lowered;
	s5 =	simm.s32 $_tile_overlayer_lowered  }
0x9b: {  	s22 =	simm.s32 $0x1BFF;
	s21 =	sshll.u32 s5, $0x1;
	s2 =	sadd.s32 s19, s18  }
0x9c: {  	s6 =	simm.s32 $0x0;
	s20 =	sshll.u32 s4, $0x1;
	s4 =	sadd.s32 s21, s2  }
0x9d: {  	[timem:s6], [sflag:s22] =	dma.local [hbm:s4], s20  }
0x9e: {  	_ =	swait.ge [sflag:s22], s20  }
0x9f: {  	s3 =	ssub.s32 $0x0, s20;
	[sflag:s22] =	ssyncset.done $0x0  }
0xa0: {  	[sflag:s22] =	ssyncadd.s32 s3;
	_ =	sdelay $0x1  }
0xa1: {  	s23 =	simm.s32 $0x1B8B  }
0xa2: {  	_ =	swait.ge [sflag:s23], $0x1  }
0xa3: {  	[sflag:s23] =	ssyncset.done $0x0  }
0xa4: {  	s25 =	simm.s32 $0x1B8E;
	s24 =	sld [smem:$0x3FFE];
	[sflag:s23] =	ssyncadd.s32 $0xFFFFFFFF  }
0xa5: {  	s26 =	simm.s32 $execute0_lowered;
	[smem:$0x3FD2] =	sst s25  }
0xa6: {  	s4 =	sshll.u32 s26, $0x1;
	_ =	strace $0x80000049;
	[dreg:$0x1] =	wrdreg $0xFFFFFFFF  }
0xa7: {  	s28 =	simm.s32 $_size_execute0_lowered;
	s2 =	sadd.s32 s2, s4;
	[dreg:$0x0] =	wrdreg $0x0  }
0xa8: {  	s4 =	sshll.u32 s28, $0x1;
	[dreg:$0x2] =	wrdreg s2  }
0xa9: {  	[dreg:$0x3] =	wrdreg s4  }
0xaa: {  	[dreg:$0x4] =	wrdreg $0xC0  }
0xab: {  	_ =	task [dreg:s6], $0x5FFFF  }
0xac: {  	[dreg:$0x1] =	wrdreg $0xFFFFFFFF  }
0xad: {  	[dreg:$0x0] =	wrdreg $0x60  }
0xae: {  	[dreg:$0x2] =	wrdreg s24  }
0xaf: {  	[dreg:$0x3] =	wrdreg $0xA8000  }
0xb0: {  	[dreg:$0x4] =	wrdreg $0x9  }
0xb1: {  	_ =	task.clear_ibuf [dreg:s6], $0x5FFFF;
	_ =	strace $0x90000049  }
0xb2: {  	s29 =	simm.s32 $0x9;
	_ =	strace $0x8000004B  }
0xb3: {  	_ =	swait.ge [sflag:s29], $0x1  }
0xb4: {  	[sflag:s29] =	ssyncadd.s32 $0xFFFFFFFF  }
0xb5: {  	_ =	strace $0x9000004B  }
0xb6: {  	_ =	sfence  }
0xb7: {  	s30 =	sld [smem:$0x0];
	_ =	sdelay $0x2  }
0xb8: {  	s31 =	sshll.u32 s1, $0xD;
	s1 =	sshrl.u32 s1, $0x2  }
0xb9: {  	s3 =	sand.u32 $0x4000, s31;
	s1 =	sadd.s32 s1, s30  }
0xba: {  	s0 =	sor.u32 s3, s0;
	s1 =	sshll.u32 s1, $0x11  }
0xbb: {  	s0 =	sor.u32 s1, s0  }
0xbc: {  	s0 =	sadd.s32 $0x8F2B, s0  }
0xbd: {  	[sflag:s0] =	ssyncadd.remote.s32 $0x1  }
0xbe: {  	_ =	sfence.sel $0xFFFF  }
0xbf: {  	[dreg:$0x0] =	wrdreg $0xFFFFFFFF;
	(pc) =	sbr.abs _section_cstart, $3  }
0xc0: {  	[dreg:$0x1] =	wrdreg $0xFFFFFFFF  }
0xc1: {  	_ =	task.clear_ibuf [dreg:s6], $0x2FFFF;
	_ =	strace $0x9FFFFFFF  }
0xc2: {  	(tm) =	ssettm $0x7FFFFFFF  }
0xc3: {  	_ =	shalt  }
tec
execute0_lowered:
.L_overlay_start_1:
0x0: {  	(tag) =	ssettag $0x1  }
0x1: {  	s4 =	rddreg [dreg:$0x0]  }
0x2: {  	s1 =	rddreg [dreg:$0x1]  }
0x3: {  	s3 =	srdreg.scid;
	s0 =	stileid.u32;
	s2 =	simm.s32 $0x0  }
0x4: {  	s30 =	simm.s32 $0x50;
	s5 =	sand.u32 $0x1, s3;
	s23 =	sshll.u32 s0, $0x1  }
0x5: {  	[smem:$0x7FF] =	sst s2;
	s9 =	sadd.s32 $0x2A00, s4;
	s29 =	smul.u32 $0x4E20, s0  }
0x6: {  	s8 =	sadd.s32 $0x16400, s4;
	p0 =	sne.s32 s0, $0x0;
	s7 =	smul.u32 $0x28000, s5  }
0x7: {  	s3 =	sor.u32 s5, s23;
	s24 =	ssub.s32 $0x2, s5;
	s5 =	smul.u32 $0x2710, s5  }
0x8: {  	_ =	strace $0x8000004A;
	[dreg:$0x13] =	wrdreg s8;
	s6 =	smul.u32 $0x2710, s3  }
0x9: {  	[dreg:$0x12] =	wrdreg s9;
	s3 =	sadd.s32 $0x3E400, s4;
	s4 =	sadd.s32 s7, s4  }
0xa: {  	s25 =	sshrl.u32 s24, $0x1;
	s6 =	sshrl.u32 s6, $0x3;
	s4 =	sadd.s32 $0x65600, s4  }
0xb: {  	s26 =	ssub.s32 s24, s25;
	s10 =	sadd.s32 s9, s6;
	[dreg:$0x1e] =	wrdreg s4  }
0xc: {  	s5 =	sadd.s32 s5, s29;
	s6 =	smax.u32 s26, $0x1;
	[dreg:$0x14] =	wrdreg s10  }
0xd: {  	s18 =	sadd.s32 $0x4E570, s5;
	s28 =	sadd.s32 $0x9C40, s10;
	[dreg:$0x1f] =	wrdreg s6  }
0xe: {  	s19 =	sadd.s32 $0x370, s5;
	s31 =	sadd.s32 $0xA, s10;
	[dreg:$0x15] =	wrdreg s28  }
0xf: {  	s20 =	sadd.s32 $0x4E520, s5;
	s11 =	sadd.s32 $0x9C4A, s10;
	[dreg:$0x16] =	wrdreg s31  }
0x10: {  	s24 =	sadd.s32 $0x320, s5;
	s12 =	sadd.s32 $0x14, s10;
	[dreg:$0x17] =	wrdreg s11  }
0x11: {  	s8 =	sadd.s32 $0x4E480, s5;
	s13 =	sadd.s32 $0x9C54, s10;
	[dreg:$0x18] =	wrdreg s12  }
0x12: {  	s4 =	sshrl.u32 s18, $0x3;
	s14 =	sadd.s32 $0x1E, s10;
	[dreg:$0x19] =	wrdreg s13  }
0x13: {  	s22 =	sshrl.u32 s20, $0x3;
	s15 =	sadd.s32 $0x9C5E, s10;
	[dreg:$0x1a] =	wrdreg s14  }
0x14: {  	s25 =	sshrl.u32 s24, $0x3;
	s16 =	sadd.s32 $0x4D8, s10;
	[dreg:$0x1b] =	wrdreg s15  }
0x15: {  	s26 =	sadd.s32 $0x4E4D0, s5;
	s17 =	sadd.s32 $0xA118, s10;
	[dreg:$0x1c] =	wrdreg s16  }
0x16: {  	s18 =	sadd.s32 $0x1E0, s5;
	s4 =	sadd.s32 s4, s9;
	[dreg:$0x1d] =	wrdreg s17  }
0x17: {  	s6 =	sshrl.u32 s19, $0x3;
	s23 =	sadd.s32 s22, s9;
	[dreg:$0x3] =	wrdreg s4  }
0x18: {  	s19 =	sadd.s32 $0x4E390, s5;
	s21 =	sadd.s32 s6, s9;
	[dreg:$0x5] =	wrdreg s23  }
0x19: {  	s4 =	sadd.s32 s25, s9;
	s6 =	sshrl.u32 s26, $0x3;
	s28 =	sadd.s32 $0x2D0, s5  }
0x1a: {  	s11 =	sadd.s32 $0x4E430, s5;
	s12 =	sadd.s32 $0x230, s5;
	s16 =	sadd.s32 $0x4E3E0, s5  }
0x1b: {  	s23 =	sadd.s32 $0x190, s5;
	s25 =	sadd.s32 $0x4E340, s5;
	[dreg:$0x4] =	wrdreg s21  }
0x1c: {  	s26 =	sadd.s32 $0x140, s5;
	s5 =	sadd.s32 $0x280, s5;
	[dreg:$0x6] =	wrdreg s4  }
0x1d: {  	s10 =	sshrl.u32 s8, $0x3;
	s29 =	sadd.s32 s6, s9;
	[smem:$0x7FD] =	sst s5  }
0x1e: {  	s31 =	sshrl.u32 s28, $0x3;
	s4 =	sadd.s32 s10, s9;
	[dreg:$0x7] =	wrdreg s29  }
0x1f: {  	s6 =	sshrl.u32 s11, $0x3;
	s7 =	sadd.s32 s31, s9;
	[dreg:$0x9] =	wrdreg s4  }
0x20: {  	s14 =	sshrl.u32 s12, $0x3;
	s13 =	sadd.s32 s6, s9;
	[dreg:$0x8] =	wrdreg s7  }
0x21: {  	s17 =	sshrl.u32 s16, $0x3;
	s15 =	sadd.s32 s14, s9;
	[dreg:$0xa] =	wrdreg s13  }
0x22: {  	s21 =	sshrl.u32 s19, $0x3;
	s4 =	sadd.s32 s17, s9;
	[dreg:$0xb] =	wrdreg s15  }
0x23: {  	s6 =	sshrl.u32 s18, $0x3;
	s22 =	sadd.s32 s21, s9;
	[dreg:$0xc] =	wrdreg s4  }
0x24: {  	s24 =	sshrl.u32 s23, $0x3;
	s20 =	sadd.s32 s6, s9;
	[dreg:$0xe] =	wrdreg s22  }
0x25: {  	s29 =	sshrl.u32 s26, $0x3;
	s4 =	sadd.s32 s24, s9;
	[dreg:$0xd] =	wrdreg s20  }
0x26: {  	s6 =	sshrl.u32 s25, $0x3;
	s31 =	sadd.s32 s29, s9;
	[dreg:$0xf] =	wrdreg s4  }
0x27: {  	s24 =	simm.s32 $0x700;
	s28 =	sadd.s32 s6, s9;
	[dreg:$0x11] =	wrdreg s31  }
0x28: {  	s25 =	simm.s32 $0x9;
	s4 =	simm.s32 $0x0;
	[dreg:$0x10] =	wrdreg s28  }
.LBB2_1:
0x29: {  	[smem:$0x7FB] =	sst s4  }
0x2a: {  	s4 =	sshrl.u32 @!p0 s1, $0x3;
	s5 =	rddreg [dreg:$0x13]  }
0x2b: {  	s0 =	simm.s32 @!p0 $0x1C01;
	[smem:$0x7FC] =	sst s4  }
0x2c: {  	[spmem:s4], [sflag:s0] =	dma.local @!p0 [hbm:s5], $0x28000  }
0x2d: {  	s0 =	simm.s32 @!p0 $0x1  }
0x2e: {  	_ =	swait.ge @!p0 [sflag:s0], $0x28000  }
0x2f: {  	[sflag:s0] =	ssyncset.done @!p0 $0x0  }
0x30: {  	[sflag:s0] =	ssyncadd.s32 @!p0 $0xFFFD8000  }
0x31: {  	[bflag:$0x0] =	sbarrier.arrive $0xFFFF  }
0x32: {  	s18 =	rddreg [dreg:$0x14]  }
0x33: {  	[tilespmem:s2], [sflag:$0x2] =	stream.linear.gather [hbm4b:s18+s2], $0x50, $0x38;
	[tilespmem:$0x1E800] =	vst v63  }
0x34: {  	s11 =	simm.s32 $0x400;
	s19 =	rddreg [dreg:$0x15]  }
0x35: {  	[tilespmem:s11], [sflag:$0x2] =	stream.linear.gather [hbm4b:s19+s2], $0x50, $0x38;
	[tilespmem:$0x1E800] =	vst v63  }
0x36: {  	s15 =	simm.s32 $0x80;
	s20 =	rddreg [dreg:$0x16]  }
0x37: {  	[tilespmem:s15], [sflag:$0x3] =	stream.linear.gather [hbm4b:s20+s2], $0x50, $0x38;
	[tilespmem:$0x1E800] =	vst v63  }
0x38: {  	s16 =	simm.s32 $0x480;
	s21 =	rddreg [dreg:$0x17]  }
0x39: {  	[tilespmem:s16], [sflag:$0x3] =	stream.linear.gather [hbm4b:s21+s2], $0x50, $0x38;
	[tilespmem:$0x1E800] =	vst v63  }
0x3a: {  	s22 =	rddreg [dreg:$0x18];
	s19 =	simm.s32 $0x100  }
0x3b: {  	[tilespmem:s19], [sflag:$0x4] =	stream.linear.gather [hbm4b:s22+s2], $0x50, $0x38;
	[tilespmem:$0x1E800] =	vst v63  }
0x3c: {  	s23 =	rddreg [dreg:$0x19];
	s20 =	simm.s32 $0x500  }
0x3d: {  	[tilespmem:s20], [sflag:$0x4] =	stream.linear.gather [hbm4b:s23+s2], $0x50, $0x38;
	[tilespmem:$0x1E800] =	vst v63  }
0x3e: {  	p1 =	por $0x1, $0x1;
	s26 =	rddreg [dreg:$0x1a];
	s22 =	simm.s32 $0x180  }
0x3f: {  	[tilespmem:s22], [sflag:$0x5] =	stream.linear.gather [hbm4b:s26+s2], $0x50, $0x38;
	[tilespmem:$0x1E800] =	vst v63  }
0x40: {  	s31 =	simm.s32 $0x580;
	s0 =	simm.s32 @!p1 $0xE;
	s29 =	rddreg [dreg:$0x1b]  }
0x41: {  	[tilespmem:s31], [sflag:$0x5] =	stream.linear.gather [hbm4b:s29+s2], $0x50, $0x38;
	[tilespmem:$0x1E800] =	vst v63  }
0x42: {  	_ =	swait.ge @!p1 [sflag:s0], $0x2800  }
0x43: {  	s28 =	simm.s32 $0x200;
	s4 =	rddreg [dreg:$0x11];
	[sflag:s0] =	ssyncset.done @!p1 $0x0  }
0x44: {  	s26 =	rddreg [dreg:$0x10];
	[sflag:s0] =	ssyncadd.s32 @!p1 $0xFFFFD800;
	s5 =	sadd.s32 $0x0, s4  }
0x45: {  	[tilespmem:s28], [sflag:$0x6] =	stream.linear.gather [hbm4b:s5+s2], $0x50, $0x38;
	[tilespmem:$0x1E800] =	vst v63  }
0x46: {  	s8 =	simm.s32 $0x600;
	s7 =	simm.s32 $0x2;
	s6 =	sadd.s32 $0x0, s26  }
0x47: {  	[tilespmem:s8], [sflag:$0x6] =	stream.linear.gather [hbm4b:s6+s2], $0x50, $0x38;
	[tilespmem:$0x1E800] =	vst v63  }
0x48: {  	_ =	swait.ge [sflag:s7], $0x50  }
0x49: {  	[sflag:s7] =	ssyncset.done $0x0  }
0x4a: {  	[sflag:s7] =	ssyncadd.s32 $0xFFFFFFB0  }
0x4b: {  	_ =	swait.ge [sflag:s7], $0x50  }
0x4c: {  	[sflag:s7] =	ssyncset.done $0x0  }
0x4d: {  	s13 =	simm.s32 $0x800;
	s0 =	simm.s32 @!p1 $0xD;
	[sflag:s7] =	ssyncadd.s32 $0xFFFFFFB0  }
0x4e: {  	[tilespmem:s13], [sflag:$0xA] =	stream.indirect.gather [hbm4b:s3+s30], $0x80, s2, s30, $0xb8;
	[tilespmem:$0x1E800] =	vst v63  }
0x4f: {  	_ =	swait.ge @!p1 [sflag:s0], $0x2800  }
0x50: {  	s26 =	simm.s32 @!p1 $0x780;
	[sflag:s0] =	ssyncset.done @!p1 $0x0  }
0x51: {  	s5 =	simm.s32 @!p1 $0x8000;
	[sflag:s0] =	ssyncadd.s32 @!p1 $0xFFFFD800;
	s0 =	simm.s32 @!p1 $0x50  }
0x52: {  	[spmem:s1] =	stream.indirect.scatter.add.f32 @!p1 [tilespmem:s5], [sflag:$0x11], $0x80, s26, s0, $0xb8;
	[tilespmem:$0x1E800] =	vst v63  }
0x53: {  	s0 =	simm.s32 @!p1 $0xF  }
0x54: {  	_ =	swait.ge @!p1 [sflag:s0], $0x2800  }
0x55: {  	s29 =	simm.s32 $0x280;
	s9 =	rddreg [dreg:$0xf];
	[sflag:s0] =	ssyncset.done @!p1 $0x0  }
0x56: {  	s10 =	rddreg [dreg:$0xe];
	[sflag:s0] =	ssyncadd.s32 @!p1 $0xFFFFD800;
	s12 =	sadd.s32 $0x0, s9  }
0x57: {  	[tilespmem:s29], [sflag:$0x7] =	stream.linear.gather [hbm4b:s12+s2], $0x50, $0x38;
	[tilespmem:$0x1E800] =	vst v63  }
0x58: {  	s17 =	simm.s32 $0x3;
	s7 =	simm.s32 $0x680;
	s14 =	sadd.s32 $0x0, s10  }
0x59: {  	[tilespmem:s7], [sflag:$0x7] =	stream.linear.gather [hbm4b:s14+s2], $0x50, $0x38;
	[tilespmem:$0x1E800] =	vst v63  }
0x5a: {  	_ =	swait.ge [sflag:s17], $0x50  }
0x5b: {  	[sflag:s17] =	ssyncset.done $0x0  }
0x5c: {  	[sflag:s17] =	ssyncadd.s32 $0xFFFFFFB0  }
0x5d: {  	_ =	swait.ge [sflag:s17], $0x50  }
0x5e: {  	[sflag:s17] =	ssyncset.done $0x0  }
0x5f: {  	s9 =	simm.s32 $0x3000;
	s12 =	simm.s32 $0xA;
	[sflag:s17] =	ssyncadd.s32 $0xFFFFFFB0  }
0x60: {  	[tilespmem:s9], [sflag:$0xB] =	stream.indirect.gather [hbm4b:s3+s30], $0x80, s15, s30, $0xb8;
	[tilespmem:$0x1E800] =	vst v63  }
0x61: {  	_ =	swait.ge [sflag:s12], $0x2800  }
0x62: {  	[sflag:s12] =	ssyncset.done $0x0  }
0x63: {  	s0 =	simm.s32 @!p1 $0x10;
	[sflag:s12] =	ssyncadd.s32 $0xFFFFD800  }
0x64: {  	[spmem:s1] =	stream.indirect.scatter.add.f32 [tilespmem:s13], [sflag:$0xE], $0x80, s11, s30, $0xb8;
	[tilespmem:$0x1E800] =	vst v63  }
0x65: {  	_ =	swait.ge @!p1 [sflag:s0], $0x2800  }
0x66: {  	s14 =	simm.s32 $0x300;
	s18 =	rddreg [dreg:$0xd];
	[sflag:s0] =	ssyncset.done @!p1 $0x0  }
0x67: {  	s21 =	rddreg [dreg:$0xc];
	[sflag:s0] =	ssyncadd.s32 @!p1 $0xFFFFD800;
	s23 =	sadd.s32 $0x0, s18  }
0x68: {  	[tilespmem:s14], [sflag:$0x8] =	stream.linear.gather [hbm4b:s23+s2], $0x50, $0x38;
	[tilespmem:$0x1E800] =	vst v63  }
0x69: {  	s5 =	simm.s32 $0x4;
	s4 =	sadd.s32 $0x0, s21  }
0x6a: {  	[tilespmem:s24], [sflag:$0x8] =	stream.linear.gather [hbm4b:s4+s2], $0x50, $0x38;
	[tilespmem:$0x1E800] =	vst v63  }
0x6b: {  	_ =	swait.ge [sflag:s5], $0x50  }
0x6c: {  	[sflag:s5] =	ssyncset.done $0x0  }
0x6d: {  	[sflag:s5] =	ssyncadd.s32 $0xFFFFFFB0  }
0x6e: {  	_ =	swait.ge [sflag:s5], $0x50  }
0x6f: {  	[sflag:s5] =	ssyncset.done $0x0  }
0x70: {  	s17 =	simm.s32 $0x5800;
	s18 =	simm.s32 $0xB;
	[sflag:s5] =	ssyncadd.s32 $0xFFFFFFB0  }
0x71: {  	[tilespmem:s17], [sflag:$0xC] =	stream.indirect.gather [hbm4b:s3+s30], $0x80, s19, s30, $0xb8;
	[tilespmem:$0x1E800] =	vst v63  }
0x72: {  	_ =	swait.ge [sflag:s18], $0x2800  }
0x73: {  	[sflag:s18] =	ssyncset.done $0x0  }
0x74: {  	s0 =	simm.s32 @!p1 $0x11;
	[sflag:s18] =	ssyncadd.s32 $0xFFFFD800  }
0x75: {  	[spmem:s1] =	stream.indirect.scatter.add.f32 [tilespmem:s9], [sflag:$0xF], $0x80, s16, s30, $0xb8;
	[tilespmem:$0x1E800] =	vst v63  }
0x76: {  	_ =	swait.ge @!p1 [sflag:s0], $0x2800  }
0x77: {  	s4 =	simm.s32 $0x380;
	s6 =	rddreg [dreg:$0xb];
	[sflag:s0] =	ssyncset.done @!p1 $0x0  }
0x78: {  	s10 =	rddreg [dreg:$0xa];
	[sflag:s0] =	ssyncadd.s32 @!p1 $0xFFFFD800;
	s21 =	sadd.s32 $0x0, s6  }
0x79: {  	[tilespmem:s4], [sflag:$0x9] =	stream.linear.gather [hbm4b:s21+s2], $0x50, $0x38;
	[tilespmem:$0x1E800] =	vst v63  }
0x7a: {  	s26 =	simm.s32 $0x5;
	s24 =	simm.s32 $0x780;
	s23 =	sadd.s32 $0x0, s10  }
0x7b: {  	[tilespmem:s24], [sflag:$0x9] =	stream.linear.gather [hbm4b:s23+s2], $0x50, $0x38;
	[tilespmem:$0x1E800] =	vst v63  }
0x7c: {  	_ =	swait.ge [sflag:s26], $0x50  }
0x7d: {  	[sflag:s26] =	ssyncset.done $0x0  }
0x7e: {  	[sflag:s26] =	ssyncadd.s32 $0xFFFFFFB0  }
0x7f: {  	_ =	swait.ge [sflag:s26], $0x50  }
0x80: {  	[sflag:s26] =	ssyncset.done $0x0  }
0x81: {  	s21 =	simm.s32 $0x8000;
	s23 =	simm.s32 $0xC;
	[sflag:s26] =	ssyncadd.s32 $0xFFFFFFB0  }
0x82: {  	[tilespmem:s21], [sflag:$0xD] =	stream.indirect.gather [hbm4b:s3+s30], $0x80, s22, s30, $0xb8;
	[tilespmem:$0x1E800] =	vst v63  }
0x83: {  	_ =	swait.ge [sflag:s23], $0x2800  }
0x84: {  	[sflag:s23] =	ssyncset.done $0x0  }
0x85: {  	s6 =	simm.s32 $0xE;
	[sflag:s23] =	ssyncadd.s32 $0xFFFFD800  }
0x86: {  	[spmem:s1] =	stream.indirect.scatter.add.f32 [tilespmem:s17], [sflag:$0x10], $0x80, s20, s30, $0xb8;
	[tilespmem:$0x1E800] =	vst v63  }
0x87: {  	_ =	swait.ge [sflag:s6], $0x2800  }
0x88: {  	s10 =	sld [smem:$0x7FD];
	_ =	sdelay $0x2  }
0x89: {  	[sflag:s6] =	ssyncset.done $0x0;
	s24 =	rddreg [dreg:$0x12];
	s5 =	sshrl.u32 s10, $0x3  }
0x8a: {  	s26 =	rddreg [dreg:$0x9];
	[sflag:s6] =	ssyncadd.s32 $0xFFFFD800;
	s0 =	sadd.s32 s24, s5  }
0x8b: {  	[tilespmem:s2], [sflag:$0x2] =	stream.linear.gather [hbm4b:s0+s2], $0x50, $0x38;
	[tilespmem:$0x1E800] =	vst v63  }
0x8c: {  	s26 =	sadd.s32 $0x0, s26;
	s5 =	simm.s32 $0x6  }
0x8d: {  	[tilespmem:s11], [sflag:$0x2] =	stream.linear.gather [hbm4b:s26+s2], $0x50, $0x38;
	[tilespmem:$0x1E800] =	vst v63  }
0x8e: {  	_ =	swait.ge [sflag:s5], $0x50  }
0x8f: {  	[sflag:s5] =	ssyncset.done $0x0  }
0x90: {  	[sflag:s5] =	ssyncadd.s32 $0xFFFFFFB0  }
0x91: {  	_ =	swait.ge [sflag:s5], $0x50  }
0x92: {  	[sflag:s5] =	ssyncset.done $0x0  }
0x93: {  	s6 =	simm.s32 $0xD;
	[sflag:s5] =	ssyncadd.s32 $0xFFFFFFB0  }
0x94: {  	[tilespmem:s13], [sflag:$0xA] =	stream.indirect.gather [hbm4b:s3+s30], $0x80, s28, s30, $0xb8;
	[tilespmem:$0x1E800] =	vst v63  }
0x95: {  	_ =	swait.ge [sflag:s6], $0x2800  }
0x96: {  	[sflag:s6] =	ssyncset.done $0x0  }
0x97: {  	s11 =	simm.s32 $0xF;
	[sflag:s6] =	ssyncadd.s32 $0xFFFFD800  }
0x98: {  	[spmem:s1] =	stream.indirect.scatter.add.f32 [tilespmem:s21], [sflag:$0x11], $0x80, s31, s30, $0xb8;
	[tilespmem:$0x1E800] =	vst v63  }
0x99: {  	_ =	swait.ge [sflag:s11], $0x2800  }
0x9a: {  	s24 =	rddreg [dreg:$0x8];
	[sflag:s11] =	ssyncset.done $0x0  }
0x9b: {  	s26 =	rddreg [dreg:$0x7];
	[sflag:s11] =	ssyncadd.s32 $0xFFFFD800;
	s0 =	sadd.s32 $0x0, s24  }
0x9c: {  	[tilespmem:s15], [sflag:$0x3] =	stream.linear.gather [hbm4b:s0+s2], $0x50, $0x38;
	[tilespmem:$0x1E800] =	vst v63  }
0x9d: {  	s6 =	sadd.s32 $0x0, s26;
	s11 =	simm.s32 $0x7  }
0x9e: {  	[tilespmem:s16], [sflag:$0x3] =	stream.linear.gather [hbm4b:s6+s2], $0x50, $0x38;
	[tilespmem:$0x1E800] =	vst v63  }
0x9f: {  	_ =	swait.ge [sflag:s11], $0x50  }
0xa0: {  	[sflag:s11] =	ssyncset.done $0x0  }
0xa1: {  	[sflag:s11] =	ssyncadd.s32 $0xFFFFFFB0  }
0xa2: {  	_ =	swait.ge [sflag:s11], $0x50  }
0xa3: {  	[sflag:s11] =	ssyncset.done $0x0  }
0xa4: {  	[sflag:s11] =	ssyncadd.s32 $0xFFFFFFB0  }
0xa5: {  	[tilespmem:s9], [sflag:$0xB] =	stream.indirect.gather [hbm4b:s3+s30], $0x80, s29, s30, $0xb8;
	[tilespmem:$0x1E800] =	vst v63  }
0xa6: {  	_ =	swait.ge [sflag:s12], $0x2800  }
0xa7: {  	[sflag:s12] =	ssyncset.done $0x0  }
0xa8: {  	[sflag:s12] =	ssyncadd.s32 $0xFFFFD800;
	s12 =	simm.s32 $0x10  }
0xa9: {  	[spmem:s1] =	stream.indirect.scatter.add.f32 [tilespmem:s13], [sflag:$0xE], $0x80, s8, s30, $0xb8;
	[tilespmem:$0x1E800] =	vst v63  }
0xaa: {  	_ =	swait.ge [sflag:s12], $0x2800  }
0xab: {  	s13 =	rddreg [dreg:$0x6];
	[sflag:s12] =	ssyncset.done $0x0  }
0xac: {  	s15 =	rddreg [dreg:$0x5];
	[sflag:s12] =	ssyncadd.s32 $0xFFFFD800;
	s0 =	sadd.s32 $0x0, s13  }
0xad: {  	[tilespmem:s19], [sflag:$0x4] =	stream.linear.gather [hbm4b:s0+s2], $0x50, $0x38;
	[tilespmem:$0x1E800] =	vst v63  }
0xae: {  	s16 =	sadd.s32 $0x0, s15;
	s19 =	simm.s32 $0x8  }
0xaf: {  	[tilespmem:s20], [sflag:$0x4] =	stream.linear.gather [hbm4b:s16+s2], $0x50, $0x38;
	[tilespmem:$0x1E800] =	vst v63  }
0xb0: {  	_ =	swait.ge [sflag:s19], $0x50  }
0xb1: {  	[sflag:s19] =	ssyncset.done $0x0  }
0xb2: {  	[sflag:s19] =	ssyncadd.s32 $0xFFFFFFB0  }
0xb3: {  	_ =	swait.ge [sflag:s19], $0x50  }
0xb4: {  	[sflag:s19] =	ssyncset.done $0x0  }
0xb5: {  	[sflag:s19] =	ssyncadd.s32 $0xFFFFFFB0  }
0xb6: {  	[tilespmem:s17], [sflag:$0xC] =	stream.indirect.gather [hbm4b:s3+s30], $0x80, s14, s30, $0xb8;
	[tilespmem:$0x1E800] =	vst v63  }
0xb7: {  	_ =	swait.ge [sflag:s18], $0x2800  }
0xb8: {  	[sflag:s18] =	ssyncset.done $0x0  }
0xb9: {  	s20 =	simm.s32 $0x11;
	[sflag:s18] =	ssyncadd.s32 $0xFFFFD800  }
0xba: {  	[spmem:s1] =	stream.indirect.scatter.add.f32 [tilespmem:s9], [sflag:$0xF], $0x80, s7, s30, $0xb8;
	[tilespmem:$0x1E800] =	vst v63  }
0xbb: {  	_ =	swait.ge [sflag:s20], $0x2800  }
0xbc: {  	s24 =	rddreg [dreg:$0x4];
	[sflag:s20] =	ssyncset.done $0x0  }
0xbd: {  	s26 =	rddreg [dreg:$0x3];
	[sflag:s20] =	ssyncadd.s32 $0xFFFFD800;
	s0 =	sadd.s32 $0x0, s24  }
0xbe: {  	[tilespmem:s22], [sflag:$0x5] =	stream.linear.gather [hbm4b:s0+s2], $0x50, $0x38;
	[tilespmem:$0x1E800] =	vst v63  }
0xbf: {  	s29 =	sadd.s32 $0x0, s26  }
0xc0: {  	[tilespmem:s31], [sflag:$0x5] =	stream.linear.gather [hbm4b:s29+s2], $0x50, $0x38;
	[tilespmem:$0x1E800] =	vst v63  }
0xc1: {  	_ =	swait.ge [sflag:s25], $0x50  }
0xc2: {  	[sflag:s25] =	ssyncset.done $0x0  }
0xc3: {  	[sflag:s25] =	ssyncadd.s32 $0xFFFFFFB0  }
0xc4: {  	_ =	swait.ge [sflag:s25], $0x50  }
0xc5: {  	[sflag:s25] =	ssyncset.done $0x0  }
0xc6: {  	[sflag:s25] =	ssyncadd.s32 $0xFFFFFFB0  }
0xc7: {  	[tilespmem:s21], [sflag:$0xD] =	stream.indirect.gather [hbm4b:s3+s30], $0x80, s4, s30, $0xb8;
	[tilespmem:$0x1E800] =	vst v63  }
0xc8: {  	p2 =	por $0x0, $0x0;
	s28 =	sadd.s32 $0x280, s10;
	_ =	swait.ge [sflag:s23], $0x2800  }
0xc9: {  	s26 =	simm.s32 $0x50;
	s0 =	simm.s32 $0xA0;
	[sflag:s23] =	ssyncset.done $0x0  }
.LBB2_2:
0xca: {  	s10 =	simm.s32 @!p2 $0xE;
	s23 =	simm.s32 $0xC  }
0xcb: {  	s19 =	simm.s32 $0x700;
	s17 =	simm.s32 $0x5800;
	[sflag:s23] =	ssyncadd.s32 $0xFFFFD800  }
0xcc: {  	[spmem:s1] =	stream.indirect.scatter.add.f32 [tilespmem:s17], [sflag:$0x10], $0x80, s19, s30, $0xb8;
	[tilespmem:$0x1E800] =	vst v63  }
0xcd: {  	_ =	swait.ge @!p2 [sflag:s10], $0x2800  }
0xce: {  	s31 =	simm.s32 $0x200;
	[sflag:s10] =	ssyncset.done @!p2 $0x0;
	s11 =	rddreg [dreg:$0x11]  }
0xcf: {  	s16 =	rddreg [dreg:$0x10];
	[sflag:s10] =	ssyncadd.s32 @!p2 $0xFFFFD800;
	s11 =	sadd.s32 s26, s11  }
0xd0: {  	[tilespmem:s31], [sflag:$0x6] =	stream.linear.gather [hbm4b:s11+s2], $0x50, $0x38;
	[tilespmem:$0x1E800] =	vst v63  }
0xd1: {  	s8 =	simm.s32 $0x600;
	s6 =	simm.s32 $0x2;
	s10 =	sadd.s32 s26, s16  }
0xd2: {  	[tilespmem:s8], [sflag:$0x6] =	stream.linear.gather [hbm4b:s10+s2], $0x50, $0x38;
	[tilespmem:$0x1E800] =	vst v63  }
0xd3: {  	_ =	swait.ge [sflag:s6], $0x50  }
0xd4: {  	[sflag:s6] =	ssyncset.done $0x0  }
0xd5: {  	[sflag:s6] =	ssyncadd.s32 $0xFFFFFFB0  }
0xd6: {  	_ =	swait.ge [sflag:s6], $0x50  }
0xd7: {  	[sflag:s6] =	ssyncset.done $0x0  }
0xd8: {  	s13 =	simm.s32 $0x800;
	s10 =	simm.s32 @!p2 $0xD;
	[sflag:s6] =	ssyncadd.s32 $0xFFFFFFB0  }
0xd9: {  	[tilespmem:s13], [sflag:$0xA] =	stream.indirect.gather [hbm4b:s3+s30], $0x80, s2, s30, $0xb8;
	[tilespmem:$0x1E800] =	vst v63  }
0xda: {  	_ =	swait.ge @!p2 [sflag:s10], $0x2800  }
0xdb: {  	s15 =	simm.s32 @!p2 $0xF;
	s11 =	simm.s32 @!p2 $0x8000;
	[sflag:s10] =	ssyncset.done @!p2 $0x0  }
0xdc: {  	s6 =	simm.s32 @!p2 $0x780;
	[sflag:s10] =	ssyncadd.s32 @!p2 $0xFFFFD800;
	s10 =	simm.s32 @!p2 $0x50  }
0xdd: {  	[spmem:s1] =	stream.indirect.scatter.add.f32 @!p2 [tilespmem:s11], [sflag:$0x11], $0x80, s6, s10, $0xb8;
	[tilespmem:$0x1E800] =	vst v63  }
0xde: {  	_ =	swait.ge @!p2 [sflag:s15], $0x2800  }
0xdf: {  	s29 =	simm.s32 $0x280;
	s18 =	rddreg [dreg:$0xf];
	[sflag:s15] =	ssyncset.done @!p2 $0x0  }
0xe0: {  	s20 =	rddreg [dreg:$0xe];
	[sflag:s15] =	ssyncadd.s32 @!p2 $0xFFFFD800;
	s6 =	sadd.s32 s26, s18  }
0xe1: {  	[tilespmem:s29], [sflag:$0x7] =	stream.linear.gather [hbm4b:s6+s2], $0x50, $0x38;
	[tilespmem:$0x1E800] =	vst v63  }
0xe2: {  	s7 =	simm.s32 $0x680;
	s22 =	simm.s32 $0x3;
	s21 =	sadd.s32 s26, s20  }
0xe3: {  	[tilespmem:s7], [sflag:$0x7] =	stream.linear.gather [hbm4b:s21+s2], $0x50, $0x38;
	[tilespmem:$0x1E800] =	vst v63  }
0xe4: {  	_ =	swait.ge [sflag:s22], $0x50  }
0xe5: {  	[sflag:s22] =	ssyncset.done $0x0  }
0xe6: {  	[sflag:s22] =	ssyncadd.s32 $0xFFFFFFB0  }
0xe7: {  	_ =	swait.ge [sflag:s22], $0x50  }
0xe8: {  	s9 =	simm.s32 $0x3000;
	[sflag:s22] =	ssyncset.done $0x0  }
0xe9: {  	s12 =	simm.s32 $0xA;
	s16 =	simm.s32 $0x80;
	[sflag:s22] =	ssyncadd.s32 $0xFFFFFFB0  }
0xea: {  	[tilespmem:s9], [sflag:$0xB] =	stream.indirect.gather [hbm4b:s3+s30], $0x80, s16, s30, $0xb8;
	[tilespmem:$0x1E800] =	vst v63  }
0xeb: {  	_ =	swait.ge [sflag:s12], $0x2800  }
0xec: {  	[sflag:s12] =	ssyncset.done $0x0  }
0xed: {  	s15 =	simm.s32 $0x400;
	s6 =	simm.s32 @!p2 $0x10;
	[sflag:s12] =	ssyncadd.s32 $0xFFFFD800  }
0xee: {  	[spmem:s1] =	stream.indirect.scatter.add.f32 [tilespmem:s13], [sflag:$0xE], $0x80, s15, s30, $0xb8;
	[tilespmem:$0x1E800] =	vst v63  }
0xef: {  	_ =	swait.ge @!p2 [sflag:s6], $0x2800  }
0xf0: {  	s14 =	simm.s32 $0x300;
	s24 =	rddreg [dreg:$0xd];
	[sflag:s6] =	ssyncset.done @!p2 $0x0  }
0xf1: {  	s4 =	rddreg [dreg:$0xc];
	[sflag:s6] =	ssyncadd.s32 @!p2 $0xFFFFD800;
	s18 =	sadd.s32 s26, s24  }
0xf2: {  	[tilespmem:s14], [sflag:$0x8] =	stream.linear.gather [hbm4b:s18+s2], $0x50, $0x38;
	[tilespmem:$0x1E800] =	vst v63  }
0xf3: {  	s21 =	simm.s32 $0x4;
	s20 =	sadd.s32 s26, s4  }
0xf4: {  	[tilespmem:s19], [sflag:$0x8] =	stream.linear.gather [hbm4b:s20+s2], $0x50, $0x38;
	[tilespmem:$0x1E800] =	vst v63  }
0xf5: {  	_ =	swait.ge [sflag:s21], $0x50  }
0xf6: {  	[sflag:s21] =	ssyncset.done $0x0  }
0xf7: {  	[sflag:s21] =	ssyncadd.s32 $0xFFFFFFB0  }
0xf8: {  	_ =	swait.ge [sflag:s21], $0x50  }
0xf9: {  	[sflag:s21] =	ssyncset.done $0x0  }
0xfa: {  	s18 =	simm.s32 $0xB;
	s20 =	simm.s32 $0x100;
	[sflag:s21] =	ssyncadd.s32 $0xFFFFFFB0  }
0xfb: {  	[tilespmem:s17], [sflag:$0xC] =	stream.indirect.gather [hbm4b:s3+s30], $0x80, s20, s30, $0xb8;
	[tilespmem:$0x1E800] =	vst v63  }
0xfc: {  	_ =	swait.ge [sflag:s18], $0x2800  }
0xfd: {  	[sflag:s18] =	ssyncset.done $0x0  }
0xfe: {  	s6 =	simm.s32 @!p2 $0x11;
	s19 =	simm.s32 $0x480;
	[sflag:s18] =	ssyncadd.s32 $0xFFFFD800  }
0xff: {  	[spmem:s1] =	stream.indirect.scatter.add.f32 [tilespmem:s9], [sflag:$0xF], $0x80, s19, s30, $0xb8;
	[tilespmem:$0x1E800] =	vst v63  }
0x100: {  	_ =	swait.ge @!p2 [sflag:s6], $0x2800  }
0x101: {  	s4 =	simm.s32 $0x380;
	s22 =	rddreg [dreg:$0xb];
	[sflag:s6] =	ssyncset.done @!p2 $0x0  }
0x102: {  	s24 =	rddreg [dreg:$0xa];
	[sflag:s6] =	ssyncadd.s32 @!p2 $0xFFFFD800;
	s21 =	sadd.s32 s26, s22  }
0x103: {  	[tilespmem:s4], [sflag:$0x9] =	stream.linear.gather [hbm4b:s21+s2], $0x50, $0x38;
	[tilespmem:$0x1E800] =	vst v63  }
0x104: {  	s10 =	simm.s32 $0x5;
	s22 =	sadd.s32 s26, s24;
	s24 =	simm.s32 $0x780  }
0x105: {  	[tilespmem:s24], [sflag:$0x9] =	stream.linear.gather [hbm4b:s22+s2], $0x50, $0x38;
	[tilespmem:$0x1E800] =	vst v63  }
0x106: {  	_ =	swait.ge [sflag:s10], $0x50  }
0x107: {  	[sflag:s10] =	ssyncset.done $0x0  }
0x108: {  	[sflag:s10] =	ssyncadd.s32 $0xFFFFFFB0  }
0x109: {  	_ =	swait.ge [sflag:s10], $0x50  }
0x10a: {  	[sflag:s10] =	ssyncset.done $0x0  }
0x10b: {  	s21 =	simm.s32 $0x8000;
	s24 =	simm.s32 $0x180;
	[sflag:s10] =	ssyncadd.s32 $0xFFFFFFB0  }
0x10c: {  	[tilespmem:s21], [sflag:$0xD] =	stream.indirect.gather [hbm4b:s3+s30], $0x80, s24, s30, $0xb8;
	[tilespmem:$0x1E800] =	vst v63  }
0x10d: {  	_ =	swait.ge [sflag:s23], $0x2800  }
0x10e: {  	[sflag:s23] =	ssyncset.done $0x0  }
0x10f: {  	s11 =	simm.s32 $0xE;
	s22 =	simm.s32 $0x500;
	[sflag:s23] =	ssyncadd.s32 $0xFFFFD800  }
0x110: {  	[spmem:s1] =	stream.indirect.scatter.add.f32 [tilespmem:s17], [sflag:$0x10], $0x80, s22, s30, $0xb8;
	[tilespmem:$0x1E800] =	vst v63  }
0x111: {  	_ =	swait.ge [sflag:s11], $0x2800  }
0x112: {  	[sflag:s11] =	ssyncset.done $0x0  }
0x113: {  	s6 =	sshrl.u32 s28, $0x3;
	[sflag:s11] =	ssyncadd.s32 $0xFFFFD800;
	s11 =	rddreg [dreg:$0x12]  }
0x114: {  	s10 =	rddreg [dreg:$0x9];
	s6 =	sadd.s32 s11, s6  }
0x115: {  	[tilespmem:s2], [sflag:$0x2] =	stream.linear.gather [hbm4b:s6+s2], $0x50, $0x38;
	[tilespmem:$0x1E800] =	vst v63  }
0x116: {  	s11 =	sadd.s32 s26, s10  }
0x117: {  	[tilespmem:s15], [sflag:$0x2] =	stream.linear.gather [hbm4b:s11+s2], $0x50, $0x38;
	[tilespmem:$0x1E800] =	vst v63  }
0x118: {  	s15 =	simm.s32 $0x6  }
0x119: {  	_ =	swait.ge [sflag:s15], $0x50  }
0x11a: {  	[sflag:s15] =	ssyncset.done $0x0  }
0x11b: {  	[sflag:s15] =	ssyncadd.s32 $0xFFFFFFB0  }
0x11c: {  	_ =	swait.ge [sflag:s15], $0x50  }
0x11d: {  	[sflag:s15] =	ssyncset.done $0x0  }
0x11e: {  	[sflag:s15] =	ssyncadd.s32 $0xFFFFFFB0  }
0x11f: {  	[tilespmem:s13], [sflag:$0xA] =	stream.indirect.gather [hbm4b:s3+s30], $0x80, s31, s30, $0xb8;
	[tilespmem:$0x1E800] =	vst v63  }
0x120: {  	s31 =	simm.s32 $0xD  }
0x121: {  	_ =	swait.ge [sflag:s31], $0x2800  }
0x122: {  	[sflag:s31] =	ssyncset.done $0x0  }
0x123: {  	s6 =	simm.s32 $0xF;
	s11 =	simm.s32 $0x580;
	[sflag:s31] =	ssyncadd.s32 $0xFFFFD800  }
0x124: {  	[spmem:s1] =	stream.indirect.scatter.add.f32 [tilespmem:s21], [sflag:$0x11], $0x80, s11, s30, $0xb8;
	[tilespmem:$0x1E800] =	vst v63  }
0x125: {  	_ =	swait.ge [sflag:s6], $0x2800  }
0x126: {  	s10 =	rddreg [dreg:$0x8];
	[sflag:s6] =	ssyncset.done $0x0  }
0x127: {  	s31 =	rddreg [dreg:$0x7];
	[sflag:s6] =	ssyncadd.s32 $0xFFFFD800;
	s6 =	sadd.s32 s26, s10  }
0x128: {  	[tilespmem:s16], [sflag:$0x3] =	stream.linear.gather [hbm4b:s6+s2], $0x50, $0x38;
	[tilespmem:$0x1E800] =	vst v63  }
0x129: {  	s31 =	sadd.s32 s26, s31;
	s10 =	simm.s32 $0x7  }
0x12a: {  	[tilespmem:s19], [sflag:$0x3] =	stream.linear.gather [hbm4b:s31+s2], $0x50, $0x38;
	[tilespmem:$0x1E800] =	vst v63  }
0x12b: {  	_ =	swait.ge [sflag:s10], $0x50  }
0x12c: {  	[sflag:s10] =	ssyncset.done $0x0  }
0x12d: {  	[sflag:s10] =	ssyncadd.s32 $0xFFFFFFB0  }
0x12e: {  	_ =	swait.ge [sflag:s10], $0x50  }
0x12f: {  	[sflag:s10] =	ssyncset.done $0x0  }
0x130: {  	[sflag:s10] =	ssyncadd.s32 $0xFFFFFFB0  }
0x131: {  	[tilespmem:s9], [sflag:$0xB] =	stream.indirect.gather [hbm4b:s3+s30], $0x80, s29, s30, $0xb8;
	[tilespmem:$0x1E800] =	vst v63  }
0x132: {  	_ =	swait.ge [sflag:s12], $0x2800  }
0x133: {  	[sflag:s12] =	ssyncset.done $0x0  }
0x134: {  	[sflag:s12] =	ssyncadd.s32 $0xFFFFD800;
	s12 =	simm.s32 $0x10  }
0x135: {  	[spmem:s1] =	stream.indirect.scatter.add.f32 [tilespmem:s13], [sflag:$0xE], $0x80, s8, s30, $0xb8;
	[tilespmem:$0x1E800] =	vst v63  }
0x136: {  	_ =	swait.ge [sflag:s12], $0x2800  }
0x137: {  	s13 =	rddreg [dreg:$0x6];
	[sflag:s12] =	ssyncset.done $0x0  }
0x138: {  	s15 =	rddreg [dreg:$0x5];
	[sflag:s12] =	ssyncadd.s32 $0xFFFFD800;
	s6 =	sadd.s32 s26, s13  }
0x139: {  	[tilespmem:s20], [sflag:$0x4] =	stream.linear.gather [hbm4b:s6+s2], $0x50, $0x38;
	[tilespmem:$0x1E800] =	vst v63  }
0x13a: {  	s19 =	simm.s32 $0x8;
	s16 =	sadd.s32 s26, s15  }
0x13b: {  	[tilespmem:s22], [sflag:$0x4] =	stream.linear.gather [hbm4b:s16+s2], $0x50, $0x38;
	[tilespmem:$0x1E800] =	vst v63  }
0x13c: {  	_ =	swait.ge [sflag:s19], $0x50  }
0x13d: {  	[sflag:s19] =	ssyncset.done $0x0  }
0x13e: {  	[sflag:s19] =	ssyncadd.s32 $0xFFFFFFB0  }
0x13f: {  	_ =	swait.ge [sflag:s19], $0x50  }
0x140: {  	[sflag:s19] =	ssyncset.done $0x0  }
0x141: {  	[sflag:s19] =	ssyncadd.s32 $0xFFFFFFB0  }
0x142: {  	[tilespmem:s17], [sflag:$0xC] =	stream.indirect.gather [hbm4b:s3+s30], $0x80, s14, s30, $0xb8;
	[tilespmem:$0x1E800] =	vst v63  }
0x143: {  	_ =	swait.ge [sflag:s18], $0x2800  }
0x144: {  	[sflag:s18] =	ssyncset.done $0x0  }
0x145: {  	s20 =	simm.s32 $0x11;
	[sflag:s18] =	ssyncadd.s32 $0xFFFFD800  }
0x146: {  	[spmem:s1] =	stream.indirect.scatter.add.f32 [tilespmem:s9], [sflag:$0xF], $0x80, s7, s30, $0xb8;
	[tilespmem:$0x1E800] =	vst v63  }
0x147: {  	_ =	swait.ge [sflag:s20], $0x2800  }
0x148: {  	s22 =	rddreg [dreg:$0x4];
	[sflag:s20] =	ssyncset.done $0x0  }
0x149: {  	s29 =	rddreg [dreg:$0x3];
	[sflag:s20] =	ssyncadd.s32 $0xFFFFD800;
	s6 =	sadd.s32 s26, s22  }
0x14a: {  	[tilespmem:s24], [sflag:$0x5] =	stream.linear.gather [hbm4b:s6+s2], $0x50, $0x38;
	[tilespmem:$0x1E800] =	vst v63  }
0x14b: {  	s31 =	sadd.s32 s26, s29  }
0x14c: {  	[tilespmem:s11], [sflag:$0x5] =	stream.linear.gather [hbm4b:s31+s2], $0x50, $0x38;
	[tilespmem:$0x1E800] =	vst v63  }
0x14d: {  	_ =	swait.ge [sflag:s25], $0x50  }
0x14e: {  	[sflag:s25] =	ssyncset.done $0x0  }
0x14f: {  	s5 =	smov.u32 s0;
	s0 =	sadd.s32 $0x50, s0;
	[sflag:s25] =	ssyncadd.s32 $0xFFFFFFB0  }
0x150: {  	p1 =	sne.s32 s0, $0x4B0;
	_ =	swait.ge [sflag:s25], $0x50  }
.Ltmp0:
0x151: {  	[sflag:s25] =	ssyncset.done $0x0;
	(pc) =	sbr.rel @p1 .LBB2_2-.Ltmp0, $4  }
0x152: {  	[sflag:s25] =	ssyncadd.s32 $0xFFFFFFB0  }
0x153: {  	[tilespmem:s21], [sflag:$0xD] =	stream.indirect.gather [hbm4b:s3+s30], $0x80, s4, s30, $0xb8;
	[tilespmem:$0x1E800] =	vst v63  }
0x154: {  	s26 =	smov.u32 s5;
	_ =	swait.ge [sflag:s23], $0x2800  }
0x155: {  	s28 =	sadd.s32 $0x280, s28;
	p2 =	seq.s32 s26, $0x0;
	[sflag:s23] =	ssyncset.done $0x0  }
0x156: {  	s0 =	simm.s32 @!p2 $0xE;
	s23 =	simm.s32 $0xC  }
0x157: {  	s4 =	simm.s32 $0x700;
	s17 =	simm.s32 $0x5800;
	[sflag:s23] =	ssyncadd.s32 $0xFFFFD800  }
0x158: {  	[spmem:s1] =	stream.indirect.scatter.add.f32 [tilespmem:s17], [sflag:$0x10], $0x80, s4, s30, $0xb8;
	[tilespmem:$0x1E800] =	vst v63  }
0x159: {  	_ =	swait.ge @!p2 [sflag:s0], $0x2800  }
0x15a: {  	s9 =	simm.s32 $0x200;
	s5 =	rddreg [dreg:$0x11];
	[sflag:s0] =	ssyncset.done @!p2 $0x0  }
0x15b: {  	s6 =	rddreg [dreg:$0x10];
	[sflag:s0] =	ssyncadd.s32 @!p2 $0xFFFFD800;
	s8 =	sadd.s32 s26, s5  }
0x15c: {  	[tilespmem:s9], [sflag:$0x6] =	stream.linear.gather [hbm4b:s8+s2], $0x50, $0x38;
	[tilespmem:$0x1E800] =	vst v63  }
0x15d: {  	s11 =	simm.s32 $0x600;
	s29 =	simm.s32 $0x2;
	s10 =	sadd.s32 s26, s6  }
0x15e: {  	[tilespmem:s11], [sflag:$0x6] =	stream.linear.gather [hbm4b:s10+s2], $0x50, $0x38;
	[tilespmem:$0x1E800] =	vst v63  }
0x15f: {  	_ =	swait.ge [sflag:s29], $0x50  }
0x160: {  	[sflag:s29] =	ssyncset.done $0x0  }
0x161: {  	[sflag:s29] =	ssyncadd.s32 $0xFFFFFFB0  }
0x162: {  	_ =	swait.ge [sflag:s29], $0x50  }
0x163: {  	[sflag:s29] =	ssyncset.done $0x0  }
0x164: {  	s16 =	simm.s32 $0x800;
	s0 =	simm.s32 @!p2 $0xD;
	[sflag:s29] =	ssyncadd.s32 $0xFFFFFFB0  }
0x165: {  	[tilespmem:s16], [sflag:$0xA] =	stream.indirect.gather [hbm4b:s3+s30], $0x80, s2, s30, $0xb8;
	[tilespmem:$0x1E800] =	vst v63  }
0x166: {  	_ =	swait.ge @!p2 [sflag:s0], $0x2800  }
0x167: {  	s5 =	simm.s32 @!p2 $0x8000;
	[sflag:s0] =	ssyncset.done @!p2 $0x0  }
0x168: {  	s6 =	simm.s32 @!p2 $0x780;
	[sflag:s0] =	ssyncadd.s32 @!p2 $0xFFFFD800;
	s0 =	simm.s32 @!p2 $0x50  }
0x169: {  	[spmem:s1] =	stream.indirect.scatter.add.f32 @!p2 [tilespmem:s5], [sflag:$0x11], $0x80, s6, s0, $0xb8;
	[tilespmem:$0x1E800] =	vst v63  }
0x16a: {  	s0 =	simm.s32 @!p2 $0xF  }
0x16b: {  	_ =	swait.ge @!p2 [sflag:s0], $0x2800  }
0x16c: {  	s15 =	simm.s32 $0x280;
	s12 =	rddreg [dreg:$0xf];
	[sflag:s0] =	ssyncset.done @!p2 $0x0  }
0x16d: {  	s13 =	rddreg [dreg:$0xe];
	[sflag:s0] =	ssyncadd.s32 @!p2 $0xFFFFD800;
	s14 =	sadd.s32 s26, s12  }
0x16e: {  	[tilespmem:s15], [sflag:$0x7] =	stream.linear.gather [hbm4b:s14+s2], $0x50, $0x38;
	[tilespmem:$0x1E800] =	vst v63  }
0x16f: {  	s19 =	simm.s32 $0x680;
	s31 =	simm.s32 $0x3;
	s18 =	sadd.s32 s26, s13  }
0x170: {  	[tilespmem:s19], [sflag:$0x7] =	stream.linear.gather [hbm4b:s18+s2], $0x50, $0x38;
	[tilespmem:$0x1E800] =	vst v63  }
0x171: {  	_ =	swait.ge [sflag:s31], $0x50  }
0x172: {  	[sflag:s31] =	ssyncset.done $0x0  }
0x173: {  	[sflag:s31] =	ssyncadd.s32 $0xFFFFFFB0  }
0x174: {  	_ =	swait.ge [sflag:s31], $0x50  }
0x175: {  	s20 =	simm.s32 $0x80;
	[sflag:s31] =	ssyncset.done $0x0  }
0x176: {  	s9 =	simm.s32 $0xA;
	s13 =	simm.s32 $0x3000;
	[sflag:s31] =	ssyncadd.s32 $0xFFFFFFB0  }
0x177: {  	[tilespmem:s13], [sflag:$0xB] =	stream.indirect.gather [hbm4b:s3+s30], $0x80, s20, s30, $0xb8;
	[tilespmem:$0x1E800] =	vst v63  }
0x178: {  	_ =	swait.ge [sflag:s9], $0x2800  }
0x179: {  	[sflag:s9] =	ssyncset.done $0x0  }
0x17a: {  	s21 =	simm.s32 $0x400;
	s0 =	simm.s32 @!p2 $0x10;
	[sflag:s9] =	ssyncadd.s32 $0xFFFFD800  }
0x17b: {  	[spmem:s1] =	stream.indirect.scatter.add.f32 [tilespmem:s16], [sflag:$0xE], $0x80, s21, s30, $0xb8;
	[tilespmem:$0x1E800] =	vst v63  }
0x17c: {  	_ =	swait.ge @!p2 [sflag:s0], $0x2800  }
0x17d: {  	s14 =	simm.s32 $0x300;
	s22 =	rddreg [dreg:$0xd];
	[sflag:s0] =	ssyncset.done @!p2 $0x0  }
0x17e: {  	s24 =	rddreg [dreg:$0xc];
	[sflag:s0] =	ssyncadd.s32 @!p2 $0xFFFFD800;
	s4 =	sadd.s32 s26, s22  }
0x17f: {  	[tilespmem:s14], [sflag:$0x8] =	stream.linear.gather [hbm4b:s4+s2], $0x50, $0x38;
	[tilespmem:$0x1E800] =	vst v63  }
0x180: {  	s7 =	simm.s32 $0x700;
	s12 =	simm.s32 $0x4;
	s5 =	sadd.s32 s26, s24  }
0x181: {  	[tilespmem:s7], [sflag:$0x8] =	stream.linear.gather [hbm4b:s5+s2], $0x50, $0x38;
	[tilespmem:$0x1E800] =	vst v63  }
0x182: {  	_ =	swait.ge [sflag:s12], $0x50  }
0x183: {  	[sflag:s12] =	ssyncset.done $0x0  }
0x184: {  	[sflag:s12] =	ssyncadd.s32 $0xFFFFFFB0  }
0x185: {  	_ =	swait.ge [sflag:s12], $0x50  }
0x186: {  	[sflag:s12] =	ssyncset.done $0x0  }
0x187: {  	s6 =	simm.s32 $0x100;
	s18 =	simm.s32 $0xB;
	[sflag:s12] =	ssyncadd.s32 $0xFFFFFFB0  }
0x188: {  	[tilespmem:s17], [sflag:$0xC] =	stream.indirect.gather [hbm4b:s3+s30], $0x80, s6, s30, $0xb8;
	[tilespmem:$0x1E800] =	vst v63  }
0x189: {  	_ =	swait.ge [sflag:s18], $0x2800  }
0x18a: {  	[sflag:s18] =	ssyncset.done $0x0  }
0x18b: {  	s0 =	simm.s32 @!p2 $0x11;
	s7 =	simm.s32 $0x480;
	[sflag:s18] =	ssyncadd.s32 $0xFFFFD800  }
0x18c: {  	[spmem:s1] =	stream.indirect.scatter.add.f32 [tilespmem:s13], [sflag:$0xF], $0x80, s7, s30, $0xb8;
	[tilespmem:$0x1E800] =	vst v63  }
0x18d: {  	_ =	swait.ge @!p2 [sflag:s0], $0x2800  }
0x18e: {  	s21 =	simm.s32 $0x380;
	s11 =	rddreg [dreg:$0xb];
	[sflag:s0] =	ssyncset.done @!p2 $0x0  }
0x18f: {  	s20 =	rddreg [dreg:$0xa];
	[sflag:s0] =	ssyncadd.s32 @!p2 $0xFFFFD800;
	s22 =	sadd.s32 s26, s11  }
0x190: {  	[tilespmem:s21], [sflag:$0x9] =	stream.linear.gather [hbm4b:s22+s2], $0x50, $0x38;
	[tilespmem:$0x1E800] =	vst v63  }
0x191: {  	s5 =	simm.s32 $0x780;
	s4 =	sadd.s32 s26, s20  }
0x192: {  	[tilespmem:s5], [sflag:$0x9] =	stream.linear.gather [hbm4b:s4+s2], $0x50, $0x38;
	[tilespmem:$0x1E800] =	vst v63  }
0x193: {  	s4 =	simm.s32 $0x5  }
0x194: {  	_ =	swait.ge [sflag:s4], $0x50  }
0x195: {  	[sflag:s4] =	ssyncset.done $0x0  }
0x196: {  	[sflag:s4] =	ssyncadd.s32 $0xFFFFFFB0  }
0x197: {  	_ =	swait.ge [sflag:s4], $0x50  }
0x198: {  	[sflag:s4] =	ssyncset.done $0x0  }
0x199: {  	s20 =	simm.s32 $0x180;
	s11 =	simm.s32 $0x8000;
	[sflag:s4] =	ssyncadd.s32 $0xFFFFFFB0  }
0x19a: {  	[tilespmem:s11], [sflag:$0xD] =	stream.indirect.gather [hbm4b:s3+s30], $0x80, s20, s30, $0xb8;
	[tilespmem:$0x1E800] =	vst v63  }
0x19b: {  	_ =	swait.ge [sflag:s23], $0x2800  }
0x19c: {  	[sflag:s23] =	ssyncset.done $0x0  }
0x19d: {  	s7 =	simm.s32 $0xE;
	s22 =	simm.s32 $0x500;
	[sflag:s23] =	ssyncadd.s32 $0xFFFFD800  }
0x19e: {  	[spmem:s1] =	stream.indirect.scatter.add.f32 [tilespmem:s17], [sflag:$0x10], $0x80, s22, s30, $0xb8;
	[tilespmem:$0x1E800] =	vst v63  }
0x19f: {  	_ =	swait.ge [sflag:s7], $0x2800  }
0x1a0: {  	s6 =	sshrl.u32 s28, $0x3;
	[sflag:s7] =	ssyncset.done $0x0;
	s28 =	rddreg [dreg:$0x12]  }
0x1a1: {  	s5 =	rddreg [dreg:$0x9];
	[sflag:s7] =	ssyncadd.s32 $0xFFFFD800;
	s0 =	sadd.s32 s28, s6  }
0x1a2: {  	[tilespmem:s2], [sflag:$0x2] =	stream.linear.gather [hbm4b:s0+s2], $0x50, $0x38;
	[tilespmem:$0x1E800] =	vst v63  }
0x1a3: {  	s19 =	simm.s32 $0x400;
	s28 =	sadd.s32 s26, s5  }
0x1a4: {  	[tilespmem:s19], [sflag:$0x2] =	stream.linear.gather [hbm4b:s28+s2], $0x50, $0x38;
	[tilespmem:$0x1E800] =	vst v63  }
0x1a5: {  	s28 =	simm.s32 $0x6  }
0x1a6: {  	_ =	swait.ge [sflag:s28], $0x50  }
0x1a7: {  	[sflag:s28] =	ssyncset.done $0x0  }
0x1a8: {  	[sflag:s28] =	ssyncadd.s32 $0xFFFFFFB0  }
0x1a9: {  	_ =	swait.ge [sflag:s28], $0x50  }
0x1aa: {  	[sflag:s28] =	ssyncset.done $0x0  }
0x1ab: {  	s8 =	simm.s32 $0x200;
	s6 =	simm.s32 $0xD;
	[sflag:s28] =	ssyncadd.s32 $0xFFFFFFB0  }
0x1ac: {  	[tilespmem:s16], [sflag:$0xA] =	stream.indirect.gather [hbm4b:s3+s30], $0x80, s8, s30, $0xb8;
	[tilespmem:$0x1E800] =	vst v63  }
0x1ad: {  	_ =	swait.ge [sflag:s6], $0x2800  }
0x1ae: {  	[sflag:s6] =	ssyncset.done $0x0  }
0x1af: {  	s19 =	simm.s32 $0x580;
	s8 =	simm.s32 $0xF;
	[sflag:s6] =	ssyncadd.s32 $0xFFFFD800  }
0x1b0: {  	[spmem:s1] =	stream.indirect.scatter.add.f32 [tilespmem:s11], [sflag:$0x11], $0x80, s19, s30, $0xb8;
	[tilespmem:$0x1E800] =	vst v63  }
0x1b1: {  	_ =	swait.ge [sflag:s8], $0x2800  }
0x1b2: {  	s10 =	simm.s32 $0x80;
	s0 =	rddreg [dreg:$0x8];
	[sflag:s8] =	ssyncset.done $0x0  }
0x1b3: {  	s5 =	rddreg [dreg:$0x7];
	[sflag:s8] =	ssyncadd.s32 $0xFFFFD800;
	s0 =	sadd.s32 s26, s0  }
0x1b4: {  	[tilespmem:s10], [sflag:$0x3] =	stream.linear.gather [hbm4b:s0+s2], $0x50, $0x38;
	[tilespmem:$0x1E800] =	vst v63  }
0x1b5: {  	s24 =	simm.s32 $0x480;
	s5 =	sadd.s32 s26, s5;
	s10 =	simm.s32 $0x7  }
0x1b6: {  	[tilespmem:s24], [sflag:$0x3] =	stream.linear.gather [hbm4b:s5+s2], $0x50, $0x38;
	[tilespmem:$0x1E800] =	vst v63  }
0x1b7: {  	_ =	swait.ge [sflag:s10], $0x50  }
0x1b8: {  	[sflag:s10] =	ssyncset.done $0x0  }
0x1b9: {  	[sflag:s10] =	ssyncadd.s32 $0xFFFFFFB0  }
0x1ba: {  	_ =	swait.ge [sflag:s10], $0x50  }
0x1bb: {  	[sflag:s10] =	ssyncset.done $0x0  }
0x1bc: {  	[sflag:s10] =	ssyncadd.s32 $0xFFFFFFB0  }
0x1bd: {  	[tilespmem:s13], [sflag:$0xB] =	stream.indirect.gather [hbm4b:s3+s30], $0x80, s15, s30, $0xb8;
	[tilespmem:$0x1E800] =	vst v63  }
0x1be: {  	_ =	swait.ge [sflag:s9], $0x2800  }
0x1bf: {  	[sflag:s9] =	ssyncset.done $0x0  }
0x1c0: {  	s10 =	simm.s32 $0x600;
	s15 =	simm.s32 $0x10;
	[sflag:s9] =	ssyncadd.s32 $0xFFFFD800  }
0x1c1: {  	[spmem:s1] =	stream.indirect.scatter.add.f32 [tilespmem:s16], [sflag:$0xE], $0x80, s10, s30, $0xb8;
	[tilespmem:$0x1E800] =	vst v63  }
0x1c2: {  	_ =	swait.ge [sflag:s15], $0x2800  }
0x1c3: {  	s24 =	rddreg [dreg:$0x6]  }
0x1c4: {  	[sflag:s15] =	ssyncset.done $0x0;
	s5 =	rddreg [dreg:$0x5]  }
0x1c5: {  	[sflag:s15] =	ssyncadd.s32 $0xFFFFD800;
	s0 =	sadd.s32 s26, s24;
	s24 =	simm.s32 $0x100  }
0x1c6: {  	[tilespmem:s24], [sflag:$0x4] =	stream.linear.gather [hbm4b:s0+s2], $0x50, $0x38;
	[tilespmem:$0x1E800] =	vst v63  }
0x1c7: {  	s24 =	sadd.s32 s26, s5;
	s5 =	simm.s32 $0x8  }
0x1c8: {  	[tilespmem:s22], [sflag:$0x4] =	stream.linear.gather [hbm4b:s24+s2], $0x50, $0x38;
	[tilespmem:$0x1E800] =	vst v63  }
0x1c9: {  	_ =	swait.ge [sflag:s5], $0x50  }
0x1ca: {  	[sflag:s5] =	ssyncset.done $0x0  }
0x1cb: {  	[sflag:s5] =	ssyncadd.s32 $0xFFFFFFB0  }
0x1cc: {  	_ =	swait.ge [sflag:s5], $0x50  }
0x1cd: {  	[sflag:s5] =	ssyncset.done $0x0  }
0x1ce: {  	[sflag:s5] =	ssyncadd.s32 $0xFFFFFFB0  }
0x1cf: {  	[tilespmem:s17], [sflag:$0xC] =	stream.indirect.gather [hbm4b:s3+s30], $0x80, s14, s30, $0xb8;
	[tilespmem:$0x1E800] =	vst v63  }
0x1d0: {  	_ =	swait.ge [sflag:s18], $0x2800  }
0x1d1: {  	[sflag:s18] =	ssyncset.done $0x0  }
0x1d2: {  	s24 =	simm.s32 $0x680;
	s14 =	simm.s32 $0x11;
	[sflag:s18] =	ssyncadd.s32 $0xFFFFD800  }
0x1d3: {  	[spmem:s1] =	stream.indirect.scatter.add.f32 [tilespmem:s13], [sflag:$0xF], $0x80, s24, s30, $0xb8;
	[tilespmem:$0x1E800] =	vst v63  }
0x1d4: {  	_ =	swait.ge [sflag:s14], $0x2800  }
0x1d5: {  	s5 =	rddreg [dreg:$0x4];
	[sflag:s14] =	ssyncset.done $0x0  }
0x1d6: {  	s24 =	rddreg [dreg:$0x3];
	[sflag:s14] =	ssyncadd.s32 $0xFFFFD800;
	s0 =	sadd.s32 s26, s5  }
0x1d7: {  	[tilespmem:s20], [sflag:$0x5] =	stream.linear.gather [hbm4b:s0+s2], $0x50, $0x38;
	[tilespmem:$0x1E800] =	vst v63  }
0x1d8: {  	s5 =	sadd.s32 s26, s24  }
0x1d9: {  	[tilespmem:s19], [sflag:$0x5] =	stream.linear.gather [hbm4b:s5+s2], $0x50, $0x38;
	[tilespmem:$0x1E800] =	vst v63  }
0x1da: {  	_ =	swait.ge [sflag:s25], $0x50  }
0x1db: {  	[sflag:s25] =	ssyncset.done $0x0  }
0x1dc: {  	[sflag:s25] =	ssyncadd.s32 $0xFFFFFFB0  }
0x1dd: {  	_ =	swait.ge [sflag:s25], $0x50  }
0x1de: {  	[sflag:s25] =	ssyncset.done $0x0  }
0x1df: {  	[sflag:s25] =	ssyncadd.s32 $0xFFFFFFB0  }
0x1e0: {  	[tilespmem:s11], [sflag:$0xD] =	stream.indirect.gather [hbm4b:s3+s30], $0x80, s21, s30, $0xb8;
	[tilespmem:$0x1E800] =	vst v63  }
0x1e1: {  	_ =	swait.ge [sflag:s23], $0x2800  }
0x1e2: {  	[sflag:s23] =	ssyncset.done $0x0  }
0x1e3: {  	s21 =	simm.s32 $0x700;
	[sflag:s23] =	ssyncadd.s32 $0xFFFFD800  }
0x1e4: {  	[spmem:s1] =	stream.indirect.scatter.add.f32 [tilespmem:s17], [sflag:$0x10], $0x80, s21, s30, $0xb8;
	[tilespmem:$0x1E800] =	vst v63  }
0x1e5: {  	_ =	swait.ge [sflag:s7], $0x2800  }
0x1e6: {  	[sflag:s7] =	ssyncset.done $0x0  }
0x1e7: {  	s5 =	simm.s32 $0x200;
	s26 =	rddreg [dreg:$0x1c];
	[sflag:s7] =	ssyncadd.s32 $0xFFFFD800  }
0x1e8: {  	[tilespmem:s5], [sflag:$0x6] =	stream.linear.gather [hbm4b:s26+s2], $0x50, $0x38;
	[tilespmem:$0x1E800] =	vst v63  }
0x1e9: {  	s21 =	rddreg [dreg:$0x1d]  }
0x1ea: {  	[tilespmem:s10], [sflag:$0x6] =	stream.linear.gather [hbm4b:s21+s2], $0x50, $0x38;
	[tilespmem:$0x1E800] =	vst v63  }
0x1eb: {  	_ =	swait.ge [sflag:s29], $0x50  }
0x1ec: {  	[sflag:s29] =	ssyncset.done $0x0  }
0x1ed: {  	[sflag:s29] =	ssyncadd.s32 $0xFFFFFFB0  }
0x1ee: {  	_ =	swait.ge [sflag:s29], $0x50  }
0x1ef: {  	[sflag:s29] =	ssyncset.done $0x0  }
0x1f0: {  	[sflag:s29] =	ssyncadd.s32 $0xFFFFFFB0  }
0x1f1: {  	[tilespmem:s16], [sflag:$0xA] =	stream.indirect.gather [hbm4b:s3+s30], $0x80, s2, s30, $0xb8;
	[tilespmem:$0x1E800] =	vst v63  }
0x1f2: {  	_ =	swait.ge [sflag:s6], $0x2800  }
0x1f3: {  	[sflag:s6] =	ssyncset.done $0x0  }
0x1f4: {  	s26 =	simm.s32 $0x780;
	[sflag:s6] =	ssyncadd.s32 $0xFFFFD800  }
0x1f5: {  	[spmem:s1] =	stream.indirect.scatter.add.f32 [tilespmem:s11], [sflag:$0x11], $0x80, s26, s30, $0xb8;
	[tilespmem:$0x1E800] =	vst v63  }
0x1f6: {  	_ =	swait.ge [sflag:s8], $0x2800  }
0x1f7: {  	[sflag:s8] =	ssyncset.done $0x0  }
0x1f8: {  	[sflag:s8] =	ssyncadd.s32 $0xFFFFD800  }
0x1f9: {  	_ =	swait.ge [sflag:s31], $0x50  }
0x1fa: {  	[sflag:s31] =	ssyncset.done $0x0  }
0x1fb: {  	[sflag:s31] =	ssyncadd.s32 $0xFFFFFFB0  }
0x1fc: {  	_ =	swait.ge [sflag:s31], $0x50  }
0x1fd: {  	[sflag:s31] =	ssyncset.done $0x0  }
0x1fe: {  	s29 =	simm.s32 $0x80;
	[sflag:s31] =	ssyncadd.s32 $0xFFFFFFB0  }
0x1ff: {  	[tilespmem:s13], [sflag:$0xB] =	stream.indirect.gather [hbm4b:s3+s30], $0x80, s29, s30, $0xb8;
	[tilespmem:$0x1E800] =	vst v63  }
0x200: {  	_ =	swait.ge [sflag:s9], $0x2800  }
0x201: {  	[sflag:s9] =	ssyncset.done $0x0  }
0x202: {  	s31 =	simm.s32 $0x400;
	[sflag:s9] =	ssyncadd.s32 $0xFFFFD800  }
0x203: {  	[spmem:s1] =	stream.indirect.scatter.add.f32 [tilespmem:s16], [sflag:$0xE], $0x80, s31, s30, $0xb8;
	[tilespmem:$0x1E800] =	vst v63  }
0x204: {  	_ =	swait.ge [sflag:s15], $0x2800  }
0x205: {  	[sflag:s15] =	ssyncset.done $0x0  }
0x206: {  	[sflag:s15] =	ssyncadd.s32 $0xFFFFD800  }
0x207: {  	_ =	swait.ge [sflag:s12], $0x50  }
0x208: {  	[sflag:s12] =	ssyncset.done $0x0  }
0x209: {  	[sflag:s12] =	ssyncadd.s32 $0xFFFFFFB0  }
0x20a: {  	_ =	swait.ge [sflag:s12], $0x50  }
0x20b: {  	[sflag:s12] =	ssyncset.done $0x0  }
0x20c: {  	s21 =	simm.s32 $0x100;
	[sflag:s12] =	ssyncadd.s32 $0xFFFFFFB0  }
0x20d: {  	[tilespmem:s17], [sflag:$0xC] =	stream.indirect.gather [hbm4b:s3+s30], $0x80, s21, s30, $0xb8;
	[tilespmem:$0x1E800] =	vst v63  }
0x20e: {  	_ =	swait.ge [sflag:s18], $0x2800  }
0x20f: {  	[sflag:s18] =	ssyncset.done $0x0  }
0x210: {  	s26 =	simm.s32 $0x480;
	[sflag:s18] =	ssyncadd.s32 $0xFFFFD800  }
0x211: {  	[spmem:s1] =	stream.indirect.scatter.add.f32 [tilespmem:s13], [sflag:$0xF], $0x80, s26, s30, $0xb8;
	[tilespmem:$0x1E800] =	vst v63  }
0x212: {  	_ =	swait.ge [sflag:s14], $0x2800  }
0x213: {  	[sflag:s14] =	ssyncset.done $0x0  }
0x214: {  	[sflag:s14] =	ssyncadd.s32 $0xFFFFD800  }
0x215: {  	_ =	swait.ge [sflag:s4], $0x50  }
0x216: {  	[sflag:s4] =	ssyncset.done $0x0  }
0x217: {  	[sflag:s4] =	ssyncadd.s32 $0xFFFFFFB0  }
0x218: {  	_ =	swait.ge [sflag:s4], $0x50  }
0x219: {  	[sflag:s4] =	ssyncset.done $0x0  }
0x21a: {  	[sflag:s4] =	ssyncadd.s32 $0xFFFFFFB0  }
0x21b: {  	[tilespmem:s11], [sflag:$0xD] =	stream.indirect.gather [hbm4b:s3+s30], $0x80, s20, s30, $0xb8;
	[tilespmem:$0x1E800] =	vst v63  }
0x21c: {  	_ =	swait.ge [sflag:s23], $0x2800  }
0x21d: {  	[sflag:s23] =	ssyncset.done $0x0  }
0x21e: {  	[sflag:s23] =	ssyncadd.s32 $0xFFFFD800  }
0x21f: {  	[spmem:s1] =	stream.indirect.scatter.add.f32 [tilespmem:s17], [sflag:$0x10], $0x80, s22, s30, $0xb8;
	[tilespmem:$0x1E800] =	vst v63  }
0x220: {  	_ =	swait.ge [sflag:s7], $0x2800  }
0x221: {  	[sflag:s7] =	ssyncset.done $0x0  }
0x222: {  	[sflag:s7] =	ssyncadd.s32 $0xFFFFD800  }
0x223: {  	_ =	swait.ge [sflag:s28], $0x50  }
0x224: {  	[sflag:s28] =	ssyncset.done $0x0  }
0x225: {  	[sflag:s28] =	ssyncadd.s32 $0xFFFFFFB0  }
0x226: {  	_ =	swait.ge [sflag:s28], $0x50  }
0x227: {  	[sflag:s28] =	ssyncset.done $0x0  }
0x228: {  	[sflag:s28] =	ssyncadd.s32 $0xFFFFFFB0  }
0x229: {  	[tilespmem:s16], [sflag:$0xA] =	stream.indirect.gather [hbm4b:s3+s30], $0x80, s5, s30, $0xb8;
	[tilespmem:$0x1E800] =	vst v63  }
0x22a: {  	_ =	swait.ge [sflag:s6], $0x2800  }
0x22b: {  	[sflag:s6] =	ssyncset.done $0x0  }
0x22c: {  	[sflag:s6] =	ssyncadd.s32 $0xFFFFD800  }
0x22d: {  	[spmem:s1] =	stream.indirect.scatter.add.f32 [tilespmem:s11], [sflag:$0x11], $0x80, s19, s30, $0xb8;
	[tilespmem:$0x1E800] =	vst v63  }
0x22e: {  	_ =	swait.ge [sflag:s9], $0x2800  }
0x22f: {  	[sflag:s9] =	ssyncset.done $0x0  }
0x230: {  	s0 =	simm.s32 $0x600;
	[sflag:s9] =	ssyncadd.s32 $0xFFFFD800  }
0x231: {  	[spmem:s1] =	stream.indirect.scatter.add.f32 [tilespmem:s16], [sflag:$0xE], $0x80, s0, s30, $0xb8;
	[tilespmem:$0x1E800] =	vst v63  }
0x232: {  	_ =	swait.ge [sflag:s8], $0x2800  }
0x233: {  	[sflag:s8] =	ssyncset.done $0x0  }
0x234: {  	[sflag:s8] =	ssyncadd.s32 $0xFFFFD800  }
0x235: {  	_ =	swait.ge [sflag:s15], $0x2800  }
0x236: {  	[sflag:s15] =	ssyncset.done $0x0  }
0x237: {  	[sflag:s15] =	ssyncadd.s32 $0xFFFFD800  }
0x238: {  	_ =	swait.ge [sflag:s14], $0x2800  }
0x239: {  	[sflag:s14] =	ssyncset.done $0x0  }
0x23a: {  	[sflag:s14] =	ssyncadd.s32 $0xFFFFD800  }
0x23b: {  	_ =	swait.ge [sflag:s7], $0x2800  }
0x23c: {  	[sflag:s7] =	ssyncset.done $0x0  }
0x23d: {  	[sflag:s7] =	ssyncadd.s32 $0xFFFFD800  }
0x23e: {  	[bflag:$0x0] =	sbarrier.arrive $0xFFFF  }
0x23f: {  	s4 =	sld [smem:$0x7FC];
	_ =	sdelay $0x1  }
0x240: {  	s0 =	simm.s32 @!p0 $0x1C12;
	s5 =	rddreg [dreg:$0x1e]  }
0x241: {  	[hbm:s5], [sflag:s0] =	dma.local @!p0 [spmem:s4], $0x28000  }
0x242: {  	s0 =	simm.s32 @!p0 $0x12  }
0x243: {  	_ =	swait.ge @!p0 [sflag:s0], $0x28000  }
0x244: {  	s29 =	sld [smem:$0x7FB];
	_ =	sdelay $0x2  }
0x245: {  	s31 =	rddreg [dreg:$0x1f];
	s4 =	sadd.s32 $0x1, s29  }
0x246: {  	p1 =	sne.s32 s4, s31  }
.Ltmp1:
0x247: {  	_ = 	snop;
	(pc) =	sbr.rel @p1 .LBB2_1-.Ltmp1, $3  }
0x248: {  	_ =	sdelay $0x1  }
0x249: {  	[sflag:s0] =	ssyncset.done @!p0 $0x0  }
0x24a: {  	s24 =	simm.s32 $0x700;
	[sflag:s0] =	ssyncadd.s32 @!p0 $0xFFFD8000  }
0x24b: {  	_ =	sfence.sel $0x180000  }
0x24c: {  	[bflag:$0x0] =	sbarrier.arrive $0xFFFF  }
0x24d: {  	_ =	strace $0x9000004A  }
0x24e: {  	[bflag:$0x2] =	sbarrier.arrive $0xFFFF  }
0x24f: {  	s0 =	rddreg [dreg:$0x2]  }
0x250: {  	s0 =	sadd.s32 @!p0 $0x100000, s0  }
0x251: {  	[sflag:s0] =	ssyncadd.tile.s32 @!p0 $0x1;
	_ =	shalt  }
.Lfunc_end2:
_tile_overlayer_lowered:
.L_overlay_start_2:
0x252: {  	(tag) =	ssettag $0x2  }
0x253: {  	s0 =	rddreg [dreg:$0x0];
	s2 =	stileid.u32  }
0x254: {  	s1 =	rddreg [dreg:$0x1];
	p0 =	sne.s32 s2, $0x0  }
0x255: {  	s3 =	rddreg [dreg:$0x2];
	[bflag:$0x3] =	sbarrier.arrive $0xFFFF;
	s2 =	simm.s32 @!p0 $0x1C12  }
0x256: {  	[timem:s3], [sflag:s2] =	dma.local @!p0 [hbm:s0], s1  }
0x257: {  	s0 =	simm.s32 @!p0 $0x12  }
0x258: {  	_ =	swait.ge @!p0 [sflag:s0], s1  }
0x259: {  	s1 =	ssub.s32 @!p0 $0x0, s1;
	[sflag:s0] =	ssyncset.done @!p0 $0x0  }
0x25a: {  	[sflag:s0] =	ssyncadd.s32 @!p0 s1  }
0x25b: {  	[bflag:$0x3] =	sbarrier.arrive $0xFFFF  }
0x25c: {  	_ =	shalt  }

</sc_bundles>
